<compile_context>
chip_gen: v7x
topology: tpu7x:2x2x1
jax: 0.10.2.dev20260603
libtpu: 0.0.44.dev20260713+nightly
codegen_flags: <defaults>
</compile_context>

<pallas_src>
import functools

import jax
import jax.numpy as jnp
from jax import lax
from jax.experimental import pallas as pl
from jax.experimental.pallas import tpu as pltpu
from jax.experimental.pallas import tpu_sc as plsc

SIZE = 100000
INPUT_SIZE = 128
CH = 160
NCHUNK = SIZE // CH
NW = 32
TMAX = (NCHUNK + NW - 1) // NW
G = CH // 16

_mesh = plsc.VectorSubcoreMesh(
    core_axis_name="c", subcore_axis_name="s", num_cores=2, num_subcores=16)


@functools.partial(
    pl.kernel,
    out_type=[
        jax.ShapeDtypeStruct((SIZE,), jnp.float32),
        jax.ShapeDtypeStruct((NW, 16), jnp.int32),
    ],
    mesh=_mesh,
    scratch_types=[
        pltpu.VMEM((CH, INPUT_SIZE), jnp.float32),
        pltpu.VMEM((CH, INPUT_SIZE), jnp.float32),
        pltpu.VMEM((CH,), jnp.float32),
        pltpu.VMEM((1, INPUT_SIZE), jnp.float32),
        pltpu.VMEM((16,), jnp.int32),
        pltpu.SemaphoreType.DMA,
        pltpu.SemaphoreType.DMA,
    ],
    compiler_params=pltpu.CompilerParams(needs_layout_passes=False),
)
def _sc_matvec(inp_hbm, conn_hbm, out_hbm, bests_hbm,
               buf0, buf1, obuf, minp, bestv, sem0, sem1):
    wid = lax.axis_index("s") * 2 + lax.axis_index("c")
    pltpu.sync_copy(inp_hbm, minp)

    lane = lax.iota(jnp.int32, 16)
    zero16 = jnp.zeros((16,), jnp.int32)
    bestv[...] = jnp.full((16,), jnp.int32(-2**31 + 1), jnp.int32)

    bufs = (buf0, buf1)
    sems = (sem0, sem1)

    def start(t, buf, sem):
        chunk = wid + t * NW

        @pl.when(chunk < NCHUNK)
        def _():
            pltpu.async_copy(conn_hbm.at[pl.ds(chunk * CH, CH)], buf, sem)

    def process(t, buf, sem):
        chunk = wid + t * NW

        @pl.when(chunk < NCHUNK)
        def _():
            pltpu.make_async_copy(conn_hbm.at[pl.ds(chunk * CH, CH)],
                                  buf, sem).wait()

            def col_body(j, accs):
                colv = (j + lane) & (INPUT_SIZE - 1)
                sv = plsc.load_gather(minp, [zero16, colv])
                new = []
                for g in range(G):
                    v = plsc.load_gather(buf, [g * 16 + lane, colv])
                    new.append(accs[g] + v * sv)
                return tuple(new)

            accs = lax.fori_loop(
                0, INPUT_SIZE, col_body,
                tuple(jnp.zeros((16,), jnp.float32) for _ in range(G)),
                unroll=8)

            best = bestv[...]
            for g in range(G):
                obuf[pl.ds(g * 16, 16)] = accs[g]
                rows = chunk * CH + g * 16 + lane
                key = (accs[g].astype(jnp.int32) << 17) | (131071 - rows)
                best = jnp.maximum(best, key)
            bestv[...] = best
            pltpu.sync_copy(obuf, out_hbm.at[pl.ds(chunk * CH, CH)])

    start(0, buf0, sem0)
    start(1, buf1, sem1)

    def pair_body(i, carry):
        t = 2 * i
        process(t, buf0, sem0)
        start(t + 2, buf0, sem0)
        process(t + 1, buf1, sem1)
        start(t + 3, buf1, sem1)
        return carry

    lax.fori_loop(0, TMAX // 2, pair_body, jnp.int32(0))

    pltpu.sync_copy(bestv, bests_hbm.at[wid])


def kernel(input_array, connected):
    inp = input_array.astype(jnp.float32).reshape(1, INPUT_SIZE)
    overlaps, bests = _sc_matvec(inp, connected)
    winner = 131071 - (jnp.max(bests) & 131071)
    return overlaps, winner

# --- scband reference (transcript-rebuilt; emitter-appended) ---
"""Pipeline reference for scband-classification-layer-61100204753307 (READ-ONLY COPY).

The authoritative reference and input builder live on the scoring server;
editing this copy changes nothing except your own understanding.
"""

import jax, jax.numpy as jnp
import numpy as np

SIZE = 100000          # number of neurons (Classification_Layer.size)
INPUT_SIZE = 128       # input vector size (Layer.input_size)
CONNECTED_PERM = 0.6   # Synapse_Map.connectedPerm


def setup_inputs(seed: int = 0) -> dict:
    key = jax.random.key(seed)
    k1, k2 = jax.random.split(key)
    # binary input vector (the original uses a boolean/binary input_map)
    input_array = jax.random.randint(k1, (INPUT_SIZE,), 0, 2).astype(jnp.bool_)
    # per-neuron permanences ~ U[0,1); connected = perms > connectedPerm
    # (each Neuron has a Synapse_Map of length input_size)
    perms = jax.random.uniform(k2, (SIZE, INPUT_SIZE), dtype=jnp.float32)
    connected = (perms > CONNECTED_PERM).astype(jnp.float32)
    return {"input_array": input_array, "connected": connected}


def reference(input_array, connected):
    # Classification_Layer.test(input_array):
    #   for each neuron: overlap = count_nonzero(connected & input) * boost
    #   winner = argmax(overlap)
    # bitwise_and + count_nonzero over {0,1} vectors == dot product.
    boost = 1.0  # Neuron.boost is initialized to 1 and never changed here
    inp = input_array.astype(jnp.float32)
    overlaps = (connected @ inp) * boost          # [SIZE]
    winner = jnp.argmax(overlaps)                 # index of highest-overlap neuron
    return overlaps, winner

if __name__ == "__main__":
    import jax
    _d = setup_inputs()
    print(jax.jit(kernel)(*tuple(_d.values())))

</pallas_src>

<mosaic_0001>
#map = affine_map<(d0, d1) -> (0, 0)>
#map1 = affine_map<(d0, d1) -> (0)>
module attributes {stable_mosaic.version = 14 : i64} {
  func.func @_sc_matvec(%arg0: i32, %arg1: i32, %arg2: memref<1x128xf32, #tpu.memory_space<hbm>>, %arg3: memref<100000x128xf32, #tpu.memory_space<hbm>>, %arg4: memref<100000xf32, #tpu.memory_space<hbm>>, %arg5: memref<32x16xi32, #tpu.memory_space<hbm>>, %arg6: memref<160x128xf32, #tpu.memory_space<vmem>>, %arg7: memref<160x128xf32, #tpu.memory_space<vmem>>, %arg8: memref<160xf32, #tpu.memory_space<vmem>>, %arg9: memref<1x128xf32, #tpu.memory_space<vmem>>, %arg10: memref<16xi32, #tpu.memory_space<vmem>>, %arg11: memref<!tpu.dma_semaphore, #tpu.memory_space<semaphore_mem>>, %arg12: memref<!tpu.dma_semaphore, #tpu.memory_space<semaphore_mem>>) attributes {dimension_semantics = [#tpu.dimension_semantics<core_parallel>, #tpu.dimension_semantics<subcore_parallel>], iteration_bounds = array<i64: 2, 16>, scalar_prefetch = 0 : i64, scratch_operands = 7 : i64, tpu.core_type = #tpu.core_type<sc_vector_subcore>, window_params = [{transform_indices = #map}, {transform_indices = #map}, {transform_indices = #map1}, {transform_indices = #map}]} {
    %mul3A = arith.constant 2 : i32
    %mul3A_0 = arith.muli %arg1, %mul3A : i32
    %add3A = arith.addi %mul3A_0, %arg0 : i32
    "tpu.region"() ({
      %run_scoped3A = tpu.sem_alloc : memref<!tpu.dma_semaphore, #tpu.memory_space<semaphore_mem>>
      tpu.enqueue_dma source(%arg2 : memref<1x128xf32, #tpu.memory_space<hbm>>) target(%arg9 : memref<1x128xf32, #tpu.memory_space<vmem>>) target_semaphore(%run_scoped3A : memref<!tpu.dma_semaphore, #tpu.memory_space<semaphore_mem>>)
      tpu.wait_dma2 semaphore(%run_scoped3A : memref<!tpu.dma_semaphore, #tpu.memory_space<semaphore_mem>>) src(%arg2 : memref<1x128xf32, #tpu.memory_space<hbm>>) dst(%arg9 : memref<1x128xf32, #tpu.memory_space<vmem>>)
      tpu.yield
    }) : () -> ()
    %iota3A = tpu.iota {dimensions = array<i32: 0>} : vector<16xi32>
    %broadcast_in_dim3A = arith.constant 0 : i32
    %broadcast_in_dim3A_1 = vector.broadcast %broadcast_in_dim3A : i32 to vector<16xi32>
    %broadcast_in_dim3A_2 = arith.constant -2147483647 : i32
    %broadcast_in_dim3A_3 = vector.broadcast %broadcast_in_dim3A_2 : i32 to vector<16xi32>
    %swap3A = arith.constant 0 : index
    %swap3A_4 = tpu.vector_load %arg10[%swap3A] {strides = array<i32>} : memref<16xi32, #tpu.memory_space<vmem>>, vector<16xi32>,
    tpu.vector_store %arg10[%swap3A], %broadcast_in_dim3A_3 {strides = array<i32>} : memref<16xi32, #tpu.memory_space<vmem>>, vector<16xi32>,
    %add3A_5 = arith.constant 0 : i32
    %add3A_6 = arith.addi %add3A, %add3A_5 : i32
    %lt3A = arith.constant 625 : i32
    %lt3A_7 = arith.cmpi slt, %add3A_6, %lt3A : i32
    %convert_element_type3A = arith.extui %lt3A_7 : i1 to i32
    %cond3A = arith.constant 0 : i32
    %cond3A_8 = arith.cmpi ne, %convert_element_type3A, %cond3A : i32
    scf.if %cond3A_8 {
      %mul3A_21 = arith.constant 160 : i32
      %mul3A_22 = arith.muli %add3A_6, %mul3A_21 : i32
      %dma_start3A = arith.constant 0 : i32
      %dma_start3A_23 = tpu.memref_slice %arg3[%mul3A_22, %dma_start3A] : memref<100000x128xf32, #tpu.memory_space<hbm>> -> memref<160x128xf32, #tpu.memory_space<hbm>>
      %dma_start3A_24 = arith.constant 0 : i32
      %dma_start3A_25 = tpu.memref_slice %arg3[%mul3A_22, %dma_start3A_24] : memref<100000x128xf32, #tpu.memory_space<hbm>> -> memref<160x128xf32, #tpu.memory_space<hbm>>
      tpu.enqueue_dma source(%dma_start3A_25 : memref<160x128xf32, #tpu.memory_space<hbm>>) target(%arg6 : memref<160x128xf32, #tpu.memory_space<vmem>>) target_semaphore(%arg11 : memref<!tpu.dma_semaphore, #tpu.memory_space<semaphore_mem>>)
    } else {
    }
    %add3A_9 = arith.constant 32 : i32
    %add3A_10 = arith.addi %add3A, %add3A_9 : i32
    %lt3A_11 = arith.constant 625 : i32
    %lt3A_12 = arith.cmpi slt, %add3A_10, %lt3A_11 : i32
    %convert_element_type3A_13 = arith.extui %lt3A_12 : i1 to i32
    %cond3A_14 = arith.constant 0 : i32
    %cond3A_15 = arith.cmpi ne, %convert_element_type3A_13, %cond3A_14 : i32
    scf.if %cond3A_15 {
      %mul3A_21 = arith.constant 160 : i32
      %mul3A_22 = arith.muli %add3A_10, %mul3A_21 : i32
      %dma_start3A = arith.constant 0 : i32
      %dma_start3A_23 = tpu.memref_slice %arg3[%mul3A_22, %dma_start3A] : memref<100000x128xf32, #tpu.memory_space<hbm>> -> memref<160x128xf32, #tpu.memory_space<hbm>>
      %dma_start3A_24 = arith.constant 0 : i32
      %dma_start3A_25 = tpu.memref_slice %arg3[%mul3A_22, %dma_start3A_24] : memref<100000x128xf32, #tpu.memory_space<hbm>> -> memref<160x128xf32, #tpu.memory_space<hbm>>
      tpu.enqueue_dma source(%dma_start3A_25 : memref<160x128xf32, #tpu.memory_space<hbm>>) target(%arg7 : memref<160x128xf32, #tpu.memory_space<vmem>>) target_semaphore(%arg12 : memref<!tpu.dma_semaphore, #tpu.memory_space<semaphore_mem>>)
    } else {
    }
    %scan3A = arith.constant 0 : i32
    %scan3A_16 = arith.constant 0 : i32
    %scan3A_17 = arith.constant 10 : i32
    %scan3A_18 = arith.addi %scan3A_16, %scan3A_17 : i32
    %scan3A_19 = arith.constant 1 : i32
    scf.for %scan3A_21 = %scan3A_16 to %scan3A_18 step %scan3A_19  : i32 {
      %mul3A_22 = arith.constant 2 : i32
      %mul3A_23 = arith.muli %mul3A_22, %scan3A_21 : i32
      %mul3A_24 = arith.constant 32 : i32
      %mul3A_25 = arith.muli %mul3A_23, %mul3A_24 : i32
      %add3A_26 = arith.addi %add3A, %mul3A_25 : i32
      %lt3A_27 = arith.constant 625 : i32
      %lt3A_28 = arith.cmpi slt, %add3A_26, %lt3A_27 : i32
      %convert_element_type3A_29 = arith.extui %lt3A_28 : i1 to i32
      %cond3A_30 = arith.constant 0 : i32
      %cond3A_31 = arith.cmpi ne, %convert_element_type3A_29, %cond3A_30 : i32
      scf.if %cond3A_31 {
        %mul3A_62 = arith.constant 160 : i32
        %mul3A_63 = arith.muli %add3A_26, %mul3A_62 : i32
        %dma_wait3A = arith.constant 0 : i32
        %dma_wait3A_64 = tpu.memref_slice %arg3[%mul3A_63, %dma_wait3A] : memref<100000x128xf32, #tpu.memory_space<hbm>> -> memref<160x128xf32, #tpu.memory_space<hbm>>
        %dma_wait3A_65 = arith.constant 0 : i32
        %dma_wait3A_66 = tpu.memref_slice %arg3[%mul3A_63, %dma_wait3A_65] : memref<100000x128xf32, #tpu.memory_space<hbm>> -> memref<160x128xf32, #tpu.memory_space<hbm>>
        tpu.wait_dma2 semaphore(%arg11 : memref<!tpu.dma_semaphore, #tpu.memory_space<semaphore_mem>>) src(%dma_wait3A_66 : memref<160x128xf32, #tpu.memory_space<hbm>>) dst(%arg6 : memref<160x128xf32, #tpu.memory_space<vmem>>)
        %broadcast_in_dim3A_67 = arith.constant 0.000000e+00 : f32
        %broadcast_in_dim3A_68 = vector.broadcast %broadcast_in_dim3A_67 : f32 to vector<16xf32>
        %broadcast_in_dim3A_69 = arith.constant 0.000000e+00 : f32
        %broadcast_in_dim3A_70 = vector.broadcast %broadcast_in_dim3A_69 : f32 to vector<16xf32>
        %broadcast_in_dim3A_71 = arith.constant 0.000000e+00 : f32
        %broadcast_in_dim3A_72 = vector.broadcast %broadcast_in_dim3A_71 : f32 to vector<16xf32>
        %broadcast_in_dim3A_73 = arith.constant 0.000000e+00 : f32
        %broadcast_in_dim3A_74 = vector.broadcast %broadcast_in_dim3A_73 : f32 to vector<16xf32>
        %broadcast_in_dim3A_75 = arith.constant 0.000000e+00 : f32
        %broadcast_in_dim3A_76 = vector.broadcast %broadcast_in_dim3A_75 : f32 to vector<16xf32>
        %broadcast_in_dim3A_77 = arith.constant 0.000000e+00 : f32
        %broadcast_in_dim3A_78 = vector.broadcast %broadcast_in_dim3A_77 : f32 to vector<16xf32>
        %broadcast_in_dim3A_79 = arith.constant 0.000000e+00 : f32
        %broadcast_in_dim3A_80 = vector.broadcast %broadcast_in_dim3A_79 : f32 to vector<16xf32>
        %broadcast_in_dim3A_81 = arith.constant 0.000000e+00 : f32
        %broadcast_in_dim3A_82 = vector.broadcast %broadcast_in_dim3A_81 : f32 to vector<16xf32>
        %broadcast_in_dim3A_83 = arith.constant 0.000000e+00 : f32
        %broadcast_in_dim3A_84 = vector.broadcast %broadcast_in_dim3A_83 : f32 to vector<16xf32>
        %broadcast_in_dim3A_85 = arith.constant 0.000000e+00 : f32
        %broadcast_in_dim3A_86 = vector.broadcast %broadcast_in_dim3A_85 : f32 to vector<16xf32>
        %scan3A_87 = arith.constant 0 : i32
        %scan3A_88 = arith.constant 128 : i32
        %scan3A_89 = arith.addi %scan3A_87, %scan3A_88 : i32
        %scan3A_90 = arith.constant 8 : i32
        %scan3A_91:10 = scf.for %scan3A_264 = %scan3A_87 to %scan3A_89 step %scan3A_90 iter_args(%scan3A_265 = %broadcast_in_dim3A_68, %scan3A_266 = %broadcast_in_dim3A_70, %scan3A_267 = %broadcast_in_dim3A_72, %scan3A_268 = %broadcast_in_dim3A_74, %scan3A_269 = %broadcast_in_dim3A_76, %scan3A_270 = %broadcast_in_dim3A_78, %scan3A_271 = %broadcast_in_dim3A_80, %scan3A_272 = %broadcast_in_dim3A_82, %scan3A_273 = %broadcast_in_dim3A_84, %scan3A_274 = %broadcast_in_dim3A_86) -> (vector<16xf32>, vector<16xf32>, vector<16xf32>, vector<16xf32>, vector<16xf32>, vector<16xf32>, vector<16xf32>, vector<16xf32>, vector<16xf32>, vector<16xf32>)  : i32 {
          %add3A_275 = vector.broadcast %scan3A_264 : i32 to vector<16xi32>
          %add3A_276 = arith.addi %add3A_275, %iota3A : vector<16xi32>
          %and3A = arith.constant 127 : i32
          %and3A_277 = vector.broadcast %and3A : i32 to vector<16xi32>
          %and3A_278 = arith.andi %add3A_276, %and3A_277 : vector<16xi32>
          %gather3A = tpu.vector_load_idx %arg9[%broadcast_in_dim3A_1, %and3A_278] : memref<1x128xf32, #tpu.memory_space<vmem>>[vector<16xi32>, vector<16xi32>], vector<16xf32>,
          %add3A_279 = arith.constant 0 : i32
          %add3A_280 = vector.broadcast %add3A_279 : i32 to vector<16xi32>
          %add3A_281 = arith.addi %add3A_280, %iota3A : vector<16xi32>
          %gather3A_282 = tpu.vector_load_idx %arg6[%add3A_281, %and3A_278] : memref<160x128xf32, #tpu.memory_space<vmem>>[vector<16xi32>, vector<16xi32>], vector<16xf32>,
          %mul3A_283 = arith.mulf %gather3A_282, %gather3A : vector<16xf32>
          %add3A_284 = arith.addf %scan3A_265, %mul3A_283 : vector<16xf32>
          %add3A_285 = arith.constant 16 : i32
          %add3A_286 = vector.broadcast %add3A_285 : i32 to vector<16xi32>
          %add3A_287 = arith.addi %add3A_286, %iota3A : vector<16xi32>
          %gather3A_288 = tpu.vector_load_idx %arg6[%add3A_287, %and3A_278] : memref<160x128xf32, #tpu.memory_space<vmem>>[vector<16xi32>, vector<16xi32>], vector<16xf32>,
          %mul3A_289 = arith.mulf %gather3A_288, %gather3A : vector<16xf32>
          %add3A_290 = arith.addf %scan3A_266, %mul3A_289 : vector<16xf32>
          %add3A_291 = arith.constant 32 : i32
          %add3A_292 = vector.broadcast %add3A_291 : i32 to vector<16xi32>
          %add3A_293 = arith.addi %add3A_292, %iota3A : vector<16xi32>
          %gather3A_294 = tpu.vector_load_idx %arg6[%add3A_293, %and3A_278] : memref<160x128xf32, #tpu.memory_space<vmem>>[vector<16xi32>, vector<16xi32>], vector<16xf32>,
          %mul3A_295 = arith.mulf %gather3A_294, %gather3A : vector<16xf32>
          %add3A_296 = arith.addf %scan3A_267, %mul3A_295 : vector<16xf32>
          %add3A_297 = arith.constant 48 : i32
          %add3A_298 = vector.broadcast %add3A_297 : i32 to vector<16xi32>
          %add3A_299 = arith.addi %add3A_298, %iota3A : vector<16xi32>
          %gather3A_300 = tpu.vector_load_idx %arg6[%add3A_299, %and3A_278] : memref<160x128xf32, #tpu.memory_space<vmem>>[vector<16xi32>, vector<16xi32>], vector<16xf32>,
          %mul3A_301 = arith.mulf %gather3A_300, %gather3A : vector<16xf32>
          %add3A_302 = arith.addf %scan3A_268, %mul3A_301 : vector<16xf32>
          %add3A_303 = arith.constant 64 : i32
          %add3A_304 = vector.broadcast %add3A_303 : i32 to vector<16xi32>
          %add3A_305 = arith.addi %add3A_304, %iota3A : vector<16xi32>
          %gather3A_306 = tpu.vector_load_idx %arg6[%add3A_305, %and3A_278] : memref<160x128xf32, #tpu.memory_space<vmem>>[vector<16xi32>, vector<16xi32>], vector<16xf32>,
          %mul3A_307 = arith.mulf %gather3A_306, %gather3A : vector<16xf32>
          %add3A_308 = arith.addf %scan3A_269, %mul3A_307 : vector<16xf32>
          %add3A_309 = arith.constant 80 : i32
          %add3A_310 = vector.broadcast %add3A_309 : i32 to vector<16xi32>
          %add3A_311 = arith.addi %add3A_310, %iota3A : vector<16xi32>
          %gather3A_312 = tpu.vector_load_idx %arg6[%add3A_311, %and3A_278] : memref<160x128xf32, #tpu.memory_space<vmem>>[vector<16xi32>, vector<16xi32>], vector<16xf32>,
          %mul3A_313 = arith.mulf %gather3A_312, %gather3A : vector<16xf32>
          %add3A_314 = arith.addf %scan3A_270, %mul3A_313 : vector<16xf32>
          %add3A_315 = arith.constant 96 : i32
          %add3A_316 = vector.broadcast %add3A_315 : i32 to vector<16xi32>
          %add3A_317 = arith.addi %add3A_316, %iota3A : vector<16xi32>
          %gather3A_318 = tpu.vector_load_idx %arg6[%add3A_317, %and3A_278] : memref<160x128xf32, #tpu.memory_space<vmem>>[vector<16xi32>, vector<16xi32>], vector<16xf32>,
          %mul3A_319 = arith.mulf %gather3A_318, %gather3A : vector<16xf32>
          %add3A_320 = arith.addf %scan3A_271, %mul3A_319 : vector<16xf32>
          %add3A_321 = arith.constant 112 : i32
          %add3A_322 = vector.broadcast %add3A_321 : i32 to vector<16xi32>
          %add3A_323 = arith.addi %add3A_322, %iota3A : vector<16xi32>
          %gather3A_324 = tpu.vector_load_idx %arg6[%add3A_323, %and3A_278] : memref<160x128xf32, #tpu.memory_space<vmem>>[vector<16xi32>, vector<16xi32>], vector<16xf32>,
          %mul3A_325 = arith.mulf %gather3A_324, %gather3A : vector<16xf32>
          %add3A_326 = arith.addf %scan3A_272, %mul3A_325 : vector<16xf32>
          %add3A_327 = arith.constant 128 : i32
          %add3A_328 = vector.broadcast %add3A_327 : i32 to vector<16xi32>
          %add3A_329 = arith.addi %add3A_328, %iota3A : vector<16xi32>
          %gather3A_330 = tpu.vector_load_idx %arg6[%add3A_329, %and3A_278] : memref<160x128xf32, #tpu.memory_space<vmem>>[vector<16xi32>, vector<16xi32>], vector<16xf32>,
          %mul3A_331 = arith.mulf %gather3A_330, %gather3A : vector<16xf32>
          %add3A_332 = arith.addf %scan3A_273, %mul3A_331 : vector<16xf32>
          %add3A_333 = arith.constant 144 : i32
          %add3A_334 = vector.broadcast %add3A_333 : i32 to vector<16xi32>
          %add3A_335 = arith.addi %add3A_334, %iota3A : vector<16xi32>
          %gather3A_336 = tpu.vector_load_idx %arg6[%add3A_335, %and3A_278] : memref<160x128xf32, #tpu.memory_space<vmem>>[vector<16xi32>, vector<16xi32>], vector<16xf32>,
          %mul3A_337 = arith.mulf %gather3A_336, %gather3A : vector<16xf32>
          %add3A_338 = arith.addf %scan3A_274, %mul3A_337 : vector<16xf32>
          %scan3A_339 = arith.constant 1 : i32
          %scan3A_340 = arith.addi %scan3A_264, %scan3A_339 : i32
          %add3A_341 = vector.broadcast %scan3A_340 : i32 to vector<16xi32>
          %add3A_342 = arith.addi %add3A_341, %iota3A : vector<16xi32>
          %and3A_343 = arith.constant 127 : i32
          %and3A_344 = vector.broadcast %and3A_343 : i32 to vector<16xi32>
          %and3A_345 = arith.andi %add3A_342, %and3A_344 : vector<16xi32>
          %gather3A_346 = tpu.vector_load_idx %arg9[%broadcast_in_dim3A_1, %and3A_345] : memref<1x128xf32, #tpu.memory_space<vmem>>[vector<16xi32>, vector<16xi32>], vector<16xf32>,
          %add3A_347 = arith.constant 0 : i32
          %add3A_348 = vector.broadcast %add3A_347 : i32 to vector<16xi32>
          %add3A_349 = arith.addi %add3A_348, %iota3A : vector<16xi32>
          %gather3A_350 = tpu.vector_load_idx %arg6[%add3A_349, %and3A_345] : memref<160x128xf32, #tpu.memory_space<vmem>>[vector<16xi32>, vector<16xi32>], vector<16xf32>,
          %mul3A_351 = arith.mulf %gather3A_350, %gather3A_346 : vector<16xf32>
          %add3A_352 = arith.addf %add3A_284, %mul3A_351 : vector<16xf32>
          %add3A_353 = arith.constant 16 : i32
          %add3A_354 = vector.broadcast %add3A_353 : i32 to vector<16xi32>
          %add3A_355 = arith.addi %add3A_354, %iota3A : vector<16xi32>
          %gather3A_356 = tpu.vector_load_idx %arg6[%add3A_355, %and3A_345] : memref<160x128xf32, #tpu.memory_space<vmem>>[vector<16xi32>, vector<16xi32>], vector<16xf32>,
          %mul3A_357 = arith.mulf %gather3A_356, %gather3A_346 : vector<16xf32>
          %add3A_358 = arith.addf %add3A_290, %mul3A_357 : vector<16xf32>
          %add3A_359 = arith.constant 32 : i32
          %add3A_360 = vector.broadcast %add3A_359 : i32 to vector<16xi32>
          %add3A_361 = arith.addi %add3A_360, %iota3A : vector<16xi32>
          %gather3A_362 = tpu.vector_load_idx %arg6[%add3A_361, %and3A_345] : memref<160x128xf32, #tpu.memory_space<vmem>>[vector<16xi32>, vector<16xi32>], vector<16xf32>,
          %mul3A_363 = arith.mulf %gather3A_362, %gather3A_346 : vector<16xf32>
          %add3A_364 = arith.addf %add3A_296, %mul3A_363 : vector<16xf32>
          %add3A_365 = arith.constant 48 : i32
          %add3A_366 = vector.broadcast %add3A_365 : i32 to vector<16xi32>
          %add3A_367 = arith.addi %add3A_366, %iota3A : vector<16xi32>
          %gather3A_368 = tpu.vector_load_idx %arg6[%add3A_367, %and3A_345] : memref<160x128xf32, #tpu.memory_space<vmem>>[vector<16xi32>, vector<16xi32>], vector<16xf32>,
          %mul3A_369 = arith.mulf %gather3A_368, %gather3A_346 : vector<16xf32>
          %add3A_370 = arith.addf %add3A_302, %mul3A_369 : vector<16xf32>
          %add3A_371 = arith.constant 64 : i32
          %add3A_372 = vector.broadcast %add3A_371 : i32 to vector<16xi32>
          %add3A_373 = arith.addi %add3A_372, %iota3A : vector<16xi32>
          %gather3A_374 = tpu.vector_load_idx %arg6[%add3A_373, %and3A_345] : memref<160x128xf32, #tpu.memory_space<vmem>>[vector<16xi32>, vector<16xi32>], vector<16xf32>,
          %mul3A_375 = arith.mulf %gather3A_374, %gather3A_346 : vector<16xf32>
          %add3A_376 = arith.addf %add3A_308, %mul3A_375 : vector<16xf32>
          %add3A_377 = arith.constant 80 : i32
          %add3A_378 = vector.broadcast %add3A_377 : i32 to vector<16xi32>
          %add3A_379 = arith.addi %add3A_378, %iota3A : vector<16xi32>
          %gather3A_380 = tpu.vector_load_idx %arg6[%add3A_379, %and3A_345] : memref<160x128xf32, #tpu.memory_space<vmem>>[vector<16xi32>, vector<16xi32>], vector<16xf32>,
          %mul3A_381 = arith.mulf %gather3A_380, %gather3A_346 : vector<16xf32>
          %add3A_382 = arith.addf %add3A_314, %mul3A_381 : vector<16xf32>
          %add3A_383 = arith.constant 96 : i32
          %add3A_384 = vector.broadcast %add3A_383 : i32 to vector<16xi32>
          %add3A_385 = arith.addi %add3A_384, %iota3A : vector<16xi32>
          %gather3A_386 = tpu.vector_load_idx %arg6[%add3A_385, %and3A_345] : memref<160x128xf32, #tpu.memory_space<vmem>>[vector<16xi32>, vector<16xi32>], vector<16xf32>,
          %mul3A_387 = arith.mulf %gather3A_386, %gather3A_346 : vector<16xf32>
          %add3A_388 = arith.addf %add3A_320, %mul3A_387 : vector<16xf32>
          %add3A_389 = arith.constant 112 : i32
          %add3A_390 = vector.broadcast %add3A_389 : i32 to vector<16xi32>
          %add3A_391 = arith.addi %add3A_390, %iota3A : vector<16xi32>
          %gather3A_392 = tpu.vector_load_idx %arg6[%add3A_391, %and3A_345] : memref<160x128xf32, #tpu.memory_space<vmem>>[vector<16xi32>, vector<16xi32>], vector<16xf32>,
          %mul3A_393 = arith.mulf %gather3A_392, %gather3A_346 : vector<16xf32>
          %add3A_394 = arith.addf %add3A_326, %mul3A_393 : vector<16xf32>
          %add3A_395 = arith.constant 128 : i32
          %add3A_396 = vector.broadcast %add3A_395 : i32 to vector<16xi32>
          %add3A_397 = arith.addi %add3A_396, %iota3A : vector<16xi32>
          %gather3A_398 = tpu.vector_load_idx %arg6[%add3A_397, %and3A_345] : memref<160x128xf32, #tpu.memory_space<vmem>>[vector<16xi32>, vector<16xi32>], vector<16xf32>,
          %mul3A_399 = arith.mulf %gather3A_398, %gather3A_346 : vector<16xf32>
          %add3A_400 = arith.addf %add3A_332, %mul3A_399 : vector<16xf32>
          %add3A_401 = arith.constant 144 : i32
          %add3A_402 = vector.broadcast %add3A_401 : i32 to vector<16xi32>
          %add3A_403 = arith.addi %add3A_402, %iota3A : vector<16xi32>
          %gather3A_404 = tpu.vector_load_idx %arg6[%add3A_403, %and3A_345] : memref<160x128xf32, #tpu.memory_space<vmem>>[vector<16xi32>, vector<16xi32>], vector<16xf32>,
          %mul3A_405 = arith.mulf %gather3A_404, %gather3A_346 : vector<16xf32>
          %add3A_406 = arith.addf %add3A_338, %mul3A_405 : vector<16xf32>
          %scan3A_407 = arith.constant 2 : i32
          %scan3A_408 = arith.addi %scan3A_264, %scan3A_407 : i32
          %add3A_409 = vector.broadcast %scan3A_408 : i32 to vector<16xi32>
          %add3A_410 = arith.addi %add3A_409, %iota3A : vector<16xi32>
          %and3A_411 = arith.constant 127 : i32
          %and3A_412 = vector.broadcast %and3A_411 : i32 to vector<16xi32>
          %and3A_413 = arith.andi %add3A_410, %and3A_412 : vector<16xi32>
          %gather3A_414 = tpu.vector_load_idx %arg9[%broadcast_in_dim3A_1, %and3A_413] : memref<1x128xf32, #tpu.memory_space<vmem>>[vector<16xi32>, vector<16xi32>], vector<16xf32>,
          %add3A_415 = arith.constant 0 : i32
          %add3A_416 = vector.broadcast %add3A_415 : i32 to vector<16xi32>
          %add3A_417 = arith.addi %add3A_416, %iota3A : vector<16xi32>
          %gather3A_418 = tpu.vector_load_idx %arg6[%add3A_417, %and3A_413] : memref<160x128xf32, #tpu.memory_space<vmem>>[vector<16xi32>, vector<16xi32>], vector<16xf32>,
          %mul3A_419 = arith.mulf %gather3A_418, %gather3A_414 : vector<16xf32>
          %add3A_420 = arith.addf %add3A_352, %mul3A_419 : vector<16xf32>
          %add3A_421 = arith.constant 16 : i32
          %add3A_422 = vector.broadcast %add3A_421 : i32 to vector<16xi32>
          %add3A_423 = arith.addi %add3A_422, %iota3A : vector<16xi32>
          %gather3A_424 = tpu.vector_load_idx %arg6[%add3A_423, %and3A_413] : memref<160x128xf32, #tpu.memory_space<vmem>>[vector<16xi32>, vector<16xi32>], vector<16xf32>,
          %mul3A_425 = arith.mulf %gather3A_424, %gather3A_414 : vector<16xf32>
          %add3A_426 = arith.addf %add3A_358, %mul3A_425 : vector<16xf32>
          %add3A_427 = arith.constant 32 : i32
          %add3A_428 = vector.broadcast %add3A_427 : i32 to vector<16xi32>
          %add3A_429 = arith.addi %add3A_428, %iota3A : vector<16xi32>
          %gather3A_430 = tpu.vector_load_idx %arg6[%add3A_429, %and3A_413] : memref<160x128xf32, #tpu.memory_space<vmem>>[vector<16xi32>, vector<16xi32>], vector<16xf32>,
          %mul3A_431 = arith.mulf %gather3A_430, %gather3A_414 : vector<16xf32>
          %add3A_432 = arith.addf %add3A_364, %mul3A_431 : vector<16xf32>
          %add3A_433 = arith.constant 48 : i32
          %add3A_434 = vector.broadcast %add3A_433 : i32 to vector<16xi32>
          %add3A_435 = arith.addi %add3A_434, %iota3A : vector<16xi32>
          %gather3A_436 = tpu.vector_load_idx %arg6[%add3A_435, %and3A_413] : memref<160x128xf32, #tpu.memory_space<vmem>>[vector<16xi32>, vector<16xi32>], vector<16xf32>,
          %mul3A_437 = arith.mulf %gather3A_436, %gather3A_414 : vector<16xf32>
          %add3A_438 = arith.addf %add3A_370, %mul3A_437 : vector<16xf32>
          %add3A_439 = arith.constant 64 : i32
          %add3A_440 = vector.broadcast %add3A_439 : i32 to vector<16xi32>
          %add3A_441 = arith.addi %add3A_440, %iota3A : vector<16xi32>
          %gather3A_442 = tpu.vector_load_idx %arg6[%add3A_441, %and3A_413] : memref<160x128xf32, #tpu.memory_space<vmem>>[vector<16xi32>, vector<16xi32>], vector<16xf32>,
          %mul3A_443 = arith.mulf %gather3A_442, %gather3A_414 : vector<16xf32>
          %add3A_444 = arith.addf %add3A_376, %mul3A_443 : vector<16xf32>
          %add3A_445 = arith.constant 80 : i32
          %add3A_446 = vector.broadcast %add3A_445 : i32 to vector<16xi32>
          %add3A_447 = arith.addi %add3A_446, %iota3A : vector<16xi32>
          %gather3A_448 = tpu.vector_load_idx %arg6[%add3A_447, %and3A_413] : memref<160x128xf32, #tpu.memory_space<vmem>>[vector<16xi32>, vector<16xi32>], vector<16xf32>,
          %mul3A_449 = arith.mulf %gather3A_448, %gather3A_414 : vector<16xf32>
          %add3A_450 = arith.addf %add3A_382, %mul3A_449 : vector<16xf32>
          %add3A_451 = arith.constant 96 : i32
          %add3A_452 = vector.broadcast %add3A_451 : i32 to vector<16xi32>
          %add3A_453 = arith.addi %add3A_452, %iota3A : vector<16xi32>
          %gather3A_454 = tpu.vector_load_idx %arg6[%add3A_453, %and3A_413] : memref<160x128xf32, #tpu.memory_space<vmem>>[vector<16xi32>, vector<16xi32>], vector<16xf32>,
          %mul3A_455 = arith.mulf %gather3A_454, %gather3A_414 : vector<16xf32>
          %add3A_456 = arith.addf %add3A_388, %mul3A_455 : vector<16xf32>
          %add3A_457 = arith.constant 112 : i32
          %add3A_458 = vector.broadcast %add3A_457 : i32 to vector<16xi32>
          %add3A_459 = arith.addi %add3A_458, %iota3A : vector<16xi32>
          %gather3A_460 = tpu.vector_load_idx %arg6[%add3A_459, %and3A_413] : memref<160x128xf32, #tpu.memory_space<vmem>>[vector<16xi32>, vector<16xi32>], vector<16xf32>,
          %mul3A_461 = arith.mulf %gather3A_460, %gather3A_414 : vector<16xf32>
          %add3A_462 = arith.addf %add3A_394, %mul3A_461 : vector<16xf32>
          %add3A_463 = arith.constant 128 : i32
          %add3A_464 = vector.broadcast %add3A_463 : i32 to vector<16xi32>
          %add3A_465 = arith.addi %add3A_464, %iota3A : vector<16xi32>
          %gather3A_466 = tpu.vector_load_idx %arg6[%add3A_465, %and3A_413] : memref<160x128xf32, #tpu.memory_space<vmem>>[vector<16xi32>, vector<16xi32>], vector<16xf32>,
          %mul3A_467 = arith.mulf %gather3A_466, %gather3A_414 : vector<16xf32>
          %add3A_468 = arith.addf %add3A_400, %mul3A_467 : vector<16xf32>
          %add3A_469 = arith.constant 144 : i32
          %add3A_470 = vector.broadcast %add3A_469 : i32 to vector<16xi32>
          %add3A_471 = arith.addi %add3A_470, %iota3A : vector<16xi32>
          %gather3A_472 = tpu.vector_load_idx %arg6[%add3A_471, %and3A_413] : memref<160x128xf32, #tpu.memory_space<vmem>>[vector<16xi32>, vector<16xi32>], vector<16xf32>,
          %mul3A_473 = arith.mulf %gather3A_472, %gather3A_414 : vector<16xf32>
          %add3A_474 = arith.addf %add3A_406, %mul3A_473 : vector<16xf32>
          %scan3A_475 = arith.constant 3 : i32
          %scan3A_476 = arith.addi %scan3A_264, %scan3A_475 : i32
          %add3A_477 = vector.broadcast %scan3A_476 : i32 to vector<16xi32>
          %add3A_478 = arith.addi %add3A_477, %iota3A : vector<16xi32>
          %and3A_479 = arith.constant 127 : i32
          %and3A_480 = vector.broadcast %and3A_479 : i32 to vector<16xi32>
          %and3A_481 = arith.andi %add3A_478, %and3A_480 : vector<16xi32>
          %gather3A_482 = tpu.vector_load_idx %arg9[%broadcast_in_dim3A_1, %and3A_481] : memref<1x128xf32, #tpu.memory_space<vmem>>[vector<16xi32>, vector<16xi32>], vector<16xf32>,
          %add3A_483 = arith.constant 0 : i32
          %add3A_484 = vector.broadcast %add3A_483 : i32 to vector<16xi32>
          %add3A_485 = arith.addi %add3A_484, %iota3A : vector<16xi32>
          %gather3A_486 = tpu.vector_load_idx %arg6[%add3A_485, %and3A_481] : memref<160x128xf32, #tpu.memory_space<vmem>>[vector<16xi32>, vector<16xi32>], vector<16xf32>,
          %mul3A_487 = arith.mulf %gather3A_486, %gather3A_482 : vector<16xf32>
          %add3A_488 = arith.addf %add3A_420, %mul3A_487 : vector<16xf32>
          %add3A_489 = arith.constant 16 : i32
          %add3A_490 = vector.broadcast %add3A_489 : i32 to vector<16xi32>
          %add3A_491 = arith.addi %add3A_490, %iota3A : vector<16xi32>
          %gather3A_492 = tpu.vector_load_idx %arg6[%add3A_491, %and3A_481] : memref<160x128xf32, #tpu.memory_space<vmem>>[vector<16xi32>, vector<16xi32>], vector<16xf32>,
          %mul3A_493 = arith.mulf %gather3A_492, %gather3A_482 : vector<16xf32>
          %add3A_494 = arith.addf %add3A_426, %mul3A_493 : vector<16xf32>
          %add3A_495 = arith.constant 32 : i32
          %add3A_496 = vector.broadcast %add3A_495 : i32 to vector<16xi32>
          %add3A_497 = arith.addi %add3A_496, %iota3A : vector<16xi32>
          %gather3A_498 = tpu.vector_load_idx %arg6[%add3A_497, %and3A_481] : memref<160x128xf32, #tpu.memory_space<vmem>>[vector<16xi32>, vector<16xi32>], vector<16xf32>,
          %mul3A_499 = arith.mulf %gather3A_498, %gather3A_482 : vector<16xf32>
          %add3A_500 = arith.addf %add3A_432, %mul3A_499 : vector<16xf32>
          %add3A_501 = arith.constant 48 : i32
          %add3A_502 = vector.broadcast %add3A_501 : i32 to vector<16xi32>
          %add3A_503 = arith.addi %add3A_502, %iota3A : vector<16xi32>
          %gather3A_504 = tpu.vector_load_idx %arg6[%add3A_503, %and3A_481] : memref<160x128xf32, #tpu.memory_space<vmem>>[vector<16xi32>, vector<16xi32>], vector<16xf32>,
          %mul3A_505 = arith.mulf %gather3A_504, %gather3A_482 : vector<16xf32>
          %add3A_506 = arith.addf %add3A_438, %mul3A_505 : vector<16xf32>
          %add3A_507 = arith.constant 64 : i32
          %add3A_508 = vector.broadcast %add3A_507 : i32 to vector<16xi32>
          %add3A_509 = arith.addi %add3A_508, %iota3A : vector<16xi32>
          %gather3A_510 = tpu.vector_load_idx %arg6[%add3A_509, %and3A_481] : memref<160x128xf32, #tpu.memory_space<vmem>>[vector<16xi32>, vector<16xi32>], vector<16xf32>,
          %mul3A_511 = arith.mulf %gather3A_510, %gather3A_482 : vector<16xf32>
          %add3A_512 = arith.addf %add3A_444, %mul3A_511 : vector<16xf32>
          %add3A_513 = arith.constant 80 : i32
          %add3A_514 = vector.broadcast %add3A_513 : i32 to vector<16xi32>
          %add3A_515 = arith.addi %add3A_514, %iota3A : vector<16xi32>
          %gather3A_516 = tpu.vector_load_idx %arg6[%add3A_515, %and3A_481] : memref<160x128xf32, #tpu.memory_space<vmem>>[vector<16xi32>, vector<16xi32>], vector<16xf32>,
          %mul3A_517 = arith.mulf %gather3A_516, %gather3A_482 : vector<16xf32>
          %add3A_518 = arith.addf %add3A_450, %mul3A_517 : vector<16xf32>
          %add3A_519 = arith.constant 96 : i32
          %add3A_520 = vector.broadcast %add3A_519 : i32 to vector<16xi32>
          %add3A_521 = arith.addi %add3A_520, %iota3A : vector<16xi32>
          %gather3A_522 = tpu.vector_load_idx %arg6[%add3A_521, %and3A_481] : memref<160x128xf32, #tpu.memory_space<vmem>>[vector<16xi32>, vector<16xi32>], vector<16xf32>,
          %mul3A_523 = arith.mulf %gather3A_522, %gather3A_482 : vector<16xf32>
          %add3A_524 = arith.addf %add3A_456, %mul3A_523 : vector<16xf32>
          %add3A_525 = arith.constant 112 : i32
          %add3A_526 = vector.broadcast %add3A_525 : i32 to vector<16xi32>
          %add3A_527 = arith.addi %add3A_526, %iota3A : vector<16xi32>
          %gather3A_528 = tpu.vector_load_idx %arg6[%add3A_527, %and3A_481] : memref<160x128xf32, #tpu.memory_space<vmem>>[vector<16xi32>, vector<16xi32>], vector<16xf32>,
          %mul3A_529 = arith.mulf %gather3A_528, %gather3A_482 : vector<16xf32>
          %add3A_530 = arith.addf %add3A_462, %mul3A_529 : vector<16xf32>
          %add3A_531 = arith.constant 128 : i32
          %add3A_532 = vector.broadcast %add3A_531 : i32 to vector<16xi32>
          %add3A_533 = arith.addi %add3A_532, %iota3A : vector<16xi32>
          %gather3A_534 = tpu.vector_load_idx %arg6[%add3A_533, %and3A_481] : memref<160x128xf32, #tpu.memory_space<vmem>>[vector<16xi32>, vector<16xi32>], vector<16xf32>,
          %mul3A_535 = arith.mulf %gather3A_534, %gather3A_482 : vector<16xf32>
          %add3A_536 = arith.addf %add3A_468, %mul3A_535 : vector<16xf32>
          %add3A_537 = arith.constant 144 : i32
          %add3A_538 = vector.broadcast %add3A_537 : i32 to vector<16xi32>
          %add3A_539 = arith.addi %add3A_538, %iota3A : vector<16xi32>
          %gather3A_540 = tpu.vector_load_idx %arg6[%add3A_539, %and3A_481] : memref<160x128xf32, #tpu.memory_space<vmem>>[vector<16xi32>, vector<16xi32>], vector<16xf32>,
          %mul3A_541 = arith.mulf %gather3A_540, %gather3A_482 : vector<16xf32>
          %add3A_542 = arith.addf %add3A_474, %mul3A_541 : vector<16xf32>
          %scan3A_543 = arith.constant 4 : i32
          %scan3A_544 = arith.addi %scan3A_264, %scan3A_543 : i32
          %add3A_545 = vector.broadcast %scan3A_544 : i32 to vector<16xi32>
          %add3A_546 = arith.addi %add3A_545, %iota3A : vector<16xi32>
          %and3A_547 = arith.constant 127 : i32
          %and3A_548 = vector.broadcast %and3A_547 : i32 to vector<16xi32>
          %and3A_549 = arith.andi %add3A_546, %and3A_548 : vector<16xi32>
          %gather3A_550 = tpu.vector_load_idx %arg9[%broadcast_in_dim3A_1, %and3A_549] : memref<1x128xf32, #tpu.memory_space<vmem>>[vector<16xi32>, vector<16xi32>], vector<16xf32>,
          %add3A_551 = arith.constant 0 : i32
          %add3A_552 = vector.broadcast %add3A_551 : i32 to vector<16xi32>
          %add3A_553 = arith.addi %add3A_552, %iota3A : vector<16xi32>
          %gather3A_554 = tpu.vector_load_idx %arg6[%add3A_553, %and3A_549] : memref<160x128xf32, #tpu.memory_space<vmem>>[vector<16xi32>, vector<16xi32>], vector<16xf32>,
          %mul3A_555 = arith.mulf %gather3A_554, %gather3A_550 : vector<16xf32>
          %add3A_556 = arith.addf %add3A_488, %mul3A_555 : vector<16xf32>
          %add3A_557 = arith.constant 16 : i32
          %add3A_558 = vector.broadcast %add3A_557 : i32 to vector<16xi32>
          %add3A_559 = arith.addi %add3A_558, %iota3A : vector<16xi32>
          %gather3A_560 = tpu.vector_load_idx %arg6[%add3A_559, %and3A_549] : memref<160x128xf32, #tpu.memory_space<vmem>>[vector<16xi32>, vector<16xi32>], vector<16xf32>,
          %mul3A_561 = arith.mulf %gather3A_560, %gather3A_550 : vector<16xf32>
          %add3A_562 = arith.addf %add3A_494, %mul3A_561 : vector<16xf32>
          %add3A_563 = arith.constant 32 : i32
          %add3A_564 = vector.broadcast %add3A_563 : i32 to vector<16xi32>
          %add3A_565 = arith.addi %add3A_564, %iota3A : vector<16xi32>
          %gather3A_566 = tpu.vector_load_idx %arg6[%add3A_565, %and3A_549] : memref<160x128xf32, #tpu.memory_space<vmem>>[vector<16xi32>, vector<16xi32>], vector<16xf32>,
          %mul3A_567 = arith.mulf %gather3A_566, %gather3A_550 : vector<16xf32>
          %add3A_568 = arith.addf %add3A_500, %mul3A_567 : vector<16xf32>
          %add3A_569 = arith.constant 48 : i32
          %add3A_570 = vector.broadcast %add3A_569 : i32 to vector<16xi32>
          %add3A_571 = arith.addi %add3A_570, %iota3A : vector<16xi32>
          %gather3A_572 = tpu.vector_load_idx %arg6[%add3A_571, %and3A_549] : memref<160x128xf32, #tpu.memory_space<vmem>>[vector<16xi32>, vector<16xi32>], vector<16xf32>,
          %mul3A_573 = arith.mulf %gather3A_572, %gather3A_550 : vector<16xf32>
          %add3A_574 = arith.addf %add3A_506, %mul3A_573 : vector<16xf32>
          %add3A_575 = arith.constant 64 : i32
          %add3A_576 = vector.broadcast %add3A_575 : i32 to vector<16xi32>
          %add3A_577 = arith.addi %add3A_576, %iota3A : vector<16xi32>
          %gather3A_578 = tpu.vector_load_idx %arg6[%add3A_577, %and3A_549] : memref<160x128xf32, #tpu.memory_space<vmem>>[vector<16xi32>, vector<16xi32>], vector<16xf32>,
          %mul3A_579 = arith.mulf %gather3A_578, %gather3A_550 : vector<16xf32>
          %add3A_580 = arith.addf %add3A_512, %mul3A_579 : vector<16xf32>
          %add3A_581 = arith.constant 80 : i32
          %add3A_582 = vector.broadcast %add3A_581 : i32 to vector<16xi32>
          %add3A_583 = arith.addi %add3A_582, %iota3A : vector<16xi32>
          %gather3A_584 = tpu.vector_load_idx %arg6[%add3A_583, %and3A_549] : memref<160x128xf32, #tpu.memory_space<vmem>>[vector<16xi32>, vector<16xi32>], vector<16xf32>,
          %mul3A_585 = arith.mulf %gather3A_584, %gather3A_550 : vector<16xf32>
          %add3A_586 = arith.addf %add3A_518, %mul3A_585 : vector<16xf32>
          %add3A_587 = arith.constant 96 : i32
          %add3A_588 = vector.broadcast %add3A_587 : i32 to vector<16xi32>
          %add3A_589 = arith.addi %add3A_588, %iota3A : vector<16xi32>
          %gather3A_590 = tpu.vector_load_idx %arg6[%add3A_589, %and3A_549] : memref<160x128xf32, #tpu.memory_space<vmem>>[vector<16xi32>, vector<16xi32>], vector<16xf32>,
          %mul3A_591 = arith.mulf %gather3A_590, %gather3A_550 : vector<16xf32>
          %add3A_592 = arith.addf %add3A_524, %mul3A_591 : vector<16xf32>
          %add3A_593 = arith.constant 112 : i32
          %add3A_594 = vector.broadcast %add3A_593 : i32 to vector<16xi32>
          %add3A_595 = arith.addi %add3A_594, %iota3A : vector<16xi32>
          %gather3A_596 = tpu.vector_load_idx %arg6[%add3A_595, %and3A_549] : memref<160x128xf32, #tpu.memory_space<vmem>>[vector<16xi32>, vector<16xi32>], vector<16xf32>,
          %mul3A_597 = arith.mulf %gather3A_596, %gather3A_550 : vector<16xf32>
          %add3A_598 = arith.addf %add3A_530, %mul3A_597 : vector<16xf32>
          %add3A_599 = arith.constant 128 : i32
          %add3A_600 = vector.broadcast %add3A_599 : i32 to vector<16xi32>
          %add3A_601 = arith.addi %add3A_600, %iota3A : vector<16xi32>
          %gather3A_602 = tpu.vector_load_idx %arg6[%add3A_601, %and3A_549] : memref<160x128xf32, #tpu.memory_space<vmem>>[vector<16xi32>, vector<16xi32>], vector<16xf32>,
          %mul3A_603 = arith.mulf %gather3A_602, %gather3A_550 : vector<16xf32>
          %add3A_604 = arith.addf %add3A_536, %mul3A_603 : vector<16xf32>
          %add3A_605 = arith.constant 144 : i32
          %add3A_606 = vector.broadcast %add3A_605 : i32 to vector<16xi32>
          %add3A_607 = arith.addi %add3A_606, %iota3A : vector<16xi32>
          %gather3A_608 = tpu.vector_load_idx %arg6[%add3A_607, %and3A_549] : memref<160x128xf32, #tpu.memory_space<vmem>>[vector<16xi32>, vector<16xi32>], vector<16xf32>,
          %mul3A_609 = arith.mulf %gather3A_608, %gather3A_550 : vector<16xf32>
          %add3A_610 = arith.addf %add3A_542, %mul3A_609 : vector<16xf32>
          %scan3A_611 = arith.constant 5 : i32
          %scan3A_612 = arith.addi %scan3A_264, %scan3A_611 : i32
          %add3A_613 = vector.broadcast %scan3A_612 : i32 to vector<16xi32>
          %add3A_614 = arith.addi %add3A_613, %iota3A : vector<16xi32>
          %and3A_615 = arith.constant 127 : i32
          %and3A_616 = vector.broadcast %and3A_615 : i32 to vector<16xi32>
          %and3A_617 = arith.andi %add3A_614, %and3A_616 : vector<16xi32>
          %gather3A_618 = tpu.vector_load_idx %arg9[%broadcast_in_dim3A_1, %and3A_617] : memref<1x128xf32, #tpu.memory_space<vmem>>[vector<16xi32>, vector<16xi32>], vector<16xf32>,
          %add3A_619 = arith.constant 0 : i32
          %add3A_620 = vector.broadcast %add3A_619 : i32 to vector<16xi32>
          %add3A_621 = arith.addi %add3A_620, %iota3A : vector<16xi32>
          %gather3A_622 = tpu.vector_load_idx %arg6[%add3A_621, %and3A_617] : memref<160x128xf32, #tpu.memory_space<vmem>>[vector<16xi32>, vector<16xi32>], vector<16xf32>,
          %mul3A_623 = arith.mulf %gather3A_622, %gather3A_618 : vector<16xf32>
          %add3A_624 = arith.addf %add3A_556, %mul3A_623 : vector<16xf32>
          %add3A_625 = arith.constant 16 : i32
          %add3A_626 = vector.broadcast %add3A_625 : i32 to vector<16xi32>
          %add3A_627 = arith.addi %add3A_626, %iota3A : vector<16xi32>
          %gather3A_628 = tpu.vector_load_idx %arg6[%add3A_627, %and3A_617] : memref<160x128xf32, #tpu.memory_space<vmem>>[vector<16xi32>, vector<16xi32>], vector<16xf32>,
          %mul3A_629 = arith.mulf %gather3A_628, %gather3A_618 : vector<16xf32>
          %add3A_630 = arith.addf %add3A_562, %mul3A_629 : vector<16xf32>
          %add3A_631 = arith.constant 32 : i32
          %add3A_632 = vector.broadcast %add3A_631 : i32 to vector<16xi32>
          %add3A_633 = arith.addi %add3A_632, %iota3A : vector<16xi32>
          %gather3A_634 = tpu.vector_load_idx %arg6[%add3A_633, %and3A_617] : memref<160x128xf32, #tpu.memory_space<vmem>>[vector<16xi32>, vector<16xi32>], vector<16xf32>,
          %mul3A_635 = arith.mulf %gather3A_634, %gather3A_618 : vector<16xf32>
          %add3A_636 = arith.addf %add3A_568, %mul3A_635 : vector<16xf32>
          %add3A_637 = arith.constant 48 : i32
          %add3A_638 = vector.broadcast %add3A_637 : i32 to vector<16xi32>
          %add3A_639 = arith.addi %add3A_638, %iota3A : vector<16xi32>
          %gather3A_640 = tpu.vector_load_idx %arg6[%add3A_639, %and3A_617] : memref<160x128xf32, #tpu.memory_space<vmem>>[vector<16xi32>, vector<16xi32>], vector<16xf32>,
          %mul3A_641 = arith.mulf %gather3A_640, %gather3A_618 : vector<16xf32>
          %add3A_642 = arith.addf %add3A_574, %mul3A_641 : vector<16xf32>
          %add3A_643 = arith.constant 64 : i32
          %add3A_644 = vector.broadcast %add3A_643 : i32 to vector<16xi32>
          %add3A_645 = arith.addi %add3A_644, %iota3A : vector<16xi32>
          %gather3A_646 = tpu.vector_load_idx %arg6[%add3A_645, %and3A_617] : memref<160x128xf32, #tpu.memory_space<vmem>>[vector<16xi32>, vector<16xi32>], vector<16xf32>,
          %mul3A_647 = arith.mulf %gather3A_646, %gather3A_618 : vector<16xf32>
          %add3A_648 = arith.addf %add3A_580, %mul3A_647 : vector<16xf32>
          %add3A_649 = arith.constant 80 : i32
          %add3A_650 = vector.broadcast %add3A_649 : i32 to vector<16xi32>
          %add3A_651 = arith.addi %add3A_650, %iota3A : vector<16xi32>
          %gather3A_652 = tpu.vector_load_idx %arg6[%add3A_651, %and3A_617] : memref<160x128xf32, #tpu.memory_space<vmem>>[vector<16xi32>, vector<16xi32>], vector<16xf32>,
          %mul3A_653 = arith.mulf %gather3A_652, %gather3A_618 : vector<16xf32>
          %add3A_654 = arith.addf %add3A_586, %mul3A_653 : vector<16xf32>
          %add3A_655 = arith.constant 96 : i32
          %add3A_656 = vector.broadcast %add3A_655 : i32 to vector<16xi32>
          %add3A_657 = arith.addi %add3A_656, %iota3A : vector<16xi32>
          %gather3A_658 = tpu.vector_load_idx %arg6[%add3A_657, %and3A_617] : memref<160x128xf32, #tpu.memory_space<vmem>>[vector<16xi32>, vector<16xi32>], vector<16xf32>,
          %mul3A_659 = arith.mulf %gather3A_658, %gather3A_618 : vector<16xf32>
          %add3A_660 = arith.addf %add3A_592, %mul3A_659 : vector<16xf32>
          %add3A_661 = arith.constant 112 : i32
          %add3A_662 = vector.broadcast %add3A_661 : i32 to vector<16xi32>
          %add3A_663 = arith.addi %add3A_662, %iota3A : vector<16xi32>
          %gather3A_664 = tpu.vector_load_idx %arg6[%add3A_663, %and3A_617] : memref<160x128xf32, #tpu.memory_space<vmem>>[vector<16xi32>, vector<16xi32>], vector<16xf32>,
          %mul3A_665 = arith.mulf %gather3A_664, %gather3A_618 : vector<16xf32>
          %add3A_666 = arith.addf %add3A_598, %mul3A_665 : vector<16xf32>
          %add3A_667 = arith.constant 128 : i32
          %add3A_668 = vector.broadcast %add3A_667 : i32 to vector<16xi32>
          %add3A_669 = arith.addi %add3A_668, %iota3A : vector<16xi32>
          %gather3A_670 = tpu.vector_load_idx %arg6[%add3A_669, %and3A_617] : memref<160x128xf32, #tpu.memory_space<vmem>>[vector<16xi32>, vector<16xi32>], vector<16xf32>,
          %mul3A_671 = arith.mulf %gather3A_670, %gather3A_618 : vector<16xf32>
          %add3A_672 = arith.addf %add3A_604, %mul3A_671 : vector<16xf32>
          %add3A_673 = arith.constant 144 : i32
          %add3A_674 = vector.broadcast %add3A_673 : i32 to vector<16xi32>
          %add3A_675 = arith.addi %add3A_674, %iota3A : vector<16xi32>
          %gather3A_676 = tpu.vector_load_idx %arg6[%add3A_675, %and3A_617] : memref<160x128xf32, #tpu.memory_space<vmem>>[vector<16xi32>, vector<16xi32>], vector<16xf32>,
          %mul3A_677 = arith.mulf %gather3A_676, %gather3A_618 : vector<16xf32>
          %add3A_678 = arith.addf %add3A_610, %mul3A_677 : vector<16xf32>
          %scan3A_679 = arith.constant 6 : i32
          %scan3A_680 = arith.addi %scan3A_264, %scan3A_679 : i32
          %add3A_681 = vector.broadcast %scan3A_680 : i32 to vector<16xi32>
          %add3A_682 = arith.addi %add3A_681, %iota3A : vector<16xi32>
          %and3A_683 = arith.constant 127 : i32
          %and3A_684 = vector.broadcast %and3A_683 : i32 to vector<16xi32>
          %and3A_685 = arith.andi %add3A_682, %and3A_684 : vector<16xi32>
          %gather3A_686 = tpu.vector_load_idx %arg9[%broadcast_in_dim3A_1, %and3A_685] : memref<1x128xf32, #tpu.memory_space<vmem>>[vector<16xi32>, vector<16xi32>], vector<16xf32>,
          %add3A_687 = arith.constant 0 : i32
          %add3A_688 = vector.broadcast %add3A_687 : i32 to vector<16xi32>
          %add3A_689 = arith.addi %add3A_688, %iota3A : vector<16xi32>
          %gather3A_690 = tpu.vector_load_idx %arg6[%add3A_689, %and3A_685] : memref<160x128xf32, #tpu.memory_space<vmem>>[vector<16xi32>, vector<16xi32>], vector<16xf32>,
          %mul3A_691 = arith.mulf %gather3A_690, %gather3A_686 : vector<16xf32>
          %add3A_692 = arith.addf %add3A_624, %mul3A_691 : vector<16xf32>
          %add3A_693 = arith.constant 16 : i32
          %add3A_694 = vector.broadcast %add3A_693 : i32 to vector<16xi32>
          %add3A_695 = arith.addi %add3A_694, %iota3A : vector<16xi32>
          %gather3A_696 = tpu.vector_load_idx %arg6[%add3A_695, %and3A_685] : memref<160x128xf32, #tpu.memory_space<vmem>>[vector<16xi32>, vector<16xi32>], vector<16xf32>,
          %mul3A_697 = arith.mulf %gather3A_696, %gather3A_686 : vector<16xf32>
          %add3A_698 = arith.addf %add3A_630, %mul3A_697 : vector<16xf32>
          %add3A_699 = arith.constant 32 : i32
          %add3A_700 = vector.broadcast %add3A_699 : i32 to vector<16xi32>
          %add3A_701 = arith.addi %add3A_700, %iota3A : vector<16xi32>
          %gather3A_702 = tpu.vector_load_idx %arg6[%add3A_701, %and3A_685] : memref<160x128xf32, #tpu.memory_space<vmem>>[vector<16xi32>, vector<16xi32>], vector<16xf32>,
          %mul3A_703 = arith.mulf %gather3A_702, %gather3A_686 : vector<16xf32>
          %add3A_704 = arith.addf %add3A_636, %mul3A_703 : vector<16xf32>
          %add3A_705 = arith.constant 48 : i32
          %add3A_706 = vector.broadcast %add3A_705 : i32 to vector<16xi32>
          %add3A_707 = arith.addi %add3A_706, %iota3A : vector<16xi32>
          %gather3A_708 = tpu.vector_load_idx %arg6[%add3A_707, %and3A_685] : memref<160x128xf32, #tpu.memory_space<vmem>>[vector<16xi32>, vector<16xi32>], vector<16xf32>,
          %mul3A_709 = arith.mulf %gather3A_708, %gather3A_686 : vector<16xf32>
          %add3A_710 = arith.addf %add3A_642, %mul3A_709 : vector<16xf32>
          %add3A_711 = arith.constant 64 : i32
          %add3A_712 = vector.broadcast %add3A_711 : i32 to vector<16xi32>
          %add3A_713 = arith.addi %add3A_712, %iota3A : vector<16xi32>
          %gather3A_714 = tpu.vector_load_idx %arg6[%add3A_713, %and3A_685] : memref<160x128xf32, #tpu.memory_space<vmem>>[vector<16xi32>, vector<16xi32>], vector<16xf32>,
          %mul3A_715 = arith.mulf %gather3A_714, %gather3A_686 : vector<16xf32>
          %add3A_716 = arith.addf %add3A_648, %mul3A_715 : vector<16xf32>
          %add3A_717 = arith.constant 80 : i32
          %add3A_718 = vector.broadcast %add3A_717 : i32 to vector<16xi32>
          %add3A_719 = arith.addi %add3A_718, %iota3A : vector<16xi32>
          %gather3A_720 = tpu.vector_load_idx %arg6[%add3A_719, %and3A_685] : memref<160x128xf32, #tpu.memory_space<vmem>>[vector<16xi32>, vector<16xi32>], vector<16xf32>,
          %mul3A_721 = arith.mulf %gather3A_720, %gather3A_686 : vector<16xf32>
          %add3A_722 = arith.addf %add3A_654, %mul3A_721 : vector<16xf32>
          %add3A_723 = arith.constant 96 : i32
          %add3A_724 = vector.broadcast %add3A_723 : i32 to vector<16xi32>
          %add3A_725 = arith.addi %add3A_724, %iota3A : vector<16xi32>
          %gather3A_726 = tpu.vector_load_idx %arg6[%add3A_725, %and3A_685] : memref<160x128xf32, #tpu.memory_space<vmem>>[vector<16xi32>, vector<16xi32>], vector<16xf32>,
          %mul3A_727 = arith.mulf %gather3A_726, %gather3A_686 : vector<16xf32>
          %add3A_728 = arith.addf %add3A_660, %mul3A_727 : vector<16xf32>
          %add3A_729 = arith.constant 112 : i32
          %add3A_730 = vector.broadcast %add3A_729 : i32 to vector<16xi32>
          %add3A_731 = arith.addi %add3A_730, %iota3A : vector<16xi32>
          %gather3A_732 = tpu.vector_load_idx %arg6[%add3A_731, %and3A_685] : memref<160x128xf32, #tpu.memory_space<vmem>>[vector<16xi32>, vector<16xi32>], vector<16xf32>,
          %mul3A_733 = arith.mulf %gather3A_732, %gather3A_686 : vector<16xf32>
          %add3A_734 = arith.addf %add3A_666, %mul3A_733 : vector<16xf32>
          %add3A_735 = arith.constant 128 : i32
          %add3A_736 = vector.broadcast %add3A_735 : i32 to vector<16xi32>
          %add3A_737 = arith.addi %add3A_736, %iota3A : vector<16xi32>
          %gather3A_738 = tpu.vector_load_idx %arg6[%add3A_737, %and3A_685] : memref<160x128xf32, #tpu.memory_space<vmem>>[vector<16xi32>, vector<16xi32>], vector<16xf32>,
          %mul3A_739 = arith.mulf %gather3A_738, %gather3A_686 : vector<16xf32>
          %add3A_740 = arith.addf %add3A_672, %mul3A_739 : vector<16xf32>
          %add3A_741 = arith.constant 144 : i32
          %add3A_742 = vector.broadcast %add3A_741 : i32 to vector<16xi32>
          %add3A_743 = arith.addi %add3A_742, %iota3A : vector<16xi32>
          %gather3A_744 = tpu.vector_load_idx %arg6[%add3A_743, %and3A_685] : memref<160x128xf32, #tpu.memory_space<vmem>>[vector<16xi32>, vector<16xi32>], vector<16xf32>,
          %mul3A_745 = arith.mulf %gather3A_744, %gather3A_686 : vector<16xf32>
          %add3A_746 = arith.addf %add3A_678, %mul3A_745 : vector<16xf32>
          %scan3A_747 = arith.constant 7 : i32
          %scan3A_748 = arith.addi %scan3A_264, %scan3A_747 : i32
          %add3A_749 = vector.broadcast %scan3A_748 : i32 to vector<16xi32>
          %add3A_750 = arith.addi %add3A_749, %iota3A : vector<16xi32>
          %and3A_751 = arith.constant 127 : i32
          %and3A_752 = vector.broadcast %and3A_751 : i32 to vector<16xi32>
          %and3A_753 = arith.andi %add3A_750, %and3A_752 : vector<16xi32>
          %gather3A_754 = tpu.vector_load_idx %arg9[%broadcast_in_dim3A_1, %and3A_753] : memref<1x128xf32, #tpu.memory_space<vmem>>[vector<16xi32>, vector<16xi32>], vector<16xf32>,
          %add3A_755 = arith.constant 0 : i32
          %add3A_756 = vector.broadcast %add3A_755 : i32 to vector<16xi32>
          %add3A_757 = arith.addi %add3A_756, %iota3A : vector<16xi32>
          %gather3A_758 = tpu.vector_load_idx %arg6[%add3A_757, %and3A_753] : memref<160x128xf32, #tpu.memory_space<vmem>>[vector<16xi32>, vector<16xi32>], vector<16xf32>,
          %mul3A_759 = arith.mulf %gather3A_758, %gather3A_754 : vector<16xf32>
          %add3A_760 = arith.addf %add3A_692, %mul3A_759 : vector<16xf32>
          %add3A_761 = arith.constant 16 : i32
          %add3A_762 = vector.broadcast %add3A_761 : i32 to vector<16xi32>
          %add3A_763 = arith.addi %add3A_762, %iota3A : vector<16xi32>
          %gather3A_764 = tpu.vector_load_idx %arg6[%add3A_763, %and3A_753] : memref<160x128xf32, #tpu.memory_space<vmem>>[vector<16xi32>, vector<16xi32>], vector<16xf32>,
          %mul3A_765 = arith.mulf %gather3A_764, %gather3A_754 : vector<16xf32>
          %add3A_766 = arith.addf %add3A_698, %mul3A_765 : vector<16xf32>
          %add3A_767 = arith.constant 32 : i32
          %add3A_768 = vector.broadcast %add3A_767 : i32 to vector<16xi32>
          %add3A_769 = arith.addi %add3A_768, %iota3A : vector<16xi32>
          %gather3A_770 = tpu.vector_load_idx %arg6[%add3A_769, %and3A_753] : memref<160x128xf32, #tpu.memory_space<vmem>>[vector<16xi32>, vector<16xi32>], vector<16xf32>,
          %mul3A_771 = arith.mulf %gather3A_770, %gather3A_754 : vector<16xf32>
          %add3A_772 = arith.addf %add3A_704, %mul3A_771 : vector<16xf32>
          %add3A_773 = arith.constant 48 : i32
          %add3A_774 = vector.broadcast %add3A_773 : i32 to vector<16xi32>
          %add3A_775 = arith.addi %add3A_774, %iota3A : vector<16xi32>
          %gather3A_776 = tpu.vector_load_idx %arg6[%add3A_775, %and3A_753] : memref<160x128xf32, #tpu.memory_space<vmem>>[vector<16xi32>, vector<16xi32>], vector<16xf32>,
          %mul3A_777 = arith.mulf %gather3A_776, %gather3A_754 : vector<16xf32>
          %add3A_778 = arith.addf %add3A_710, %mul3A_777 : vector<16xf32>
          %add3A_779 = arith.constant 64 : i32
          %add3A_780 = vector.broadcast %add3A_779 : i32 to vector<16xi32>
          %add3A_781 = arith.addi %add3A_780, %iota3A : vector<16xi32>
          %gather3A_782 = tpu.vector_load_idx %arg6[%add3A_781, %and3A_753] : memref<160x128xf32, #tpu.memory_space<vmem>>[vector<16xi32>, vector<16xi32>], vector<16xf32>,
          %mul3A_783 = arith.mulf %gather3A_782, %gather3A_754 : vector<16xf32>
          %add3A_784 = arith.addf %add3A_716, %mul3A_783 : vector<16xf32>
          %add3A_785 = arith.constant 80 : i32
          %add3A_786 = vector.broadcast %add3A_785 : i32 to vector<16xi32>
          %add3A_787 = arith.addi %add3A_786, %iota3A : vector<16xi32>
          %gather3A_788 = tpu.vector_load_idx %arg6[%add3A_787, %and3A_753] : memref<160x128xf32, #tpu.memory_space<vmem>>[vector<16xi32>, vector<16xi32>], vector<16xf32>,
          %mul3A_789 = arith.mulf %gather3A_788, %gather3A_754 : vector<16xf32>
          %add3A_790 = arith.addf %add3A_722, %mul3A_789 : vector<16xf32>
          %add3A_791 = arith.constant 96 : i32
          %add3A_792 = vector.broadcast %add3A_791 : i32 to vector<16xi32>
          %add3A_793 = arith.addi %add3A_792, %iota3A : vector<16xi32>
          %gather3A_794 = tpu.vector_load_idx %arg6[%add3A_793, %and3A_753] : memref<160x128xf32, #tpu.memory_space<vmem>>[vector<16xi32>, vector<16xi32>], vector<16xf32>,
          %mul3A_795 = arith.mulf %gather3A_794, %gather3A_754 : vector<16xf32>
          %add3A_796 = arith.addf %add3A_728, %mul3A_795 : vector<16xf32>
          %add3A_797 = arith.constant 112 : i32
          %add3A_798 = vector.broadcast %add3A_797 : i32 to vector<16xi32>
          %add3A_799 = arith.addi %add3A_798, %iota3A : vector<16xi32>
          %gather3A_800 = tpu.vector_load_idx %arg6[%add3A_799, %and3A_753] : memref<160x128xf32, #tpu.memory_space<vmem>>[vector<16xi32>, vector<16xi32>], vector<16xf32>,
          %mul3A_801 = arith.mulf %gather3A_800, %gather3A_754 : vector<16xf32>
          %add3A_802 = arith.addf %add3A_734, %mul3A_801 : vector<16xf32>
          %add3A_803 = arith.constant 128 : i32
          %add3A_804 = vector.broadcast %add3A_803 : i32 to vector<16xi32>
          %add3A_805 = arith.addi %add3A_804, %iota3A : vector<16xi32>
          %gather3A_806 = tpu.vector_load_idx %arg6[%add3A_805, %and3A_753] : memref<160x128xf32, #tpu.memory_space<vmem>>[vector<16xi32>, vector<16xi32>], vector<16xf32>,
          %mul3A_807 = arith.mulf %gather3A_806, %gather3A_754 : vector<16xf32>
          %add3A_808 = arith.addf %add3A_740, %mul3A_807 : vector<16xf32>
          %add3A_809 = arith.constant 144 : i32
          %add3A_810 = vector.broadcast %add3A_809 : i32 to vector<16xi32>
          %add3A_811 = arith.addi %add3A_810, %iota3A : vector<16xi32>
          %gather3A_812 = tpu.vector_load_idx %arg6[%add3A_811, %and3A_753] : memref<160x128xf32, #tpu.memory_space<vmem>>[vector<16xi32>, vector<16xi32>], vector<16xf32>,
          %mul3A_813 = arith.mulf %gather3A_812, %gather3A_754 : vector<16xf32>
          %add3A_814 = arith.addf %add3A_746, %mul3A_813 : vector<16xf32>
          scf.yield %add3A_760, %add3A_766, %add3A_772, %add3A_778, %add3A_784, %add3A_790, %add3A_796, %add3A_802, %add3A_808, %add3A_814 : vector<16xf32>, vector<16xf32>, vector<16xf32>, vector<16xf32>, vector<16xf32>, vector<16xf32>, vector<16xf32>, vector<16xf32>, vector<16xf32>, vector<16xf32>
        }
        %scan3A_92 = arith.constant 128 : i32
        %get3A = arith.constant 0 : index
        %get3A_93 = tpu.vector_load %arg10[%get3A] {strides = array<i32>} : memref<16xi32, #tpu.memory_space<vmem>>, vector<16xi32>,
        %swap3A_94 = arith.constant 0 : index
        %swap3A_95 = tpu.vector_load %arg8[%swap3A_94] {strides = array<i32>} : memref<160xf32, #tpu.memory_space<vmem>>, vector<16xf32>,
        tpu.vector_store %arg8[%swap3A_94], %scan3A_91#0 {strides = array<i32>} : memref<160xf32, #tpu.memory_space<vmem>>, vector<16xf32>,
        %mul3A_96 = arith.constant 160 : i32
        %mul3A_97 = arith.muli %add3A_26, %mul3A_96 : i32
        %add3A_98 = arith.constant 0 : i32
        %add3A_99 = arith.addi %mul3A_97, %add3A_98 : i32
        %add3A_100 = vector.broadcast %add3A_99 : i32 to vector<16xi32>
        %add3A_101 = arith.addi %add3A_100, %iota3A : vector<16xi32>
        %convert_element_type3A_102 = arith.fptosi %scan3A_91#0 : vector<16xf32> to vector<16xi32>
        %shift_left3A = arith.constant 17 : i32
        %shift_left3A_103 = vector.broadcast %shift_left3A : i32 to vector<16xi32>
        %shift_left3A_104 = arith.shli %convert_element_type3A_102, %shift_left3A_103 : vector<16xi32>
        %sub3A = arith.constant 131071 : i32
        %sub3A_105 = vector.broadcast %sub3A : i32 to vector<16xi32>
        %sub3A_106 = arith.subi %sub3A_105, %add3A_101 : vector<16xi32>
        %or3A = arith.ori %shift_left3A_104, %sub3A_106 : vector<16xi32>
        %max3A = arith.maxsi %get3A_93, %or3A : vector<16xi32>
        %swap3A_107 = arith.constant 16 : index
        %swap3A_108 = tpu.vector_load %arg8[%swap3A_107] {strides = array<i32>} : memref<160xf32, #tpu.memory_space<vmem>>, vector<16xf32>,
        tpu.vector_store %arg8[%swap3A_107], %scan3A_91#1 {strides = array<i32>} : memref<160xf32, #tpu.memory_space<vmem>>, vector<16xf32>,
        %mul3A_109 = arith.constant 160 : i32
        %mul3A_110 = arith.muli %add3A_26, %mul3A_109 : i32
        %add3A_111 = arith.constant 16 : i32
        %add3A_112 = arith.addi %mul3A_110, %add3A_111 : i32
        %add3A_113 = vector.broadcast %add3A_112 : i32 to vector<16xi32>
        %add3A_114 = arith.addi %add3A_113, %iota3A : vector<16xi32>
        %convert_element_type3A_115 = arith.fptosi %scan3A_91#1 : vector<16xf32> to vector<16xi32>
        %shift_left3A_116 = arith.constant 17 : i32
        %shift_left3A_117 = vector.broadcast %shift_left3A_116 : i32 to vector<16xi32>
        %shift_left3A_118 = arith.shli %convert_element_type3A_115, %shift_left3A_117 : vector<16xi32>
        %sub3A_119 = arith.constant 131071 : i32
        %sub3A_120 = vector.broadcast %sub3A_119 : i32 to vector<16xi32>
        %sub3A_121 = arith.subi %sub3A_120, %add3A_114 : vector<16xi32>
        %or3A_122 = arith.ori %shift_left3A_118, %sub3A_121 : vector<16xi32>
        %max3A_123 = arith.maxsi %max3A, %or3A_122 : vector<16xi32>
        %swap3A_124 = arith.constant 32 : index
        %swap3A_125 = tpu.vector_load %arg8[%swap3A_124] {strides = array<i32>} : memref<160xf32, #tpu.memory_space<vmem>>, vector<16xf32>,
        tpu.vector_store %arg8[%swap3A_124], %scan3A_91#2 {strides = array<i32>} : memref<160xf32, #tpu.memory_space<vmem>>, vector<16xf32>,
        %mul3A_126 = arith.constant 160 : i32
        %mul3A_127 = arith.muli %add3A_26, %mul3A_126 : i32
        %add3A_128 = arith.constant 32 : i32
        %add3A_129 = arith.addi %mul3A_127, %add3A_128 : i32
        %add3A_130 = vector.broadcast %add3A_129 : i32 to vector<16xi32>
        %add3A_131 = arith.addi %add3A_130, %iota3A : vector<16xi32>
        %convert_element_type3A_132 = arith.fptosi %scan3A_91#2 : vector<16xf32> to vector<16xi32>
        %shift_left3A_133 = arith.constant 17 : i32
        %shift_left3A_134 = vector.broadcast %shift_left3A_133 : i32 to vector<16xi32>
        %shift_left3A_135 = arith.shli %convert_element_type3A_132, %shift_left3A_134 : vector<16xi32>
        %sub3A_136 = arith.constant 131071 : i32
        %sub3A_137 = vector.broadcast %sub3A_136 : i32 to vector<16xi32>
        %sub3A_138 = arith.subi %sub3A_137, %add3A_131 : vector<16xi32>
        %or3A_139 = arith.ori %shift_left3A_135, %sub3A_138 : vector<16xi32>
        %max3A_140 = arith.maxsi %max3A_123, %or3A_139 : vector<16xi32>
        %swap3A_141 = arith.constant 48 : index
        %swap3A_142 = tpu.vector_load %arg8[%swap3A_141] {strides = array<i32>} : memref<160xf32, #tpu.memory_space<vmem>>, vector<16xf32>,
        tpu.vector_store %arg8[%swap3A_141], %scan3A_91#3 {strides = array<i32>} : memref<160xf32, #tpu.memory_space<vmem>>, vector<16xf32>,
        %mul3A_143 = arith.constant 160 : i32
        %mul3A_144 = arith.muli %add3A_26, %mul3A_143 : i32
        %add3A_145 = arith.constant 48 : i32
        %add3A_146 = arith.addi %mul3A_144, %add3A_145 : i32
        %add3A_147 = vector.broadcast %add3A_146 : i32 to vector<16xi32>
        %add3A_148 = arith.addi %add3A_147, %iota3A : vector<16xi32>
        %convert_element_type3A_149 = arith.fptosi %scan3A_91#3 : vector<16xf32> to vector<16xi32>
        %shift_left3A_150 = arith.constant 17 : i32
        %shift_left3A_151 = vector.broadcast %shift_left3A_150 : i32 to vector<16xi32>
        %shift_left3A_152 = arith.shli %convert_element_type3A_149, %shift_left3A_151 : vector<16xi32>
        %sub3A_153 = arith.constant 131071 : i32
        %sub3A_154 = vector.broadcast %sub3A_153 : i32 to vector<16xi32>
        %sub3A_155 = arith.subi %sub3A_154, %add3A_148 : vector<16xi32>
        %or3A_156 = arith.ori %shift_left3A_152, %sub3A_155 : vector<16xi32>
        %max3A_157 = arith.maxsi %max3A_140, %or3A_156 : vector<16xi32>
        %swap3A_158 = arith.constant 64 : index
        %swap3A_159 = tpu.vector_load %arg8[%swap3A_158] {strides = array<i32>} : memref<160xf32, #tpu.memory_space<vmem>>, vector<16xf32>,
        tpu.vector_store %arg8[%swap3A_158], %scan3A_91#4 {strides = array<i32>} : memref<160xf32, #tpu.memory_space<vmem>>, vector<16xf32>,
        %mul3A_160 = arith.constant 160 : i32
        %mul3A_161 = arith.muli %add3A_26, %mul3A_160 : i32
        %add3A_162 = arith.constant 64 : i32
        %add3A_163 = arith.addi %mul3A_161, %add3A_162 : i32
        %add3A_164 = vector.broadcast %add3A_163 : i32 to vector<16xi32>
        %add3A_165 = arith.addi %add3A_164, %iota3A : vector<16xi32>
        %convert_element_type3A_166 = arith.fptosi %scan3A_91#4 : vector<16xf32> to vector<16xi32>
        %shift_left3A_167 = arith.constant 17 : i32
        %shift_left3A_168 = vector.broadcast %shift_left3A_167 : i32 to vector<16xi32>
        %shift_left3A_169 = arith.shli %convert_element_type3A_166, %shift_left3A_168 : vector<16xi32>
        %sub3A_170 = arith.constant 131071 : i32
        %sub3A_171 = vector.broadcast %sub3A_170 : i32 to vector<16xi32>
        %sub3A_172 = arith.subi %sub3A_171, %add3A_165 : vector<16xi32>
        %or3A_173 = arith.ori %shift_left3A_169, %sub3A_172 : vector<16xi32>
        %max3A_174 = arith.maxsi %max3A_157, %or3A_173 : vector<16xi32>
        %swap3A_175 = arith.constant 80 : index
        %swap3A_176 = tpu.vector_load %arg8[%swap3A_175] {strides = array<i32>} : memref<160xf32, #tpu.memory_space<vmem>>, vector<16xf32>,
        tpu.vector_store %arg8[%swap3A_175], %scan3A_91#5 {strides = array<i32>} : memref<160xf32, #tpu.memory_space<vmem>>, vector<16xf32>,
        %mul3A_177 = arith.constant 160 : i32
        %mul3A_178 = arith.muli %add3A_26, %mul3A_177 : i32
        %add3A_179 = arith.constant 80 : i32
        %add3A_180 = arith.addi %mul3A_178, %add3A_179 : i32
        %add3A_181 = vector.broadcast %add3A_180 : i32 to vector<16xi32>
        %add3A_182 = arith.addi %add3A_181, %iota3A : vector<16xi32>
        %convert_element_type3A_183 = arith.fptosi %scan3A_91#5 : vector<16xf32> to vector<16xi32>
        %shift_left3A_184 = arith.constant 17 : i32
        %shift_left3A_185 = vector.broadcast %shift_left3A_184 : i32 to vector<16xi32>
        %shift_left3A_186 = arith.shli %convert_element_type3A_183, %shift_left3A_185 : vector<16xi32>
        %sub3A_187 = arith.constant 131071 : i32
        %sub3A_188 = vector.broadcast %sub3A_187 : i32 to vector<16xi32>
        %sub3A_189 = arith.subi %sub3A_188, %add3A_182 : vector<16xi32>
        %or3A_190 = arith.ori %shift_left3A_186, %sub3A_189 : vector<16xi32>
        %max3A_191 = arith.maxsi %max3A_174, %or3A_190 : vector<16xi32>
        %swap3A_192 = arith.constant 96 : index
        %swap3A_193 = tpu.vector_load %arg8[%swap3A_192] {strides = array<i32>} : memref<160xf32, #tpu.memory_space<vmem>>, vector<16xf32>,
        tpu.vector_store %arg8[%swap3A_192], %scan3A_91#6 {strides = array<i32>} : memref<160xf32, #tpu.memory_space<vmem>>, vector<16xf32>,
        %mul3A_194 = arith.constant 160 : i32
        %mul3A_195 = arith.muli %add3A_26, %mul3A_194 : i32
        %add3A_196 = arith.constant 96 : i32
        %add3A_197 = arith.addi %mul3A_195, %add3A_196 : i32
        %add3A_198 = vector.broadcast %add3A_197 : i32 to vector<16xi32>
        %add3A_199 = arith.addi %add3A_198, %iota3A : vector<16xi32>
        %convert_element_type3A_200 = arith.fptosi %scan3A_91#6 : vector<16xf32> to vector<16xi32>
        %shift_left3A_201 = arith.constant 17 : i32
        %shift_left3A_202 = vector.broadcast %shift_left3A_201 : i32 to vector<16xi32>
        %shift_left3A_203 = arith.shli %convert_element_type3A_200, %shift_left3A_202 : vector<16xi32>
        %sub3A_204 = arith.constant 131071 : i32
        %sub3A_205 = vector.broadcast %sub3A_204 : i32 to vector<16xi32>
        %sub3A_206 = arith.subi %sub3A_205, %add3A_199 : vector<16xi32>
        %or3A_207 = arith.ori %shift_left3A_203, %sub3A_206 : vector<16xi32>
        %max3A_208 = arith.maxsi %max3A_191, %or3A_207 : vector<16xi32>
        %swap3A_209 = arith.constant 112 : index
        %swap3A_210 = tpu.vector_load %arg8[%swap3A_209] {strides = array<i32>} : memref<160xf32, #tpu.memory_space<vmem>>, vector<16xf32>,
        tpu.vector_store %arg8[%swap3A_209], %scan3A_91#7 {strides = array<i32>} : memref<160xf32, #tpu.memory_space<vmem>>, vector<16xf32>,
        %mul3A_211 = arith.constant 160 : i32
        %mul3A_212 = arith.muli %add3A_26, %mul3A_211 : i32
        %add3A_213 = arith.constant 112 : i32
        %add3A_214 = arith.addi %mul3A_212, %add3A_213 : i32
        %add3A_215 = vector.broadcast %add3A_214 : i32 to vector<16xi32>
        %add3A_216 = arith.addi %add3A_215, %iota3A : vector<16xi32>
        %convert_element_type3A_217 = arith.fptosi %scan3A_91#7 : vector<16xf32> to vector<16xi32>
        %shift_left3A_218 = arith.constant 17 : i32
        %shift_left3A_219 = vector.broadcast %shift_left3A_218 : i32 to vector<16xi32>
        %shift_left3A_220 = arith.shli %convert_element_type3A_217, %shift_left3A_219 : vector<16xi32>
        %sub3A_221 = arith.constant 131071 : i32
        %sub3A_222 = vector.broadcast %sub3A_221 : i32 to vector<16xi32>
        %sub3A_223 = arith.subi %sub3A_222, %add3A_216 : vector<16xi32>
        %or3A_224 = arith.ori %shift_left3A_220, %sub3A_223 : vector<16xi32>
        %max3A_225 = arith.maxsi %max3A_208, %or3A_224 : vector<16xi32>
        %swap3A_226 = arith.constant 128 : index
        %swap3A_227 = tpu.vector_load %arg8[%swap3A_226] {strides = array<i32>} : memref<160xf32, #tpu.memory_space<vmem>>, vector<16xf32>,
        tpu.vector_store %arg8[%swap3A_226], %scan3A_91#8 {strides = array<i32>} : memref<160xf32, #tpu.memory_space<vmem>>, vector<16xf32>,
        %mul3A_228 = arith.constant 160 : i32
        %mul3A_229 = arith.muli %add3A_26, %mul3A_228 : i32
        %add3A_230 = arith.constant 128 : i32
        %add3A_231 = arith.addi %mul3A_229, %add3A_230 : i32
        %add3A_232 = vector.broadcast %add3A_231 : i32 to vector<16xi32>
        %add3A_233 = arith.addi %add3A_232, %iota3A : vector<16xi32>
        %convert_element_type3A_234 = arith.fptosi %scan3A_91#8 : vector<16xf32> to vector<16xi32>
        %shift_left3A_235 = arith.constant 17 : i32
        %shift_left3A_236 = vector.broadcast %shift_left3A_235 : i32 to vector<16xi32>
        %shift_left3A_237 = arith.shli %convert_element_type3A_234, %shift_left3A_236 : vector<16xi32>
        %sub3A_238 = arith.constant 131071 : i32
        %sub3A_239 = vector.broadcast %sub3A_238 : i32 to vector<16xi32>
        %sub3A_240 = arith.subi %sub3A_239, %add3A_233 : vector<16xi32>
        %or3A_241 = arith.ori %shift_left3A_237, %sub3A_240 : vector<16xi32>
        %max3A_242 = arith.maxsi %max3A_225, %or3A_241 : vector<16xi32>
        %swap3A_243 = arith.constant 144 : index
        %swap3A_244 = tpu.vector_load %arg8[%swap3A_243] {strides = array<i32>} : memref<160xf32, #tpu.memory_space<vmem>>, vector<16xf32>,
        tpu.vector_store %arg8[%swap3A_243], %scan3A_91#9 {strides = array<i32>} : memref<160xf32, #tpu.memory_space<vmem>>, vector<16xf32>,
        %mul3A_245 = arith.constant 160 : i32
        %mul3A_246 = arith.muli %add3A_26, %mul3A_245 : i32
        %add3A_247 = arith.constant 144 : i32
        %add3A_248 = arith.addi %mul3A_246, %add3A_247 : i32
        %add3A_249 = vector.broadcast %add3A_248 : i32 to vector<16xi32>
        %add3A_250 = arith.addi %add3A_249, %iota3A : vector<16xi32>
        %convert_element_type3A_251 = arith.fptosi %scan3A_91#9 : vector<16xf32> to vector<16xi32>
        %shift_left3A_252 = arith.constant 17 : i32
        %shift_left3A_253 = vector.broadcast %shift_left3A_252 : i32 to vector<16xi32>
        %shift_left3A_254 = arith.shli %convert_element_type3A_251, %shift_left3A_253 : vector<16xi32>
        %sub3A_255 = arith.constant 131071 : i32
        %sub3A_256 = vector.broadcast %sub3A_255 : i32 to vector<16xi32>
        %sub3A_257 = arith.subi %sub3A_256, %add3A_250 : vector<16xi32>
        %or3A_258 = arith.ori %shift_left3A_254, %sub3A_257 : vector<16xi32>
        %max3A_259 = arith.maxsi %max3A_242, %or3A_258 : vector<16xi32>
        %swap3A_260 = arith.constant 0 : index
        %swap3A_261 = tpu.vector_load %arg10[%swap3A_260] {strides = array<i32>} : memref<16xi32, #tpu.memory_space<vmem>>, vector<16xi32>,
        tpu.vector_store %arg10[%swap3A_260], %max3A_259 {strides = array<i32>} : memref<16xi32, #tpu.memory_space<vmem>>, vector<16xi32>,
        %mul3A_262 = arith.constant 160 : i32
        %mul3A_263 = arith.muli %add3A_26, %mul3A_262 : i32
        "tpu.region"() ({
          %run_scoped3A = tpu.sem_alloc : memref<!tpu.dma_semaphore, #tpu.memory_space<semaphore_mem>>
          %dma_start3A = tpu.memref_slice %arg4[%mul3A_263] : memref<100000xf32, #tpu.memory_space<hbm>> -> memref<160xf32, #tpu.memory_space<hbm>>
          %dma_start3A_264 = tpu.memref_slice %arg4[%mul3A_263] : memref<100000xf32, #tpu.memory_space<hbm>> -> memref<160xf32, #tpu.memory_space<hbm>>
          tpu.enqueue_dma source(%arg8 : memref<160xf32, #tpu.memory_space<vmem>>) target(%dma_start3A_264 : memref<160xf32, #tpu.memory_space<hbm>>) target_semaphore(%run_scoped3A : memref<!tpu.dma_semaphore, #tpu.memory_space<semaphore_mem>>)
          %dma_wait3A_265 = tpu.memref_slice %arg4[%mul3A_263] : memref<100000xf32, #tpu.memory_space<hbm>> -> memref<160xf32, #tpu.memory_space<hbm>>
          %dma_wait3A_266 = tpu.memref_slice %arg4[%mul3A_263] : memref<100000xf32, #tpu.memory_space<hbm>> -> memref<160xf32, #tpu.memory_space<hbm>>
          tpu.wait_dma2 semaphore(%run_scoped3A : memref<!tpu.dma_semaphore, #tpu.memory_space<semaphore_mem>>) src(%arg8 : memref<160xf32, #tpu.memory_space<vmem>>) dst(%dma_wait3A_266 : memref<160xf32, #tpu.memory_space<hbm>>)
          tpu.yield
        }) : () -> ()
      } else {
      }
      %add3A_32 = arith.constant 2 : i32
      %add3A_33 = arith.addi %mul3A_23, %add3A_32 : i32
      %mul3A_34 = arith.constant 32 : i32
      %mul3A_35 = arith.muli %add3A_33, %mul3A_34 : i32
      %add3A_36 = arith.addi %add3A, %mul3A_35 : i32
      %lt3A_37 = arith.constant 625 : i32
      %lt3A_38 = arith.cmpi slt, %add3A_36, %lt3A_37 : i32
      %convert_element_type3A_39 = arith.extui %lt3A_38 : i1 to i32
      %cond3A_40 = arith.constant 0 : i32
      %cond3A_41 = arith.cmpi ne, %convert_element_type3A_39, %cond3A_40 : i32
      scf.if %cond3A_41 {
        %mul3A_62 = arith.constant 160 : i32
        %mul3A_63 = arith.muli %add3A_36, %mul3A_62 : i32
        %dma_start3A = arith.constant 0 : i32
        %dma_start3A_64 = tpu.memref_slice %arg3[%mul3A_63, %dma_start3A] : memref<100000x128xf32, #tpu.memory_space<hbm>> -> memref<160x128xf32, #tpu.memory_space<hbm>>
        %dma_start3A_65 = arith.constant 0 : i32
        %dma_start3A_66 = tpu.memref_slice %arg3[%mul3A_63, %dma_start3A_65] : memref<100000x128xf32, #tpu.memory_space<hbm>> -> memref<160x128xf32, #tpu.memory_space<hbm>>
        tpu.enqueue_dma source(%dma_start3A_66 : memref<160x128xf32, #tpu.memory_space<hbm>>) target(%arg6 : memref<160x128xf32, #tpu.memory_space<vmem>>) target_semaphore(%arg11 : memref<!tpu.dma_semaphore, #tpu.memory_space<semaphore_mem>>)
      } else {
      }
      %add3A_42 = arith.constant 1 : i32
      %add3A_43 = arith.addi %mul3A_23, %add3A_42 : i32
      %mul3A_44 = arith.constant 32 : i32
      %mul3A_45 = arith.muli %add3A_43, %mul3A_44 : i32
      %add3A_46 = arith.addi %add3A, %mul3A_45 : i32
      %lt3A_47 = arith.constant 625 : i32
      %lt3A_48 = arith.cmpi slt, %add3A_46, %lt3A_47 : i32
      %convert_element_type3A_49 = arith.extui %lt3A_48 : i1 to i32
      %cond3A_50 = arith.constant 0 : i32
      %cond3A_51 = arith.cmpi ne, %convert_element_type3A_49, %cond3A_50 : i32
      scf.if %cond3A_51 {
        %mul3A_62 = arith.constant 160 : i32
        %mul3A_63 = arith.muli %add3A_46, %mul3A_62 : i32
        %dma_wait3A = arith.constant 0 : i32
        %dma_wait3A_64 = tpu.memref_slice %arg3[%mul3A_63, %dma_wait3A] : memref<100000x128xf32, #tpu.memory_space<hbm>> -> memref<160x128xf32, #tpu.memory_space<hbm>>
        %dma_wait3A_65 = arith.constant 0 : i32
        %dma_wait3A_66 = tpu.memref_slice %arg3[%mul3A_63, %dma_wait3A_65] : memref<100000x128xf32, #tpu.memory_space<hbm>> -> memref<160x128xf32, #tpu.memory_space<hbm>>
        tpu.wait_dma2 semaphore(%arg12 : memref<!tpu.dma_semaphore, #tpu.memory_space<semaphore_mem>>) src(%dma_wait3A_66 : memref<160x128xf32, #tpu.memory_space<hbm>>) dst(%arg7 : memref<160x128xf32, #tpu.memory_space<vmem>>)
        %broadcast_in_dim3A_67 = arith.constant 0.000000e+00 : f32
        %broadcast_in_dim3A_68 = vector.broadcast %broadcast_in_dim3A_67 : f32 to vector<16xf32>
        %broadcast_in_dim3A_69 = arith.constant 0.000000e+00 : f32
        %broadcast_in_dim3A_70 = vector.broadcast %broadcast_in_dim3A_69 : f32 to vector<16xf32>
        %broadcast_in_dim3A_71 = arith.constant 0.000000e+00 : f32
        %broadcast_in_dim3A_72 = vector.broadcast %broadcast_in_dim3A_71 : f32 to vector<16xf32>
        %broadcast_in_dim3A_73 = arith.constant 0.000000e+00 : f32
        %broadcast_in_dim3A_74 = vector.broadcast %broadcast_in_dim3A_73 : f32 to vector<16xf32>
        %broadcast_in_dim3A_75 = arith.constant 0.000000e+00 : f32
        %broadcast_in_dim3A_76 = vector.broadcast %broadcast_in_dim3A_75 : f32 to vector<16xf32>
        %broadcast_in_dim3A_77 = arith.constant 0.000000e+00 : f32
        %broadcast_in_dim3A_78 = vector.broadcast %broadcast_in_dim3A_77 : f32 to vector<16xf32>
        %broadcast_in_dim3A_79 = arith.constant 0.000000e+00 : f32
        %broadcast_in_dim3A_80 = vector.broadcast %broadcast_in_dim3A_79 : f32 to vector<16xf32>
        %broadcast_in_dim3A_81 = arith.constant 0.000000e+00 : f32
        %broadcast_in_dim3A_82 = vector.broadcast %broadcast_in_dim3A_81 : f32 to vector<16xf32>
        %broadcast_in_dim3A_83 = arith.constant 0.000000e+00 : f32
        %broadcast_in_dim3A_84 = vector.broadcast %broadcast_in_dim3A_83 : f32 to vector<16xf32>
        %broadcast_in_dim3A_85 = arith.constant 0.000000e+00 : f32
        %broadcast_in_dim3A_86 = vector.broadcast %broadcast_in_dim3A_85 : f32 to vector<16xf32>
        %scan3A_87 = arith.constant 0 : i32
        %scan3A_88 = arith.constant 128 : i32
        %scan3A_89 = arith.addi %scan3A_87, %scan3A_88 : i32
        %scan3A_90 = arith.constant 8 : i32
        %scan3A_91:10 = scf.for %scan3A_264 = %scan3A_87 to %scan3A_89 step %scan3A_90 iter_args(%scan3A_265 = %broadcast_in_dim3A_68, %scan3A_266 = %broadcast_in_dim3A_70, %scan3A_267 = %broadcast_in_dim3A_72, %scan3A_268 = %broadcast_in_dim3A_74, %scan3A_269 = %broadcast_in_dim3A_76, %scan3A_270 = %broadcast_in_dim3A_78, %scan3A_271 = %broadcast_in_dim3A_80, %scan3A_272 = %broadcast_in_dim3A_82, %scan3A_273 = %broadcast_in_dim3A_84, %scan3A_274 = %broadcast_in_dim3A_86) -> (vector<16xf32>, vector<16xf32>, vector<16xf32>, vector<16xf32>, vector<16xf32>, vector<16xf32>, vector<16xf32>, vector<16xf32>, vector<16xf32>, vector<16xf32>)  : i32 {
          %add3A_275 = vector.broadcast %scan3A_264 : i32 to vector<16xi32>
          %add3A_276 = arith.addi %add3A_275, %iota3A : vector<16xi32>
          %and3A = arith.constant 127 : i32
          %and3A_277 = vector.broadcast %and3A : i32 to vector<16xi32>
          %and3A_278 = arith.andi %add3A_276, %and3A_277 : vector<16xi32>
          %gather3A = tpu.vector_load_idx %arg9[%broadcast_in_dim3A_1, %and3A_278] : memref<1x128xf32, #tpu.memory_space<vmem>>[vector<16xi32>, vector<16xi32>], vector<16xf32>,
          %add3A_279 = arith.constant 0 : i32
          %add3A_280 = vector.broadcast %add3A_279 : i32 to vector<16xi32>
          %add3A_281 = arith.addi %add3A_280, %iota3A : vector<16xi32>
          %gather3A_282 = tpu.vector_load_idx %arg7[%add3A_281, %and3A_278] : memref<160x128xf32, #tpu.memory_space<vmem>>[vector<16xi32>, vector<16xi32>], vector<16xf32>,
          %mul3A_283 = arith.mulf %gather3A_282, %gather3A : vector<16xf32>
          %add3A_284 = arith.addf %scan3A_265, %mul3A_283 : vector<16xf32>
          %add3A_285 = arith.constant 16 : i32
          %add3A_286 = vector.broadcast %add3A_285 : i32 to vector<16xi32>
          %add3A_287 = arith.addi %add3A_286, %iota3A : vector<16xi32>
          %gather3A_288 = tpu.vector_load_idx %arg7[%add3A_287, %and3A_278] : memref<160x128xf32, #tpu.memory_space<vmem>>[vector<16xi32>, vector<16xi32>], vector<16xf32>,
          %mul3A_289 = arith.mulf %gather3A_288, %gather3A : vector<16xf32>
          %add3A_290 = arith.addf %scan3A_266, %mul3A_289 : vector<16xf32>
          %add3A_291 = arith.constant 32 : i32
          %add3A_292 = vector.broadcast %add3A_291 : i32 to vector<16xi32>
          %add3A_293 = arith.addi %add3A_292, %iota3A : vector<16xi32>
          %gather3A_294 = tpu.vector_load_idx %arg7[%add3A_293, %and3A_278] : memref<160x128xf32, #tpu.memory_space<vmem>>[vector<16xi32>, vector<16xi32>], vector<16xf32>,
          %mul3A_295 = arith.mulf %gather3A_294, %gather3A : vector<16xf32>
          %add3A_296 = arith.addf %scan3A_267, %mul3A_295 : vector<16xf32>
          %add3A_297 = arith.constant 48 : i32
          %add3A_298 = vector.broadcast %add3A_297 : i32 to vector<16xi32>
          %add3A_299 = arith.addi %add3A_298, %iota3A : vector<16xi32>
          %gather3A_300 = tpu.vector_load_idx %arg7[%add3A_299, %and3A_278] : memref<160x128xf32, #tpu.memory_space<vmem>>[vector<16xi32>, vector<16xi32>], vector<16xf32>,
          %mul3A_301 = arith.mulf %gather3A_300, %gather3A : vector<16xf32>
          %add3A_302 = arith.addf %scan3A_268, %mul3A_301 : vector<16xf32>
          %add3A_303 = arith.constant 64 : i32
          %add3A_304 = vector.broadcast %add3A_303 : i32 to vector<16xi32>
          %add3A_305 = arith.addi %add3A_304, %iota3A : vector<16xi32>
          %gather3A_306 = tpu.vector_load_idx %arg7[%add3A_305, %and3A_278] : memref<160x128xf32, #tpu.memory_space<vmem>>[vector<16xi32>, vector<16xi32>], vector<16xf32>,
          %mul3A_307 = arith.mulf %gather3A_306, %gather3A : vector<16xf32>
          %add3A_308 = arith.addf %scan3A_269, %mul3A_307 : vector<16xf32>
          %add3A_309 = arith.constant 80 : i32
          %add3A_310 = vector.broadcast %add3A_309 : i32 to vector<16xi32>
          %add3A_311 = arith.addi %add3A_310, %iota3A : vector<16xi32>
          %gather3A_312 = tpu.vector_load_idx %arg7[%add3A_311, %and3A_278] : memref<160x128xf32, #tpu.memory_space<vmem>>[vector<16xi32>, vector<16xi32>], vector<16xf32>,
          %mul3A_313 = arith.mulf %gather3A_312, %gather3A : vector<16xf32>
          %add3A_314 = arith.addf %scan3A_270, %mul3A_313 : vector<16xf32>
          %add3A_315 = arith.constant 96 : i32
          %add3A_316 = vector.broadcast %add3A_315 : i32 to vector<16xi32>
          %add3A_317 = arith.addi %add3A_316, %iota3A : vector<16xi32>
          %gather3A_318 = tpu.vector_load_idx %arg7[%add3A_317, %and3A_278] : memref<160x128xf32, #tpu.memory_space<vmem>>[vector<16xi32>, vector<16xi32>], vector<16xf32>,
          %mul3A_319 = arith.mulf %gather3A_318, %gather3A : vector<16xf32>
          %add3A_320 = arith.addf %scan3A_271, %mul3A_319 : vector<16xf32>
          %add3A_321 = arith.constant 112 : i32
          %add3A_322 = vector.broadcast %add3A_321 : i32 to vector<16xi32>
          %add3A_323 = arith.addi %add3A_322, %iota3A : vector<16xi32>
          %gather3A_324 = tpu.vector_load_idx %arg7[%add3A_323, %and3A_278] : memref<160x128xf32, #tpu.memory_space<vmem>>[vector<16xi32>, vector<16xi32>], vector<16xf32>,
          %mul3A_325 = arith.mulf %gather3A_324, %gather3A : vector<16xf32>
          %add3A_326 = arith.addf %scan3A_272, %mul3A_325 : vector<16xf32>
          %add3A_327 = arith.constant 128 : i32
          %add3A_328 = vector.broadcast %add3A_327 : i32 to vector<16xi32>
          %add3A_329 = arith.addi %add3A_328, %iota3A : vector<16xi32>
          %gather3A_330 = tpu.vector_load_idx %arg7[%add3A_329, %and3A_278] : memref<160x128xf32, #tpu.memory_space<vmem>>[vector<16xi32>, vector<16xi32>], vector<16xf32>,
          %mul3A_331 = arith.mulf %gather3A_330, %gather3A : vector<16xf32>
          %add3A_332 = arith.addf %scan3A_273, %mul3A_331 : vector<16xf32>
          %add3A_333 = arith.constant 144 : i32
          %add3A_334 = vector.broadcast %add3A_333 : i32 to vector<16xi32>
          %add3A_335 = arith.addi %add3A_334, %iota3A : vector<16xi32>
          %gather3A_336 = tpu.vector_load_idx %arg7[%add3A_335, %and3A_278] : memref<160x128xf32, #tpu.memory_space<vmem>>[vector<16xi32>, vector<16xi32>], vector<16xf32>,
          %mul3A_337 = arith.mulf %gather3A_336, %gather3A : vector<16xf32>
          %add3A_338 = arith.addf %scan3A_274, %mul3A_337 : vector<16xf32>
          %scan3A_339 = arith.constant 1 : i32
          %scan3A_340 = arith.addi %scan3A_264, %scan3A_339 : i32
          %add3A_341 = vector.broadcast %scan3A_340 : i32 to vector<16xi32>
          %add3A_342 = arith.addi %add3A_341, %iota3A : vector<16xi32>
          %and3A_343 = arith.constant 127 : i32
          %and3A_344 = vector.broadcast %and3A_343 : i32 to vector<16xi32>
          %and3A_345 = arith.andi %add3A_342, %and3A_344 : vector<16xi32>
          %gather3A_346 = tpu.vector_load_idx %arg9[%broadcast_in_dim3A_1, %and3A_345] : memref<1x128xf32, #tpu.memory_space<vmem>>[vector<16xi32>, vector<16xi32>], vector<16xf32>,
          %add3A_347 = arith.constant 0 : i32
          %add3A_348 = vector.broadcast %add3A_347 : i32 to vector<16xi32>
          %add3A_349 = arith.addi %add3A_348, %iota3A : vector<16xi32>
          %gather3A_350 = tpu.vector_load_idx %arg7[%add3A_349, %and3A_345] : memref<160x128xf32, #tpu.memory_space<vmem>>[vector<16xi32>, vector<16xi32>], vector<16xf32>,
          %mul3A_351 = arith.mulf %gather3A_350, %gather3A_346 : vector<16xf32>
          %add3A_352 = arith.addf %add3A_284, %mul3A_351 : vector<16xf32>
          %add3A_353 = arith.constant 16 : i32
          %add3A_354 = vector.broadcast %add3A_353 : i32 to vector<16xi32>
          %add3A_355 = arith.addi %add3A_354, %iota3A : vector<16xi32>
          %gather3A_356 = tpu.vector_load_idx %arg7[%add3A_355, %and3A_345] : memref<160x128xf32, #tpu.memory_space<vmem>>[vector<16xi32>, vector<16xi32>], vector<16xf32>,
          %mul3A_357 = arith.mulf %gather3A_356, %gather3A_346 : vector<16xf32>
          %add3A_358 = arith.addf %add3A_290, %mul3A_357 : vector<16xf32>
          %add3A_359 = arith.constant 32 : i32
          %add3A_360 = vector.broadcast %add3A_359 : i32 to vector<16xi32>
          %add3A_361 = arith.addi %add3A_360, %iota3A : vector<16xi32>
          %gather3A_362 = tpu.vector_load_idx %arg7[%add3A_361, %and3A_345] : memref<160x128xf32, #tpu.memory_space<vmem>>[vector<16xi32>, vector<16xi32>], vector<16xf32>,
          %mul3A_363 = arith.mulf %gather3A_362, %gather3A_346 : vector<16xf32>
          %add3A_364 = arith.addf %add3A_296, %mul3A_363 : vector<16xf32>
          %add3A_365 = arith.constant 48 : i32
          %add3A_366 = vector.broadcast %add3A_365 : i32 to vector<16xi32>
          %add3A_367 = arith.addi %add3A_366, %iota3A : vector<16xi32>
          %gather3A_368 = tpu.vector_load_idx %arg7[%add3A_367, %and3A_345] : memref<160x128xf32, #tpu.memory_space<vmem>>[vector<16xi32>, vector<16xi32>], vector<16xf32>,
          %mul3A_369 = arith.mulf %gather3A_368, %gather3A_346 : vector<16xf32>
          %add3A_370 = arith.addf %add3A_302, %mul3A_369 : vector<16xf32>
          %add3A_371 = arith.constant 64 : i32
          %add3A_372 = vector.broadcast %add3A_371 : i32 to vector<16xi32>
          %add3A_373 = arith.addi %add3A_372, %iota3A : vector<16xi32>
          %gather3A_374 = tpu.vector_load_idx %arg7[%add3A_373, %and3A_345] : memref<160x128xf32, #tpu.memory_space<vmem>>[vector<16xi32>, vector<16xi32>], vector<16xf32>,
          %mul3A_375 = arith.mulf %gather3A_374, %gather3A_346 : vector<16xf32>
          %add3A_376 = arith.addf %add3A_308, %mul3A_375 : vector<16xf32>
          %add3A_377 = arith.constant 80 : i32
          %add3A_378 = vector.broadcast %add3A_377 : i32 to vector<16xi32>
          %add3A_379 = arith.addi %add3A_378, %iota3A : vector<16xi32>
          %gather3A_380 = tpu.vector_load_idx %arg7[%add3A_379, %and3A_345] : memref<160x128xf32, #tpu.memory_space<vmem>>[vector<16xi32>, vector<16xi32>], vector<16xf32>,
          %mul3A_381 = arith.mulf %gather3A_380, %gather3A_346 : vector<16xf32>
          %add3A_382 = arith.addf %add3A_314, %mul3A_381 : vector<16xf32>
          %add3A_383 = arith.constant 96 : i32
          %add3A_384 = vector.broadcast %add3A_383 : i32 to vector<16xi32>
          %add3A_385 = arith.addi %add3A_384, %iota3A : vector<16xi32>
          %gather3A_386 = tpu.vector_load_idx %arg7[%add3A_385, %and3A_345] : memref<160x128xf32, #tpu.memory_space<vmem>>[vector<16xi32>, vector<16xi32>], vector<16xf32>,
          %mul3A_387 = arith.mulf %gather3A_386, %gather3A_346 : vector<16xf32>
          %add3A_388 = arith.addf %add3A_320, %mul3A_387 : vector<16xf32>
          %add3A_389 = arith.constant 112 : i32
          %add3A_390 = vector.broadcast %add3A_389 : i32 to vector<16xi32>
          %add3A_391 = arith.addi %add3A_390, %iota3A : vector<16xi32>
          %gather3A_392 = tpu.vector_load_idx %arg7[%add3A_391, %and3A_345] : memref<160x128xf32, #tpu.memory_space<vmem>>[vector<16xi32>, vector<16xi32>], vector<16xf32>,
          %mul3A_393 = arith.mulf %gather3A_392, %gather3A_346 : vector<16xf32>
          %add3A_394 = arith.addf %add3A_326, %mul3A_393 : vector<16xf32>
          %add3A_395 = arith.constant 128 : i32
          %add3A_396 = vector.broadcast %add3A_395 : i32 to vector<16xi32>
          %add3A_397 = arith.addi %add3A_396, %iota3A : vector<16xi32>
          %gather3A_398 = tpu.vector_load_idx %arg7[%add3A_397, %and3A_345] : memref<160x128xf32, #tpu.memory_space<vmem>>[vector<16xi32>, vector<16xi32>], vector<16xf32>,
          %mul3A_399 = arith.mulf %gather3A_398, %gather3A_346 : vector<16xf32>
          %add3A_400 = arith.addf %add3A_332, %mul3A_399 : vector<16xf32>
          %add3A_401 = arith.constant 144 : i32
          %add3A_402 = vector.broadcast %add3A_401 : i32 to vector<16xi32>
          %add3A_403 = arith.addi %add3A_402, %iota3A : vector<16xi32>
          %gather3A_404 = tpu.vector_load_idx %arg7[%add3A_403, %and3A_345] : memref<160x128xf32, #tpu.memory_space<vmem>>[vector<16xi32>, vector<16xi32>], vector<16xf32>,
          %mul3A_405 = arith.mulf %gather3A_404, %gather3A_346 : vector<16xf32>
          %add3A_406 = arith.addf %add3A_338, %mul3A_405 : vector<16xf32>
          %scan3A_407 = arith.constant 2 : i32
          %scan3A_408 = arith.addi %scan3A_264, %scan3A_407 : i32
          %add3A_409 = vector.broadcast %scan3A_408 : i32 to vector<16xi32>
          %add3A_410 = arith.addi %add3A_409, %iota3A : vector<16xi32>
          %and3A_411 = arith.constant 127 : i32
          %and3A_412 = vector.broadcast %and3A_411 : i32 to vector<16xi32>
          %and3A_413 = arith.andi %add3A_410, %and3A_412 : vector<16xi32>
          %gather3A_414 = tpu.vector_load_idx %arg9[%broadcast_in_dim3A_1, %and3A_413] : memref<1x128xf32, #tpu.memory_space<vmem>>[vector<16xi32>, vector<16xi32>], vector<16xf32>,
          %add3A_415 = arith.constant 0 : i32
          %add3A_416 = vector.broadcast %add3A_415 : i32 to vector<16xi32>
          %add3A_417 = arith.addi %add3A_416, %iota3A : vector<16xi32>
          %gather3A_418 = tpu.vector_load_idx %arg7[%add3A_417, %and3A_413] : memref<160x128xf32, #tpu.memory_space<vmem>>[vector<16xi32>, vector<16xi32>], vector<16xf32>,
          %mul3A_419 = arith.mulf %gather3A_418, %gather3A_414 : vector<16xf32>
          %add3A_420 = arith.addf %add3A_352, %mul3A_419 : vector<16xf32>
          %add3A_421 = arith.constant 16 : i32
          %add3A_422 = vector.broadcast %add3A_421 : i32 to vector<16xi32>
          %add3A_423 = arith.addi %add3A_422, %iota3A : vector<16xi32>
          %gather3A_424 = tpu.vector_load_idx %arg7[%add3A_423, %and3A_413] : memref<160x128xf32, #tpu.memory_space<vmem>>[vector<16xi32>, vector<16xi32>], vector<16xf32>,
          %mul3A_425 = arith.mulf %gather3A_424, %gather3A_414 : vector<16xf32>
          %add3A_426 = arith.addf %add3A_358, %mul3A_425 : vector<16xf32>
          %add3A_427 = arith.constant 32 : i32
          %add3A_428 = vector.broadcast %add3A_427 : i32 to vector<16xi32>
          %add3A_429 = arith.addi %add3A_428, %iota3A : vector<16xi32>
          %gather3A_430 = tpu.vector_load_idx %arg7[%add3A_429, %and3A_413] : memref<160x128xf32, #tpu.memory_space<vmem>>[vector<16xi32>, vector<16xi32>], vector<16xf32>,
          %mul3A_431 = arith.mulf %gather3A_430, %gather3A_414 : vector<16xf32>
          %add3A_432 = arith.addf %add3A_364, %mul3A_431 : vector<16xf32>
          %add3A_433 = arith.constant 48 : i32
          %add3A_434 = vector.broadcast %add3A_433 : i32 to vector<16xi32>
          %add3A_435 = arith.addi %add3A_434, %iota3A : vector<16xi32>
          %gather3A_436 = tpu.vector_load_idx %arg7[%add3A_435, %and3A_413] : memref<160x128xf32, #tpu.memory_space<vmem>>[vector<16xi32>, vector<16xi32>], vector<16xf32>,
          %mul3A_437 = arith.mulf %gather3A_436, %gather3A_414 : vector<16xf32>
          %add3A_438 = arith.addf %add3A_370, %mul3A_437 : vector<16xf32>
          %add3A_439 = arith.constant 64 : i32
          %add3A_440 = vector.broadcast %add3A_439 : i32 to vector<16xi32>
          %add3A_441 = arith.addi %add3A_440, %iota3A : vector<16xi32>
          %gather3A_442 = tpu.vector_load_idx %arg7[%add3A_441, %and3A_413] : memref<160x128xf32, #tpu.memory_space<vmem>>[vector<16xi32>, vector<16xi32>], vector<16xf32>,
          %mul3A_443 = arith.mulf %gather3A_442, %gather3A_414 : vector<16xf32>
          %add3A_444 = arith.addf %add3A_376, %mul3A_443 : vector<16xf32>
          %add3A_445 = arith.constant 80 : i32
          %add3A_446 = vector.broadcast %add3A_445 : i32 to vector<16xi32>
          %add3A_447 = arith.addi %add3A_446, %iota3A : vector<16xi32>
          %gather3A_448 = tpu.vector_load_idx %arg7[%add3A_447, %and3A_413] : memref<160x128xf32, #tpu.memory_space<vmem>>[vector<16xi32>, vector<16xi32>], vector<16xf32>,
          %mul3A_449 = arith.mulf %gather3A_448, %gather3A_414 : vector<16xf32>
          %add3A_450 = arith.addf %add3A_382, %mul3A_449 : vector<16xf32>
          %add3A_451 = arith.constant 96 : i32
          %add3A_452 = vector.broadcast %add3A_451 : i32 to vector<16xi32>
          %add3A_453 = arith.addi %add3A_452, %iota3A : vector<16xi32>
          %gather3A_454 = tpu.vector_load_idx %arg7[%add3A_453, %and3A_413] : memref<160x128xf32, #tpu.memory_space<vmem>>[vector<16xi32>, vector<16xi32>], vector<16xf32>,
          %mul3A_455 = arith.mulf %gather3A_454, %gather3A_414 : vector<16xf32>
          %add3A_456 = arith.addf %add3A_388, %mul3A_455 : vector<16xf32>
          %add3A_457 = arith.constant 112 : i32
          %add3A_458 = vector.broadcast %add3A_457 : i32 to vector<16xi32>
          %add3A_459 = arith.addi %add3A_458, %iota3A : vector<16xi32>
          %gather3A_460 = tpu.vector_load_idx %arg7[%add3A_459, %and3A_413] : memref<160x128xf32, #tpu.memory_space<vmem>>[vector<16xi32>, vector<16xi32>], vector<16xf32>,
          %mul3A_461 = arith.mulf %gather3A_460, %gather3A_414 : vector<16xf32>
          %add3A_462 = arith.addf %add3A_394, %mul3A_461 : vector<16xf32>
          %add3A_463 = arith.constant 128 : i32
          %add3A_464 = vector.broadcast %add3A_463 : i32 to vector<16xi32>
          %add3A_465 = arith.addi %add3A_464, %iota3A : vector<16xi32>
          %gather3A_466 = tpu.vector_load_idx %arg7[%add3A_465, %and3A_413] : memref<160x128xf32, #tpu.memory_space<vmem>>[vector<16xi32>, vector<16xi32>], vector<16xf32>,
          %mul3A_467 = arith.mulf %gather3A_466, %gather3A_414 : vector<16xf32>
          %add3A_468 = arith.addf %add3A_400, %mul3A_467 : vector<16xf32>
          %add3A_469 = arith.constant 144 : i32
          %add3A_470 = vector.broadcast %add3A_469 : i32 to vector<16xi32>
          %add3A_471 = arith.addi %add3A_470, %iota3A : vector<16xi32>
          %gather3A_472 = tpu.vector_load_idx %arg7[%add3A_471, %and3A_413] : memref<160x128xf32, #tpu.memory_space<vmem>>[vector<16xi32>, vector<16xi32>], vector<16xf32>,
          %mul3A_473 = arith.mulf %gather3A_472, %gather3A_414 : vector<16xf32>
          %add3A_474 = arith.addf %add3A_406, %mul3A_473 : vector<16xf32>
          %scan3A_475 = arith.constant 3 : i32
          %scan3A_476 = arith.addi %scan3A_264, %scan3A_475 : i32
          %add3A_477 = vector.broadcast %scan3A_476 : i32 to vector<16xi32>
          %add3A_478 = arith.addi %add3A_477, %iota3A : vector<16xi32>
          %and3A_479 = arith.constant 127 : i32
          %and3A_480 = vector.broadcast %and3A_479 : i32 to vector<16xi32>
          %and3A_481 = arith.andi %add3A_478, %and3A_480 : vector<16xi32>
          %gather3A_482 = tpu.vector_load_idx %arg9[%broadcast_in_dim3A_1, %and3A_481] : memref<1x128xf32, #tpu.memory_space<vmem>>[vector<16xi32>, vector<16xi32>], vector<16xf32>,
          %add3A_483 = arith.constant 0 : i32
          %add3A_484 = vector.broadcast %add3A_483 : i32 to vector<16xi32>
          %add3A_485 = arith.addi %add3A_484, %iota3A : vector<16xi32>
          %gather3A_486 = tpu.vector_load_idx %arg7[%add3A_485, %and3A_481] : memref<160x128xf32, #tpu.memory_space<vmem>>[vector<16xi32>, vector<16xi32>], vector<16xf32>,
          %mul3A_487 = arith.mulf %gather3A_486, %gather3A_482 : vector<16xf32>
          %add3A_488 = arith.addf %add3A_420, %mul3A_487 : vector<16xf32>
          %add3A_489 = arith.constant 16 : i32
          %add3A_490 = vector.broadcast %add3A_489 : i32 to vector<16xi32>
          %add3A_491 = arith.addi %add3A_490, %iota3A : vector<16xi32>
          %gather3A_492 = tpu.vector_load_idx %arg7[%add3A_491, %and3A_481] : memref<160x128xf32, #tpu.memory_space<vmem>>[vector<16xi32>, vector<16xi32>], vector<16xf32>,
          %mul3A_493 = arith.mulf %gather3A_492, %gather3A_482 : vector<16xf32>
          %add3A_494 = arith.addf %add3A_426, %mul3A_493 : vector<16xf32>
          %add3A_495 = arith.constant 32 : i32
          %add3A_496 = vector.broadcast %add3A_495 : i32 to vector<16xi32>
          %add3A_497 = arith.addi %add3A_496, %iota3A : vector<16xi32>
          %gather3A_498 = tpu.vector_load_idx %arg7[%add3A_497, %and3A_481] : memref<160x128xf32, #tpu.memory_space<vmem>>[vector<16xi32>, vector<16xi32>], vector<16xf32>,
          %mul3A_499 = arith.mulf %gather3A_498, %gather3A_482 : vector<16xf32>
          %add3A_500 = arith.addf %add3A_432, %mul3A_499 : vector<16xf32>
          %add3A_501 = arith.constant 48 : i32
          %add3A_502 = vector.broadcast %add3A_501 : i32 to vector<16xi32>
          %add3A_503 = arith.addi %add3A_502, %iota3A : vector<16xi32>
          %gather3A_504 = tpu.vector_load_idx %arg7[%add3A_503, %and3A_481] : memref<160x128xf32, #tpu.memory_space<vmem>>[vector<16xi32>, vector<16xi32>], vector<16xf32>,
          %mul3A_505 = arith.mulf %gather3A_504, %gather3A_482 : vector<16xf32>
          %add3A_506 = arith.addf %add3A_438, %mul3A_505 : vector<16xf32>
          %add3A_507 = arith.constant 64 : i32
          %add3A_508 = vector.broadcast %add3A_507 : i32 to vector<16xi32>
          %add3A_509 = arith.addi %add3A_508, %iota3A : vector<16xi32>
          %gather3A_510 = tpu.vector_load_idx %arg7[%add3A_509, %and3A_481] : memref<160x128xf32, #tpu.memory_space<vmem>>[vector<16xi32>, vector<16xi32>], vector<16xf32>,
          %mul3A_511 = arith.mulf %gather3A_510, %gather3A_482 : vector<16xf32>
          %add3A_512 = arith.addf %add3A_444, %mul3A_511 : vector<16xf32>
          %add3A_513 = arith.constant 80 : i32
          %add3A_514 = vector.broadcast %add3A_513 : i32 to vector<16xi32>
          %add3A_515 = arith.addi %add3A_514, %iota3A : vector<16xi32>
          %gather3A_516 = tpu.vector_load_idx %arg7[%add3A_515, %and3A_481] : memref<160x128xf32, #tpu.memory_space<vmem>>[vector<16xi32>, vector<16xi32>], vector<16xf32>,
          %mul3A_517 = arith.mulf %gather3A_516, %gather3A_482 : vector<16xf32>
          %add3A_518 = arith.addf %add3A_450, %mul3A_517 : vector<16xf32>
          %add3A_519 = arith.constant 96 : i32
          %add3A_520 = vector.broadcast %add3A_519 : i32 to vector<16xi32>
          %add3A_521 = arith.addi %add3A_520, %iota3A : vector<16xi32>
          %gather3A_522 = tpu.vector_load_idx %arg7[%add3A_521, %and3A_481] : memref<160x128xf32, #tpu.memory_space<vmem>>[vector<16xi32>, vector<16xi32>], vector<16xf32>,
          %mul3A_523 = arith.mulf %gather3A_522, %gather3A_482 : vector<16xf32>
          %add3A_524 = arith.addf %add3A_456, %mul3A_523 : vector<16xf32>
          %add3A_525 = arith.constant 112 : i32
          %add3A_526 = vector.broadcast %add3A_525 : i32 to vector<16xi32>
          %add3A_527 = arith.addi %add3A_526, %iota3A : vector<16xi32>
          %gather3A_528 = tpu.vector_load_idx %arg7[%add3A_527, %and3A_481] : memref<160x128xf32, #tpu.memory_space<vmem>>[vector<16xi32>, vector<16xi32>], vector<16xf32>,
          %mul3A_529 = arith.mulf %gather3A_528, %gather3A_482 : vector<16xf32>
          %add3A_530 = arith.addf %add3A_462, %mul3A_529 : vector<16xf32>
          %add3A_531 = arith.constant 128 : i32
          %add3A_532 = vector.broadcast %add3A_531 : i32 to vector<16xi32>
          %add3A_533 = arith.addi %add3A_532, %iota3A : vector<16xi32>
          %gather3A_534 = tpu.vector_load_idx %arg7[%add3A_533, %and3A_481] : memref<160x128xf32, #tpu.memory_space<vmem>>[vector<16xi32>, vector<16xi32>], vector<16xf32>,
          %mul3A_535 = arith.mulf %gather3A_534, %gather3A_482 : vector<16xf32>
          %add3A_536 = arith.addf %add3A_468, %mul3A_535 : vector<16xf32>
          %add3A_537 = arith.constant 144 : i32
          %add3A_538 = vector.broadcast %add3A_537 : i32 to vector<16xi32>
          %add3A_539 = arith.addi %add3A_538, %iota3A : vector<16xi32>
          %gather3A_540 = tpu.vector_load_idx %arg7[%add3A_539, %and3A_481] : memref<160x128xf32, #tpu.memory_space<vmem>>[vector<16xi32>, vector<16xi32>], vector<16xf32>,
          %mul3A_541 = arith.mulf %gather3A_540, %gather3A_482 : vector<16xf32>
          %add3A_542 = arith.addf %add3A_474, %mul3A_541 : vector<16xf32>
          %scan3A_543 = arith.constant 4 : i32
          %scan3A_544 = arith.addi %scan3A_264, %scan3A_543 : i32
          %add3A_545 = vector.broadcast %scan3A_544 : i32 to vector<16xi32>
          %add3A_546 = arith.addi %add3A_545, %iota3A : vector<16xi32>
          %and3A_547 = arith.constant 127 : i32
          %and3A_548 = vector.broadcast %and3A_547 : i32 to vector<16xi32>
          %and3A_549 = arith.andi %add3A_546, %and3A_548 : vector<16xi32>
          %gather3A_550 = tpu.vector_load_idx %arg9[%broadcast_in_dim3A_1, %and3A_549] : memref<1x128xf32, #tpu.memory_space<vmem>>[vector<16xi32>, vector<16xi32>], vector<16xf32>,
          %add3A_551 = arith.constant 0 : i32
          %add3A_552 = vector.broadcast %add3A_551 : i32 to vector<16xi32>
          %add3A_553 = arith.addi %add3A_552, %iota3A : vector<16xi32>
          %gather3A_554 = tpu.vector_load_idx %arg7[%add3A_553, %and3A_549] : memref<160x128xf32, #tpu.memory_space<vmem>>[vector<16xi32>, vector<16xi32>], vector<16xf32>,
          %mul3A_555 = arith.mulf %gather3A_554, %gather3A_550 : vector<16xf32>
          %add3A_556 = arith.addf %add3A_488, %mul3A_555 : vector<16xf32>
          %add3A_557 = arith.constant 16 : i32
          %add3A_558 = vector.broadcast %add3A_557 : i32 to vector<16xi32>
          %add3A_559 = arith.addi %add3A_558, %iota3A : vector<16xi32>
          %gather3A_560 = tpu.vector_load_idx %arg7[%add3A_559, %and3A_549] : memref<160x128xf32, #tpu.memory_space<vmem>>[vector<16xi32>, vector<16xi32>], vector<16xf32>,
          %mul3A_561 = arith.mulf %gather3A_560, %gather3A_550 : vector<16xf32>
          %add3A_562 = arith.addf %add3A_494, %mul3A_561 : vector<16xf32>
          %add3A_563 = arith.constant 32 : i32
          %add3A_564 = vector.broadcast %add3A_563 : i32 to vector<16xi32>
          %add3A_565 = arith.addi %add3A_564, %iota3A : vector<16xi32>
          %gather3A_566 = tpu.vector_load_idx %arg7[%add3A_565, %and3A_549] : memref<160x128xf32, #tpu.memory_space<vmem>>[vector<16xi32>, vector<16xi32>], vector<16xf32>,
          %mul3A_567 = arith.mulf %gather3A_566, %gather3A_550 : vector<16xf32>
          %add3A_568 = arith.addf %add3A_500, %mul3A_567 : vector<16xf32>
          %add3A_569 = arith.constant 48 : i32
          %add3A_570 = vector.broadcast %add3A_569 : i32 to vector<16xi32>
          %add3A_571 = arith.addi %add3A_570, %iota3A : vector<16xi32>
          %gather3A_572 = tpu.vector_load_idx %arg7[%add3A_571, %and3A_549] : memref<160x128xf32, #tpu.memory_space<vmem>>[vector<16xi32>, vector<16xi32>], vector<16xf32>,
          %mul3A_573 = arith.mulf %gather3A_572, %gather3A_550 : vector<16xf32>
          %add3A_574 = arith.addf %add3A_506, %mul3A_573 : vector<16xf32>
          %add3A_575 = arith.constant 64 : i32
          %add3A_576 = vector.broadcast %add3A_575 : i32 to vector<16xi32>
          %add3A_577 = arith.addi %add3A_576, %iota3A : vector<16xi32>
          %gather3A_578 = tpu.vector_load_idx %arg7[%add3A_577, %and3A_549] : memref<160x128xf32, #tpu.memory_space<vmem>>[vector<16xi32>, vector<16xi32>], vector<16xf32>,
          %mul3A_579 = arith.mulf %gather3A_578, %gather3A_550 : vector<16xf32>
          %add3A_580 = arith.addf %add3A_512, %mul3A_579 : vector<16xf32>
          %add3A_581 = arith.constant 80 : i32
          %add3A_582 = vector.broadcast %add3A_581 : i32 to vector<16xi32>
          %add3A_583 = arith.addi %add3A_582, %iota3A : vector<16xi32>
          %gather3A_584 = tpu.vector_load_idx %arg7[%add3A_583, %and3A_549] : memref<160x128xf32, #tpu.memory_space<vmem>>[vector<16xi32>, vector<16xi32>], vector<16xf32>,
          %mul3A_585 = arith.mulf %gather3A_584, %gather3A_550 : vector<16xf32>
          %add3A_586 = arith.addf %add3A_518, %mul3A_585 : vector<16xf32>
          %add3A_587 = arith.constant 96 : i32
          %add3A_588 = vector.broadcast %add3A_587 : i32 to vector<16xi32>
          %add3A_589 = arith.addi %add3A_588, %iota3A : vector<16xi32>
          %gather3A_590 = tpu.vector_load_idx %arg7[%add3A_589, %and3A_549] : memref<160x128xf32, #tpu.memory_space<vmem>>[vector<16xi32>, vector<16xi32>], vector<16xf32>,
          %mul3A_591 = arith.mulf %gather3A_590, %gather3A_550 : vector<16xf32>
          %add3A_592 = arith.addf %add3A_524, %mul3A_591 : vector<16xf32>
          %add3A_593 = arith.constant 112 : i32
          %add3A_594 = vector.broadcast %add3A_593 : i32 to vector<16xi32>
          %add3A_595 = arith.addi %add3A_594, %iota3A : vector<16xi32>
          %gather3A_596 = tpu.vector_load_idx %arg7[%add3A_595, %and3A_549] : memref<160x128xf32, #tpu.memory_space<vmem>>[vector<16xi32>, vector<16xi32>], vector<16xf32>,
          %mul3A_597 = arith.mulf %gather3A_596, %gather3A_550 : vector<16xf32>
          %add3A_598 = arith.addf %add3A_530, %mul3A_597 : vector<16xf32>
          %add3A_599 = arith.constant 128 : i32
          %add3A_600 = vector.broadcast %add3A_599 : i32 to vector<16xi32>
          %add3A_601 = arith.addi %add3A_600, %iota3A : vector<16xi32>
          %gather3A_602 = tpu.vector_load_idx %arg7[%add3A_601, %and3A_549] : memref<160x128xf32, #tpu.memory_space<vmem>>[vector<16xi32>, vector<16xi32>], vector<16xf32>,
          %mul3A_603 = arith.mulf %gather3A_602, %gather3A_550 : vector<16xf32>
          %add3A_604 = arith.addf %add3A_536, %mul3A_603 : vector<16xf32>
          %add3A_605 = arith.constant 144 : i32
          %add3A_606 = vector.broadcast %add3A_605 : i32 to vector<16xi32>
          %add3A_607 = arith.addi %add3A_606, %iota3A : vector<16xi32>
          %gather3A_608 = tpu.vector_load_idx %arg7[%add3A_607, %and3A_549] : memref<160x128xf32, #tpu.memory_space<vmem>>[vector<16xi32>, vector<16xi32>], vector<16xf32>,
          %mul3A_609 = arith.mulf %gather3A_608, %gather3A_550 : vector<16xf32>
          %add3A_610 = arith.addf %add3A_542, %mul3A_609 : vector<16xf32>
          %scan3A_611 = arith.constant 5 : i32
          %scan3A_612 = arith.addi %scan3A_264, %scan3A_611 : i32
          %add3A_613 = vector.broadcast %scan3A_612 : i32 to vector<16xi32>
          %add3A_614 = arith.addi %add3A_613, %iota3A : vector<16xi32>
          %and3A_615 = arith.constant 127 : i32
          %and3A_616 = vector.broadcast %and3A_615 : i32 to vector<16xi32>
          %and3A_617 = arith.andi %add3A_614, %and3A_616 : vector<16xi32>
          %gather3A_618 = tpu.vector_load_idx %arg9[%broadcast_in_dim3A_1, %and3A_617] : memref<1x128xf32, #tpu.memory_space<vmem>>[vector<16xi32>, vector<16xi32>], vector<16xf32>,
          %add3A_619 = arith.constant 0 : i32
          %add3A_620 = vector.broadcast %add3A_619 : i32 to vector<16xi32>
          %add3A_621 = arith.addi %add3A_620, %iota3A : vector<16xi32>
          %gather3A_622 = tpu.vector_load_idx %arg7[%add3A_621, %and3A_617] : memref<160x128xf32, #tpu.memory_space<vmem>>[vector<16xi32>, vector<16xi32>], vector<16xf32>,
          %mul3A_623 = arith.mulf %gather3A_622, %gather3A_618 : vector<16xf32>
          %add3A_624 = arith.addf %add3A_556, %mul3A_623 : vector<16xf32>
          %add3A_625 = arith.constant 16 : i32
          %add3A_626 = vector.broadcast %add3A_625 : i32 to vector<16xi32>
          %add3A_627 = arith.addi %add3A_626, %iota3A : vector<16xi32>
          %gather3A_628 = tpu.vector_load_idx %arg7[%add3A_627, %and3A_617] : memref<160x128xf32, #tpu.memory_space<vmem>>[vector<16xi32>, vector<16xi32>], vector<16xf32>,
          %mul3A_629 = arith.mulf %gather3A_628, %gather3A_618 : vector<16xf32>
          %add3A_630 = arith.addf %add3A_562, %mul3A_629 : vector<16xf32>
          %add3A_631 = arith.constant 32 : i32
          %add3A_632 = vector.broadcast %add3A_631 : i32 to vector<16xi32>
          %add3A_633 = arith.addi %add3A_632, %iota3A : vector<16xi32>
          %gather3A_634 = tpu.vector_load_idx %arg7[%add3A_633, %and3A_617] : memref<160x128xf32, #tpu.memory_space<vmem>>[vector<16xi32>, vector<16xi32>], vector<16xf32>,
          %mul3A_635 = arith.mulf %gather3A_634, %gather3A_618 : vector<16xf32>
          %add3A_636 = arith.addf %add3A_568, %mul3A_635 : vector<16xf32>
          %add3A_637 = arith.constant 48 : i32
          %add3A_638 = vector.broadcast %add3A_637 : i32 to vector<16xi32>
          %add3A_639 = arith.addi %add3A_638, %iota3A : vector<16xi32>
          %gather3A_640 = tpu.vector_load_idx %arg7[%add3A_639, %and3A_617] : memref<160x128xf32, #tpu.memory_space<vmem>>[vector<16xi32>, vector<16xi32>], vector<16xf32>,
          %mul3A_641 = arith.mulf %gather3A_640, %gather3A_618 : vector<16xf32>
          %add3A_642 = arith.addf %add3A_574, %mul3A_641 : vector<16xf32>
          %add3A_643 = arith.constant 64 : i32
          %add3A_644 = vector.broadcast %add3A_643 : i32 to vector<16xi32>
          %add3A_645 = arith.addi %add3A_644, %iota3A : vector<16xi32>
          %gather3A_646 = tpu.vector_load_idx %arg7[%add3A_645, %and3A_617] : memref<160x128xf32, #tpu.memory_space<vmem>>[vector<16xi32>, vector<16xi32>], vector<16xf32>,
          %mul3A_647 = arith.mulf %gather3A_646, %gather3A_618 : vector<16xf32>
          %add3A_648 = arith.addf %add3A_580, %mul3A_647 : vector<16xf32>
          %add3A_649 = arith.constant 80 : i32
          %add3A_650 = vector.broadcast %add3A_649 : i32 to vector<16xi32>
          %add3A_651 = arith.addi %add3A_650, %iota3A : vector<16xi32>
          %gather3A_652 = tpu.vector_load_idx %arg7[%add3A_651, %and3A_617] : memref<160x128xf32, #tpu.memory_space<vmem>>[vector<16xi32>, vector<16xi32>], vector<16xf32>,
          %mul3A_653 = arith.mulf %gather3A_652, %gather3A_618 : vector<16xf32>
          %add3A_654 = arith.addf %add3A_586, %mul3A_653 : vector<16xf32>
          %add3A_655 = arith.constant 96 : i32
          %add3A_656 = vector.broadcast %add3A_655 : i32 to vector<16xi32>
          %add3A_657 = arith.addi %add3A_656, %iota3A : vector<16xi32>
          %gather3A_658 = tpu.vector_load_idx %arg7[%add3A_657, %and3A_617] : memref<160x128xf32, #tpu.memory_space<vmem>>[vector<16xi32>, vector<16xi32>], vector<16xf32>,
          %mul3A_659 = arith.mulf %gather3A_658, %gather3A_618 : vector<16xf32>
          %add3A_660 = arith.addf %add3A_592, %mul3A_659 : vector<16xf32>
          %add3A_661 = arith.constant 112 : i32
          %add3A_662 = vector.broadcast %add3A_661 : i32 to vector<16xi32>
          %add3A_663 = arith.addi %add3A_662, %iota3A : vector<16xi32>
          %gather3A_664 = tpu.vector_load_idx %arg7[%add3A_663, %and3A_617] : memref<160x128xf32, #tpu.memory_space<vmem>>[vector<16xi32>, vector<16xi32>], vector<16xf32>,
          %mul3A_665 = arith.mulf %gather3A_664, %gather3A_618 : vector<16xf32>
          %add3A_666 = arith.addf %add3A_598, %mul3A_665 : vector<16xf32>
          %add3A_667 = arith.constant 128 : i32
          %add3A_668 = vector.broadcast %add3A_667 : i32 to vector<16xi32>
          %add3A_669 = arith.addi %add3A_668, %iota3A : vector<16xi32>
          %gather3A_670 = tpu.vector_load_idx %arg7[%add3A_669, %and3A_617] : memref<160x128xf32, #tpu.memory_space<vmem>>[vector<16xi32>, vector<16xi32>], vector<16xf32>,
          %mul3A_671 = arith.mulf %gather3A_670, %gather3A_618 : vector<16xf32>
          %add3A_672 = arith.addf %add3A_604, %mul3A_671 : vector<16xf32>
          %add3A_673 = arith.constant 144 : i32
          %add3A_674 = vector.broadcast %add3A_673 : i32 to vector<16xi32>
          %add3A_675 = arith.addi %add3A_674, %iota3A : vector<16xi32>
          %gather3A_676 = tpu.vector_load_idx %arg7[%add3A_675, %and3A_617] : memref<160x128xf32, #tpu.memory_space<vmem>>[vector<16xi32>, vector<16xi32>], vector<16xf32>,
          %mul3A_677 = arith.mulf %gather3A_676, %gather3A_618 : vector<16xf32>
          %add3A_678 = arith.addf %add3A_610, %mul3A_677 : vector<16xf32>
          %scan3A_679 = arith.constant 6 : i32
          %scan3A_680 = arith.addi %scan3A_264, %scan3A_679 : i32
          %add3A_681 = vector.broadcast %scan3A_680 : i32 to vector<16xi32>
          %add3A_682 = arith.addi %add3A_681, %iota3A : vector<16xi32>
          %and3A_683 = arith.constant 127 : i32
          %and3A_684 = vector.broadcast %and3A_683 : i32 to vector<16xi32>
          %and3A_685 = arith.andi %add3A_682, %and3A_684 : vector<16xi32>
          %gather3A_686 = tpu.vector_load_idx %arg9[%broadcast_in_dim3A_1, %and3A_685] : memref<1x128xf32, #tpu.memory_space<vmem>>[vector<16xi32>, vector<16xi32>], vector<16xf32>,
          %add3A_687 = arith.constant 0 : i32
          %add3A_688 = vector.broadcast %add3A_687 : i32 to vector<16xi32>
          %add3A_689 = arith.addi %add3A_688, %iota3A : vector<16xi32>
          %gather3A_690 = tpu.vector_load_idx %arg7[%add3A_689, %and3A_685] : memref<160x128xf32, #tpu.memory_space<vmem>>[vector<16xi32>, vector<16xi32>], vector<16xf32>,
          %mul3A_691 = arith.mulf %gather3A_690, %gather3A_686 : vector<16xf32>
          %add3A_692 = arith.addf %add3A_624, %mul3A_691 : vector<16xf32>
          %add3A_693 = arith.constant 16 : i32
          %add3A_694 = vector.broadcast %add3A_693 : i32 to vector<16xi32>
          %add3A_695 = arith.addi %add3A_694, %iota3A : vector<16xi32>
          %gather3A_696 = tpu.vector_load_idx %arg7[%add3A_695, %and3A_685] : memref<160x128xf32, #tpu.memory_space<vmem>>[vector<16xi32>, vector<16xi32>], vector<16xf32>,
          %mul3A_697 = arith.mulf %gather3A_696, %gather3A_686 : vector<16xf32>
          %add3A_698 = arith.addf %add3A_630, %mul3A_697 : vector<16xf32>
          %add3A_699 = arith.constant 32 : i32
          %add3A_700 = vector.broadcast %add3A_699 : i32 to vector<16xi32>
          %add3A_701 = arith.addi %add3A_700, %iota3A : vector<16xi32>
          %gather3A_702 = tpu.vector_load_idx %arg7[%add3A_701, %and3A_685] : memref<160x128xf32, #tpu.memory_space<vmem>>[vector<16xi32>, vector<16xi32>], vector<16xf32>,
          %mul3A_703 = arith.mulf %gather3A_702, %gather3A_686 : vector<16xf32>
          %add3A_704 = arith.addf %add3A_636, %mul3A_703 : vector<16xf32>
          %add3A_705 = arith.constant 48 : i32
          %add3A_706 = vector.broadcast %add3A_705 : i32 to vector<16xi32>
          %add3A_707 = arith.addi %add3A_706, %iota3A : vector<16xi32>
          %gather3A_708 = tpu.vector_load_idx %arg7[%add3A_707, %and3A_685] : memref<160x128xf32, #tpu.memory_space<vmem>>[vector<16xi32>, vector<16xi32>], vector<16xf32>,
          %mul3A_709 = arith.mulf %gather3A_708, %gather3A_686 : vector<16xf32>
          %add3A_710 = arith.addf %add3A_642, %mul3A_709 : vector<16xf32>
          %add3A_711 = arith.constant 64 : i32
          %add3A_712 = vector.broadcast %add3A_711 : i32 to vector<16xi32>
          %add3A_713 = arith.addi %add3A_712, %iota3A : vector<16xi32>
          %gather3A_714 = tpu.vector_load_idx %arg7[%add3A_713, %and3A_685] : memref<160x128xf32, #tpu.memory_space<vmem>>[vector<16xi32>, vector<16xi32>], vector<16xf32>,
          %mul3A_715 = arith.mulf %gather3A_714, %gather3A_686 : vector<16xf32>
          %add3A_716 = arith.addf %add3A_648, %mul3A_715 : vector<16xf32>
          %add3A_717 = arith.constant 80 : i32
          %add3A_718 = vector.broadcast %add3A_717 : i32 to vector<16xi32>
          %add3A_719 = arith.addi %add3A_718, %iota3A : vector<16xi32>
          %gather3A_720 = tpu.vector_load_idx %arg7[%add3A_719, %and3A_685] : memref<160x128xf32, #tpu.memory_space<vmem>>[vector<16xi32>, vector<16xi32>], vector<16xf32>,
          %mul3A_721 = arith.mulf %gather3A_720, %gather3A_686 : vector<16xf32>
          %add3A_722 = arith.addf %add3A_654, %mul3A_721 : vector<16xf32>
          %add3A_723 = arith.constant 96 : i32
          %add3A_724 = vector.broadcast %add3A_723 : i32 to vector<16xi32>
          %add3A_725 = arith.addi %add3A_724, %iota3A : vector<16xi32>
          %gather3A_726 = tpu.vector_load_idx %arg7[%add3A_725, %and3A_685] : memref<160x128xf32, #tpu.memory_space<vmem>>[vector<16xi32>, vector<16xi32>], vector<16xf32>,
          %mul3A_727 = arith.mulf %gather3A_726, %gather3A_686 : vector<16xf32>
          %add3A_728 = arith.addf %add3A_660, %mul3A_727 : vector<16xf32>
          %add3A_729 = arith.constant 112 : i32
          %add3A_730 = vector.broadcast %add3A_729 : i32 to vector<16xi32>
          %add3A_731 = arith.addi %add3A_730, %iota3A : vector<16xi32>
          %gather3A_732 = tpu.vector_load_idx %arg7[%add3A_731, %and3A_685] : memref<160x128xf32, #tpu.memory_space<vmem>>[vector<16xi32>, vector<16xi32>], vector<16xf32>,
          %mul3A_733 = arith.mulf %gather3A_732, %gather3A_686 : vector<16xf32>
          %add3A_734 = arith.addf %add3A_666, %mul3A_733 : vector<16xf32>
          %add3A_735 = arith.constant 128 : i32
          %add3A_736 = vector.broadcast %add3A_735 : i32 to vector<16xi32>
          %add3A_737 = arith.addi %add3A_736, %iota3A : vector<16xi32>
          %gather3A_738 = tpu.vector_load_idx %arg7[%add3A_737, %and3A_685] : memref<160x128xf32, #tpu.memory_space<vmem>>[vector<16xi32>, vector<16xi32>], vector<16xf32>,
          %mul3A_739 = arith.mulf %gather3A_738, %gather3A_686 : vector<16xf32>
          %add3A_740 = arith.addf %add3A_672, %mul3A_739 : vector<16xf32>
          %add3A_741 = arith.constant 144 : i32
          %add3A_742 = vector.broadcast %add3A_741 : i32 to vector<16xi32>
          %add3A_743 = arith.addi %add3A_742, %iota3A : vector<16xi32>
          %gather3A_744 = tpu.vector_load_idx %arg7[%add3A_743, %and3A_685] : memref<160x128xf32, #tpu.memory_space<vmem>>[vector<16xi32>, vector<16xi32>], vector<16xf32>,
          %mul3A_745 = arith.mulf %gather3A_744, %gather3A_686 : vector<16xf32>
          %add3A_746 = arith.addf %add3A_678, %mul3A_745 : vector<16xf32>
          %scan3A_747 = arith.constant 7 : i32
          %scan3A_748 = arith.addi %scan3A_264, %scan3A_747 : i32
          %add3A_749 = vector.broadcast %scan3A_748 : i32 to vector<16xi32>
          %add3A_750 = arith.addi %add3A_749, %iota3A : vector<16xi32>
          %and3A_751 = arith.constant 127 : i32
          %and3A_752 = vector.broadcast %and3A_751 : i32 to vector<16xi32>
          %and3A_753 = arith.andi %add3A_750, %and3A_752 : vector<16xi32>
          %gather3A_754 = tpu.vector_load_idx %arg9[%broadcast_in_dim3A_1, %and3A_753] : memref<1x128xf32, #tpu.memory_space<vmem>>[vector<16xi32>, vector<16xi32>], vector<16xf32>,
          %add3A_755 = arith.constant 0 : i32
          %add3A_756 = vector.broadcast %add3A_755 : i32 to vector<16xi32>
          %add3A_757 = arith.addi %add3A_756, %iota3A : vector<16xi32>
          %gather3A_758 = tpu.vector_load_idx %arg7[%add3A_757, %and3A_753] : memref<160x128xf32, #tpu.memory_space<vmem>>[vector<16xi32>, vector<16xi32>], vector<16xf32>,
          %mul3A_759 = arith.mulf %gather3A_758, %gather3A_754 : vector<16xf32>
          %add3A_760 = arith.addf %add3A_692, %mul3A_759 : vector<16xf32>
          %add3A_761 = arith.constant 16 : i32
          %add3A_762 = vector.broadcast %add3A_761 : i32 to vector<16xi32>
          %add3A_763 = arith.addi %add3A_762, %iota3A : vector<16xi32>
          %gather3A_764 = tpu.vector_load_idx %arg7[%add3A_763, %and3A_753] : memref<160x128xf32, #tpu.memory_space<vmem>>[vector<16xi32>, vector<16xi32>], vector<16xf32>,
          %mul3A_765 = arith.mulf %gather3A_764, %gather3A_754 : vector<16xf32>
          %add3A_766 = arith.addf %add3A_698, %mul3A_765 : vector<16xf32>
          %add3A_767 = arith.constant 32 : i32
          %add3A_768 = vector.broadcast %add3A_767 : i32 to vector<16xi32>
          %add3A_769 = arith.addi %add3A_768, %iota3A : vector<16xi32>
          %gather3A_770 = tpu.vector_load_idx %arg7[%add3A_769, %and3A_753] : memref<160x128xf32, #tpu.memory_space<vmem>>[vector<16xi32>, vector<16xi32>], vector<16xf32>,
          %mul3A_771 = arith.mulf %gather3A_770, %gather3A_754 : vector<16xf32>
          %add3A_772 = arith.addf %add3A_704, %mul3A_771 : vector<16xf32>
          %add3A_773 = arith.constant 48 : i32
          %add3A_774 = vector.broadcast %add3A_773 : i32 to vector<16xi32>
          %add3A_775 = arith.addi %add3A_774, %iota3A : vector<16xi32>
          %gather3A_776 = tpu.vector_load_idx %arg7[%add3A_775, %and3A_753] : memref<160x128xf32, #tpu.memory_space<vmem>>[vector<16xi32>, vector<16xi32>], vector<16xf32>,
          %mul3A_777 = arith.mulf %gather3A_776, %gather3A_754 : vector<16xf32>
          %add3A_778 = arith.addf %add3A_710, %mul3A_777 : vector<16xf32>
          %add3A_779 = arith.constant 64 : i32
          %add3A_780 = vector.broadcast %add3A_779 : i32 to vector<16xi32>
          %add3A_781 = arith.addi %add3A_780, %iota3A : vector<16xi32>
          %gather3A_782 = tpu.vector_load_idx %arg7[%add3A_781, %and3A_753] : memref<160x128xf32, #tpu.memory_space<vmem>>[vector<16xi32>, vector<16xi32>], vector<16xf32>,
          %mul3A_783 = arith.mulf %gather3A_782, %gather3A_754 : vector<16xf32>
          %add3A_784 = arith.addf %add3A_716, %mul3A_783 : vector<16xf32>
          %add3A_785 = arith.constant 80 : i32
          %add3A_786 = vector.broadcast %add3A_785 : i32 to vector<16xi32>
          %add3A_787 = arith.addi %add3A_786, %iota3A : vector<16xi32>
          %gather3A_788 = tpu.vector_load_idx %arg7[%add3A_787, %and3A_753] : memref<160x128xf32, #tpu.memory_space<vmem>>[vector<16xi32>, vector<16xi32>], vector<16xf32>,
          %mul3A_789 = arith.mulf %gather3A_788, %gather3A_754 : vector<16xf32>
          %add3A_790 = arith.addf %add3A_722, %mul3A_789 : vector<16xf32>
          %add3A_791 = arith.constant 96 : i32
          %add3A_792 = vector.broadcast %add3A_791 : i32 to vector<16xi32>
          %add3A_793 = arith.addi %add3A_792, %iota3A : vector<16xi32>
          %gather3A_794 = tpu.vector_load_idx %arg7[%add3A_793, %and3A_753] : memref<160x128xf32, #tpu.memory_space<vmem>>[vector<16xi32>, vector<16xi32>], vector<16xf32>,
          %mul3A_795 = arith.mulf %gather3A_794, %gather3A_754 : vector<16xf32>
          %add3A_796 = arith.addf %add3A_728, %mul3A_795 : vector<16xf32>
          %add3A_797 = arith.constant 112 : i32
          %add3A_798 = vector.broadcast %add3A_797 : i32 to vector<16xi32>
          %add3A_799 = arith.addi %add3A_798, %iota3A : vector<16xi32>
          %gather3A_800 = tpu.vector_load_idx %arg7[%add3A_799, %and3A_753] : memref<160x128xf32, #tpu.memory_space<vmem>>[vector<16xi32>, vector<16xi32>], vector<16xf32>,
          %mul3A_801 = arith.mulf %gather3A_800, %gather3A_754 : vector<16xf32>
          %add3A_802 = arith.addf %add3A_734, %mul3A_801 : vector<16xf32>
          %add3A_803 = arith.constant 128 : i32
          %add3A_804 = vector.broadcast %add3A_803 : i32 to vector<16xi32>
          %add3A_805 = arith.addi %add3A_804, %iota3A : vector<16xi32>
          %gather3A_806 = tpu.vector_load_idx %arg7[%add3A_805, %and3A_753] : memref<160x128xf32, #tpu.memory_space<vmem>>[vector<16xi32>, vector<16xi32>], vector<16xf32>,
          %mul3A_807 = arith.mulf %gather3A_806, %gather3A_754 : vector<16xf32>
          %add3A_808 = arith.addf %add3A_740, %mul3A_807 : vector<16xf32>
          %add3A_809 = arith.constant 144 : i32
          %add3A_810 = vector.broadcast %add3A_809 : i32 to vector<16xi32>
          %add3A_811 = arith.addi %add3A_810, %iota3A : vector<16xi32>
          %gather3A_812 = tpu.vector_load_idx %arg7[%add3A_811, %and3A_753] : memref<160x128xf32, #tpu.memory_space<vmem>>[vector<16xi32>, vector<16xi32>], vector<16xf32>,
          %mul3A_813 = arith.mulf %gather3A_812, %gather3A_754 : vector<16xf32>
          %add3A_814 = arith.addf %add3A_746, %mul3A_813 : vector<16xf32>
          scf.yield %add3A_760, %add3A_766, %add3A_772, %add3A_778, %add3A_784, %add3A_790, %add3A_796, %add3A_802, %add3A_808, %add3A_814 : vector<16xf32>, vector<16xf32>, vector<16xf32>, vector<16xf32>, vector<16xf32>, vector<16xf32>, vector<16xf32>, vector<16xf32>, vector<16xf32>, vector<16xf32>
        }
        %scan3A_92 = arith.constant 128 : i32
        %get3A = arith.constant 0 : index
        %get3A_93 = tpu.vector_load %arg10[%get3A] {strides = array<i32>} : memref<16xi32, #tpu.memory_space<vmem>>, vector<16xi32>,
        %swap3A_94 = arith.constant 0 : index
        %swap3A_95 = tpu.vector_load %arg8[%swap3A_94] {strides = array<i32>} : memref<160xf32, #tpu.memory_space<vmem>>, vector<16xf32>,
        tpu.vector_store %arg8[%swap3A_94], %scan3A_91#0 {strides = array<i32>} : memref<160xf32, #tpu.memory_space<vmem>>, vector<16xf32>,
        %mul3A_96 = arith.constant 160 : i32
        %mul3A_97 = arith.muli %add3A_46, %mul3A_96 : i32
        %add3A_98 = arith.constant 0 : i32
        %add3A_99 = arith.addi %mul3A_97, %add3A_98 : i32
        %add3A_100 = vector.broadcast %add3A_99 : i32 to vector<16xi32>
        %add3A_101 = arith.addi %add3A_100, %iota3A : vector<16xi32>
        %convert_element_type3A_102 = arith.fptosi %scan3A_91#0 : vector<16xf32> to vector<16xi32>
        %shift_left3A = arith.constant 17 : i32
        %shift_left3A_103 = vector.broadcast %shift_left3A : i32 to vector<16xi32>
        %shift_left3A_104 = arith.shli %convert_element_type3A_102, %shift_left3A_103 : vector<16xi32>
        %sub3A = arith.constant 131071 : i32
        %sub3A_105 = vector.broadcast %sub3A : i32 to vector<16xi32>
        %sub3A_106 = arith.subi %sub3A_105, %add3A_101 : vector<16xi32>
        %or3A = arith.ori %shift_left3A_104, %sub3A_106 : vector<16xi32>
        %max3A = arith.maxsi %get3A_93, %or3A : vector<16xi32>
        %swap3A_107 = arith.constant 16 : index
        %swap3A_108 = tpu.vector_load %arg8[%swap3A_107] {strides = array<i32>} : memref<160xf32, #tpu.memory_space<vmem>>, vector<16xf32>,
        tpu.vector_store %arg8[%swap3A_107], %scan3A_91#1 {strides = array<i32>} : memref<160xf32, #tpu.memory_space<vmem>>, vector<16xf32>,
        %mul3A_109 = arith.constant 160 : i32
        %mul3A_110 = arith.muli %add3A_46, %mul3A_109 : i32
        %add3A_111 = arith.constant 16 : i32
        %add3A_112 = arith.addi %mul3A_110, %add3A_111 : i32
        %add3A_113 = vector.broadcast %add3A_112 : i32 to vector<16xi32>
        %add3A_114 = arith.addi %add3A_113, %iota3A : vector<16xi32>
        %convert_element_type3A_115 = arith.fptosi %scan3A_91#1 : vector<16xf32> to vector<16xi32>
        %shift_left3A_116 = arith.constant 17 : i32
        %shift_left3A_117 = vector.broadcast %shift_left3A_116 : i32 to vector<16xi32>
        %shift_left3A_118 = arith.shli %convert_element_type3A_115, %shift_left3A_117 : vector<16xi32>
        %sub3A_119 = arith.constant 131071 : i32
        %sub3A_120 = vector.broadcast %sub3A_119 : i32 to vector<16xi32>
        %sub3A_121 = arith.subi %sub3A_120, %add3A_114 : vector<16xi32>
        %or3A_122 = arith.ori %shift_left3A_118, %sub3A_121 : vector<16xi32>
        %max3A_123 = arith.maxsi %max3A, %or3A_122 : vector<16xi32>
        %swap3A_124 = arith.constant 32 : index
        %swap3A_125 = tpu.vector_load %arg8[%swap3A_124] {strides = array<i32>} : memref<160xf32, #tpu.memory_space<vmem>>, vector<16xf32>,
        tpu.vector_store %arg8[%swap3A_124], %scan3A_91#2 {strides = array<i32>} : memref<160xf32, #tpu.memory_space<vmem>>, vector<16xf32>,
        %mul3A_126 = arith.constant 160 : i32
        %mul3A_127 = arith.muli %add3A_46, %mul3A_126 : i32
        %add3A_128 = arith.constant 32 : i32
        %add3A_129 = arith.addi %mul3A_127, %add3A_128 : i32
        %add3A_130 = vector.broadcast %add3A_129 : i32 to vector<16xi32>
        %add3A_131 = arith.addi %add3A_130, %iota3A : vector<16xi32>
        %convert_element_type3A_132 = arith.fptosi %scan3A_91#2 : vector<16xf32> to vector<16xi32>
        %shift_left3A_133 = arith.constant 17 : i32
        %shift_left3A_134 = vector.broadcast %shift_left3A_133 : i32 to vector<16xi32>
        %shift_left3A_135 = arith.shli %convert_element_type3A_132, %shift_left3A_134 : vector<16xi32>
        %sub3A_136 = arith.constant 131071 : i32
        %sub3A_137 = vector.broadcast %sub3A_136 : i32 to vector<16xi32>
        %sub3A_138 = arith.subi %sub3A_137, %add3A_131 : vector<16xi32>
        %or3A_139 = arith.ori %shift_left3A_135, %sub3A_138 : vector<16xi32>
        %max3A_140 = arith.maxsi %max3A_123, %or3A_139 : vector<16xi32>
        %swap3A_141 = arith.constant 48 : index
        %swap3A_142 = tpu.vector_load %arg8[%swap3A_141] {strides = array<i32>} : memref<160xf32, #tpu.memory_space<vmem>>, vector<16xf32>,
        tpu.vector_store %arg8[%swap3A_141], %scan3A_91#3 {strides = array<i32>} : memref<160xf32, #tpu.memory_space<vmem>>, vector<16xf32>,
        %mul3A_143 = arith.constant 160 : i32
        %mul3A_144 = arith.muli %add3A_46, %mul3A_143 : i32
        %add3A_145 = arith.constant 48 : i32
        %add3A_146 = arith.addi %mul3A_144, %add3A_145 : i32
        %add3A_147 = vector.broadcast %add3A_146 : i32 to vector<16xi32>
        %add3A_148 = arith.addi %add3A_147, %iota3A : vector<16xi32>
        %convert_element_type3A_149 = arith.fptosi %scan3A_91#3 : vector<16xf32> to vector<16xi32>
        %shift_left3A_150 = arith.constant 17 : i32
        %shift_left3A_151 = vector.broadcast %shift_left3A_150 : i32 to vector<16xi32>
        %shift_left3A_152 = arith.shli %convert_element_type3A_149, %shift_left3A_151 : vector<16xi32>
        %sub3A_153 = arith.constant 131071 : i32
        %sub3A_154 = vector.broadcast %sub3A_153 : i32 to vector<16xi32>
        %sub3A_155 = arith.subi %sub3A_154, %add3A_148 : vector<16xi32>
        %or3A_156 = arith.ori %shift_left3A_152, %sub3A_155 : vector<16xi32>
        %max3A_157 = arith.maxsi %max3A_140, %or3A_156 : vector<16xi32>
        %swap3A_158 = arith.constant 64 : index
        %swap3A_159 = tpu.vector_load %arg8[%swap3A_158] {strides = array<i32>} : memref<160xf32, #tpu.memory_space<vmem>>, vector<16xf32>,
        tpu.vector_store %arg8[%swap3A_158], %scan3A_91#4 {strides = array<i32>} : memref<160xf32, #tpu.memory_space<vmem>>, vector<16xf32>,
        %mul3A_160 = arith.constant 160 : i32
        %mul3A_161 = arith.muli %add3A_46, %mul3A_160 : i32
        %add3A_162 = arith.constant 64 : i32
        %add3A_163 = arith.addi %mul3A_161, %add3A_162 : i32
        %add3A_164 = vector.broadcast %add3A_163 : i32 to vector<16xi32>
        %add3A_165 = arith.addi %add3A_164, %iota3A : vector<16xi32>
        %convert_element_type3A_166 = arith.fptosi %scan3A_91#4 : vector<16xf32> to vector<16xi32>
        %shift_left3A_167 = arith.constant 17 : i32
        %shift_left3A_168 = vector.broadcast %shift_left3A_167 : i32 to vector<16xi32>
        %shift_left3A_169 = arith.shli %convert_element_type3A_166, %shift_left3A_168 : vector<16xi32>
        %sub3A_170 = arith.constant 131071 : i32
        %sub3A_171 = vector.broadcast %sub3A_170 : i32 to vector<16xi32>
        %sub3A_172 = arith.subi %sub3A_171, %add3A_165 : vector<16xi32>
        %or3A_173 = arith.ori %shift_left3A_169, %sub3A_172 : vector<16xi32>
        %max3A_174 = arith.maxsi %max3A_157, %or3A_173 : vector<16xi32>
        %swap3A_175 = arith.constant 80 : index
        %swap3A_176 = tpu.vector_load %arg8[%swap3A_175] {strides = array<i32>} : memref<160xf32, #tpu.memory_space<vmem>>, vector<16xf32>,
        tpu.vector_store %arg8[%swap3A_175], %scan3A_91#5 {strides = array<i32>} : memref<160xf32, #tpu.memory_space<vmem>>, vector<16xf32>,
        %mul3A_177 = arith.constant 160 : i32
        %mul3A_178 = arith.muli %add3A_46, %mul3A_177 : i32
        %add3A_179 = arith.constant 80 : i32
        %add3A_180 = arith.addi %mul3A_178, %add3A_179 : i32
        %add3A_181 = vector.broadcast %add3A_180 : i32 to vector<16xi32>
        %add3A_182 = arith.addi %add3A_181, %iota3A : vector<16xi32>
        %convert_element_type3A_183 = arith.fptosi %scan3A_91#5 : vector<16xf32> to vector<16xi32>
        %shift_left3A_184 = arith.constant 17 : i32
        %shift_left3A_185 = vector.broadcast %shift_left3A_184 : i32 to vector<16xi32>
        %shift_left3A_186 = arith.shli %convert_element_type3A_183, %shift_left3A_185 : vector<16xi32>
        %sub3A_187 = arith.constant 131071 : i32
        %sub3A_188 = vector.broadcast %sub3A_187 : i32 to vector<16xi32>
        %sub3A_189 = arith.subi %sub3A_188, %add3A_182 : vector<16xi32>
        %or3A_190 = arith.ori %shift_left3A_186, %sub3A_189 : vector<16xi32>
        %max3A_191 = arith.maxsi %max3A_174, %or3A_190 : vector<16xi32>
        %swap3A_192 = arith.constant 96 : index
        %swap3A_193 = tpu.vector_load %arg8[%swap3A_192] {strides = array<i32>} : memref<160xf32, #tpu.memory_space<vmem>>, vector<16xf32>,
        tpu.vector_store %arg8[%swap3A_192], %scan3A_91#6 {strides = array<i32>} : memref<160xf32, #tpu.memory_space<vmem>>, vector<16xf32>,
        %mul3A_194 = arith.constant 160 : i32
        %mul3A_195 = arith.muli %add3A_46, %mul3A_194 : i32
        %add3A_196 = arith.constant 96 : i32
        %add3A_197 = arith.addi %mul3A_195, %add3A_196 : i32
        %add3A_198 = vector.broadcast %add3A_197 : i32 to vector<16xi32>
        %add3A_199 = arith.addi %add3A_198, %iota3A : vector<16xi32>
        %convert_element_type3A_200 = arith.fptosi %scan3A_91#6 : vector<16xf32> to vector<16xi32>
        %shift_left3A_201 = arith.constant 17 : i32
        %shift_left3A_202 = vector.broadcast %shift_left3A_201 : i32 to vector<16xi32>
        %shift_left3A_203 = arith.shli %convert_element_type3A_200, %shift_left3A_202 : vector<16xi32>
        %sub3A_204 = arith.constant 131071 : i32
        %sub3A_205 = vector.broadcast %sub3A_204 : i32 to vector<16xi32>
        %sub3A_206 = arith.subi %sub3A_205, %add3A_199 : vector<16xi32>
        %or3A_207 = arith.ori %shift_left3A_203, %sub3A_206 : vector<16xi32>
        %max3A_208 = arith.maxsi %max3A_191, %or3A_207 : vector<16xi32>
        %swap3A_209 = arith.constant 112 : index
        %swap3A_210 = tpu.vector_load %arg8[%swap3A_209] {strides = array<i32>} : memref<160xf32, #tpu.memory_space<vmem>>, vector<16xf32>,
        tpu.vector_store %arg8[%swap3A_209], %scan3A_91#7 {strides = array<i32>} : memref<160xf32, #tpu.memory_space<vmem>>, vector<16xf32>,
        %mul3A_211 = arith.constant 160 : i32
        %mul3A_212 = arith.muli %add3A_46, %mul3A_211 : i32
        %add3A_213 = arith.constant 112 : i32
        %add3A_214 = arith.addi %mul3A_212, %add3A_213 : i32
        %add3A_215 = vector.broadcast %add3A_214 : i32 to vector<16xi32>
        %add3A_216 = arith.addi %add3A_215, %iota3A : vector<16xi32>
        %convert_element_type3A_217 = arith.fptosi %scan3A_91#7 : vector<16xf32> to vector<16xi32>
        %shift_left3A_218 = arith.constant 17 : i32
        %shift_left3A_219 = vector.broadcast %shift_left3A_218 : i32 to vector<16xi32>
        %shift_left3A_220 = arith.shli %convert_element_type3A_217, %shift_left3A_219 : vector<16xi32>
        %sub3A_221 = arith.constant 131071 : i32
        %sub3A_222 = vector.broadcast %sub3A_221 : i32 to vector<16xi32>
        %sub3A_223 = arith.subi %sub3A_222, %add3A_216 : vector<16xi32>
        %or3A_224 = arith.ori %shift_left3A_220, %sub3A_223 : vector<16xi32>
        %max3A_225 = arith.maxsi %max3A_208, %or3A_224 : vector<16xi32>
        %swap3A_226 = arith.constant 128 : index
        %swap3A_227 = tpu.vector_load %arg8[%swap3A_226] {strides = array<i32>} : memref<160xf32, #tpu.memory_space<vmem>>, vector<16xf32>,
        tpu.vector_store %arg8[%swap3A_226], %scan3A_91#8 {strides = array<i32>} : memref<160xf32, #tpu.memory_space<vmem>>, vector<16xf32>,
        %mul3A_228 = arith.constant 160 : i32
        %mul3A_229 = arith.muli %add3A_46, %mul3A_228 : i32
        %add3A_230 = arith.constant 128 : i32
        %add3A_231 = arith.addi %mul3A_229, %add3A_230 : i32
        %add3A_232 = vector.broadcast %add3A_231 : i32 to vector<16xi32>
        %add3A_233 = arith.addi %add3A_232, %iota3A : vector<16xi32>
        %convert_element_type3A_234 = arith.fptosi %scan3A_91#8 : vector<16xf32> to vector<16xi32>
        %shift_left3A_235 = arith.constant 17 : i32
        %shift_left3A_236 = vector.broadcast %shift_left3A_235 : i32 to vector<16xi32>
        %shift_left3A_237 = arith.shli %convert_element_type3A_234, %shift_left3A_236 : vector<16xi32>
        %sub3A_238 = arith.constant 131071 : i32
        %sub3A_239 = vector.broadcast %sub3A_238 : i32 to vector<16xi32>
        %sub3A_240 = arith.subi %sub3A_239, %add3A_233 : vector<16xi32>
        %or3A_241 = arith.ori %shift_left3A_237, %sub3A_240 : vector<16xi32>
        %max3A_242 = arith.maxsi %max3A_225, %or3A_241 : vector<16xi32>
        %swap3A_243 = arith.constant 144 : index
        %swap3A_244 = tpu.vector_load %arg8[%swap3A_243] {strides = array<i32>} : memref<160xf32, #tpu.memory_space<vmem>>, vector<16xf32>,
        tpu.vector_store %arg8[%swap3A_243], %scan3A_91#9 {strides = array<i32>} : memref<160xf32, #tpu.memory_space<vmem>>, vector<16xf32>,
        %mul3A_245 = arith.constant 160 : i32
        %mul3A_246 = arith.muli %add3A_46, %mul3A_245 : i32
        %add3A_247 = arith.constant 144 : i32
        %add3A_248 = arith.addi %mul3A_246, %add3A_247 : i32
        %add3A_249 = vector.broadcast %add3A_248 : i32 to vector<16xi32>
        %add3A_250 = arith.addi %add3A_249, %iota3A : vector<16xi32>
        %convert_element_type3A_251 = arith.fptosi %scan3A_91#9 : vector<16xf32> to vector<16xi32>
        %shift_left3A_252 = arith.constant 17 : i32
        %shift_left3A_253 = vector.broadcast %shift_left3A_252 : i32 to vector<16xi32>
        %shift_left3A_254 = arith.shli %convert_element_type3A_251, %shift_left3A_253 : vector<16xi32>
        %sub3A_255 = arith.constant 131071 : i32
        %sub3A_256 = vector.broadcast %sub3A_255 : i32 to vector<16xi32>
        %sub3A_257 = arith.subi %sub3A_256, %add3A_250 : vector<16xi32>
        %or3A_258 = arith.ori %shift_left3A_254, %sub3A_257 : vector<16xi32>
        %max3A_259 = arith.maxsi %max3A_242, %or3A_258 : vector<16xi32>
        %swap3A_260 = arith.constant 0 : index
        %swap3A_261 = tpu.vector_load %arg10[%swap3A_260] {strides = array<i32>} : memref<16xi32, #tpu.memory_space<vmem>>, vector<16xi32>,
        tpu.vector_store %arg10[%swap3A_260], %max3A_259 {strides = array<i32>} : memref<16xi32, #tpu.memory_space<vmem>>, vector<16xi32>,
        %mul3A_262 = arith.constant 160 : i32
        %mul3A_263 = arith.muli %add3A_46, %mul3A_262 : i32
        "tpu.region"() ({
          %run_scoped3A = tpu.sem_alloc : memref<!tpu.dma_semaphore, #tpu.memory_space<semaphore_mem>>
          %dma_start3A = tpu.memref_slice %arg4[%mul3A_263] : memref<100000xf32, #tpu.memory_space<hbm>> -> memref<160xf32, #tpu.memory_space<hbm>>
          %dma_start3A_264 = tpu.memref_slice %arg4[%mul3A_263] : memref<100000xf32, #tpu.memory_space<hbm>> -> memref<160xf32, #tpu.memory_space<hbm>>
          tpu.enqueue_dma source(%arg8 : memref<160xf32, #tpu.memory_space<vmem>>) target(%dma_start3A_264 : memref<160xf32, #tpu.memory_space<hbm>>) target_semaphore(%run_scoped3A : memref<!tpu.dma_semaphore, #tpu.memory_space<semaphore_mem>>)
          %dma_wait3A_265 = tpu.memref_slice %arg4[%mul3A_263] : memref<100000xf32, #tpu.memory_space<hbm>> -> memref<160xf32, #tpu.memory_space<hbm>>
          %dma_wait3A_266 = tpu.memref_slice %arg4[%mul3A_263] : memref<100000xf32, #tpu.memory_space<hbm>> -> memref<160xf32, #tpu.memory_space<hbm>>
          tpu.wait_dma2 semaphore(%run_scoped3A : memref<!tpu.dma_semaphore, #tpu.memory_space<semaphore_mem>>) src(%arg8 : memref<160xf32, #tpu.memory_space<vmem>>) dst(%dma_wait3A_266 : memref<160xf32, #tpu.memory_space<hbm>>)
          tpu.yield
        }) : () -> ()
      } else {
      }
      %add3A_52 = arith.constant 3 : i32
      %add3A_53 = arith.addi %mul3A_23, %add3A_52 : i32
      %mul3A_54 = arith.constant 32 : i32
      %mul3A_55 = arith.muli %add3A_53, %mul3A_54 : i32
      %add3A_56 = arith.addi %add3A, %mul3A_55 : i32
      %lt3A_57 = arith.constant 625 : i32
      %lt3A_58 = arith.cmpi slt, %add3A_56, %lt3A_57 : i32
      %convert_element_type3A_59 = arith.extui %lt3A_58 : i1 to i32
      %cond3A_60 = arith.constant 0 : i32
      %cond3A_61 = arith.cmpi ne, %convert_element_type3A_59, %cond3A_60 : i32
      scf.if %cond3A_61 {
        %mul3A_62 = arith.constant 160 : i32
        %mul3A_63 = arith.muli %add3A_56, %mul3A_62 : i32
        %dma_start3A = arith.constant 0 : i32
        %dma_start3A_64 = tpu.memref_slice %arg3[%mul3A_63, %dma_start3A] : memref<100000x128xf32, #tpu.memory_space<hbm>> -> memref<160x128xf32, #tpu.memory_space<hbm>>
        %dma_start3A_65 = arith.constant 0 : i32
        %dma_start3A_66 = tpu.memref_slice %arg3[%mul3A_63, %dma_start3A_65] : memref<100000x128xf32, #tpu.memory_space<hbm>> -> memref<160x128xf32, #tpu.memory_space<hbm>>
        tpu.enqueue_dma source(%dma_start3A_66 : memref<160x128xf32, #tpu.memory_space<hbm>>) target(%arg7 : memref<160x128xf32, #tpu.memory_space<vmem>>) target_semaphore(%arg12 : memref<!tpu.dma_semaphore, #tpu.memory_space<semaphore_mem>>)
      } else {
      }
    }
    %scan3A_20 = arith.constant 10 : i32
    "tpu.region"() ({
      %run_scoped3A = tpu.sem_alloc : memref<!tpu.dma_semaphore, #tpu.memory_space<semaphore_mem>>
      %dma_start3A = arith.constant 0 : i32
      %dma_start3A_21 = tpu.memref_slice %arg5[%add3A, %dma_start3A] : memref<32x16xi32, #tpu.memory_space<hbm>> -> memref<1x16xi32, #tpu.memory_space<hbm>>
      %dma_start3A_22 = tpu.memref_squeeze %dma_start3A_21 : memref<1x16xi32, #tpu.memory_space<hbm>> -> memref<16xi32, #tpu.memory_space<hbm>>
      %dma_start3A_23 = arith.constant 0 : i32
      %dma_start3A_24 = tpu.memref_slice %arg5[%add3A, %dma_start3A_23] : memref<32x16xi32, #tpu.memory_space<hbm>> -> memref<1x16xi32, #tpu.memory_space<hbm>>
      %dma_start3A_25 = tpu.memref_squeeze %dma_start3A_24 : memref<1x16xi32, #tpu.memory_space<hbm>> -> memref<16xi32, #tpu.memory_space<hbm>>
      tpu.enqueue_dma source(%arg10 : memref<16xi32, #tpu.memory_space<vmem>>) target(%dma_start3A_25 : memref<16xi32, #tpu.memory_space<hbm>>) target_semaphore(%run_scoped3A : memref<!tpu.dma_semaphore, #tpu.memory_space<semaphore_mem>>)
      %dma_wait3A = arith.constant 0 : i32
      %dma_wait3A_26 = tpu.memref_slice %arg5[%add3A, %dma_wait3A] : memref<32x16xi32, #tpu.memory_space<hbm>> -> memref<1x16xi32, #tpu.memory_space<hbm>>
      %dma_wait3A_27 = tpu.memref_squeeze %dma_wait3A_26 : memref<1x16xi32, #tpu.memory_space<hbm>> -> memref<16xi32, #tpu.memory_space<hbm>>
      %dma_wait3A_28 = arith.constant 0 : i32
      %dma_wait3A_29 = tpu.memref_slice %arg5[%add3A, %dma_wait3A_28] : memref<32x16xi32, #tpu.memory_space<hbm>> -> memref<1x16xi32, #tpu.memory_space<hbm>>
      %dma_wait3A_30 = tpu.memref_squeeze %dma_wait3A_29 : memref<1x16xi32, #tpu.memory_space<hbm>> -> memref<16xi32, #tpu.memory_space<hbm>>
      tpu.wait_dma2 semaphore(%run_scoped3A : memref<!tpu.dma_semaphore, #tpu.memory_space<semaphore_mem>>) src(%arg10 : memref<16xi32, #tpu.memory_space<vmem>>) dst(%dma_wait3A_30 : memref<16xi32, #tpu.memory_space<hbm>>)
      tpu.yield
    }) : () -> ()
    return
  }
}

</mosaic_0001>

<sc_bundles>
// kernel: kernel.3.cloned.1.call-start
scs
__scs_entry_jumppad:
0x0: {  	(pc) =	sbr.rel $0x88, $3  }
0x1: {  	(tag) =	ssettag $0x0;
	lr =	simm.s32 $0x1  }
0x2: {  	[smem:$0x3F9F] =	sst lr;
	_ =	strace $0xD0000000  }
0x3: {  	_ = 	snop  }
0x4: {  	_ = 	snop  }
0x5: {  	_ = 	snop  }
0x6: {  	_ = 	snop  }
0x7: {  	_ = 	snop  }
__scs_overlays_trampoline_lowered:
0x8: {  	[smem:$0x3FAE] =	sst s0  }
0x9: {  	[smem:$0x3FAF] =	sst s1  }
0xa: {  	[smem:$0x3FB0] =	sst s2  }
0xb: {  	[smem:$0x3FB1] =	sst s3  }
0xc: {  	[smem:$0x3FB2] =	sst s4  }
0xd: {  	[smem:$0x3FB3] =	sst s5  }
0xe: {  	[smem:$0x3FB4] =	sst s6  }
0xf: {  	[smem:$0x3FB5] =	sst s7  }
0x10: {  	[smem:$0x3FB6] =	sst s8  }
0x11: {  	[smem:$0x3FB7] =	sst s9;
	s0 =	simm.s32 @!p0 $0x0  }
0x12: {  	s1 =	sld [smem:$0x3F9D];
	s0 =	simm.s32 @p0 $0x1  }
0x13: {  	[smem:$0x3FB8] =	sst s0;
	s0 =	simm.s32 @!p1 $0x0  }
0x14: {  	s2 =	sld [smem:$0x3F9C];
	s0 =	simm.s32 @p1 $0x1  }
0x15: {  	[smem:$0x3FB9] =	sst s0;
	s0 =	simm.s32 @!p2 $0x0  }
0x16: {  	s3 =	sld [smem:$0x3FDB];
	s0 =	simm.s32 @p2 $0x1  }
0x17: {  	s4 =	simm.s32 $0x1BF5;
	[smem:$0x3FBB] =	sst s0  }
0x18: {  	s0 =	sld [smem:$0x3F9E];
	_ =	swait.ge [sflag:s4], $0x0  }
0x19: {  	s7 =	sld [smem:$0x3F9F]  }
0x1a: {  	s8 =	sadd.s32 $0xFFFFE003, lr  }
0x1b: {  	s9 =	sadd.s32 $0xFFFFFEF7, lr;
	s5 =	simm.s32 $0xFFFFFFFF;
	p2 =	slt.u32 s8, $0xFFFFF086  }
0x1c: {  	p1 =	slt.u32 s9, $0xF7A;
	s5 =	simm.s32 @!p2 $0x0  }
0x1d: {  	s5 =	simm.s32 @p1 $0x1;
	p0 =	seq.s32 s7, s2  }
0x1e: {  	s7 =	smul.u32 @!p0 $0xF7A, s2;
	p2 =	seq.s32 @!p0 s5, $0x0  }
0x1f: {  	s9 =	smul.u32 $0xF7A, s1;
	s8 =	simm.s32 @!p0 $0x1BF5;
	p2 =	por !p2, p0  }
0x20: {  	[sflag:s8] =	ssyncset.s32 @!p0 $0xFFFFF086;
	s6 =	sadd.s32 @!p0 s3, s7;
	s7 =	simm.s32 @!p0 $0x108  }
0x21: {  	s3 =	sadd.s32 s3, s9;
	s6 =	sadd.s32 @!p0 $0x88, s6;
	s7 =	simm.s32 @p2 $0x1082  }
0x22: {  	[simem:s7], [sflag:s8] =	dma.local @!p0 [hbm:s6], $0xF7A  }
0x23: {  	s9 =	sor.u32 $0xD0000000, s2;
	s6 =	simm.s32 $0x108;
	_ =	swait.ge @!p0 [sflag:s8], $0x0  }
0x24: {  	s3 =	sadd.s32 $0x88, s3;
	s6 =	simm.s32 @!p1 $0x1082;
	[sflag:s4] =	ssyncset.s32 $0xFFFFF086  }
0x25: {  	[simem:s6], [sflag:s4] =	dma.local [hbm:s3], $0xF7A  }
0x26: {  	[smem:$0x3F9F] =	sst s1;
	(tag) =	ssettag s2;
	_ =	strace s9  }
0x27: {  	s1 =	sld [smem:$0x3FAF]  }
0x28: {  	s2 =	sld [smem:$0x3FB0]  }
0x29: {  	s4 =	sld [smem:$0x3FB2]  }
0x2a: {  	p0 =	seq.s32 s5, $0x0;
	s5 =	sld [smem:$0x3FB3]  }
0x2b: {  	s6 =	sld [smem:$0x3FB4]  }
0x2c: {  	s7 =	sld [smem:$0x3FB5]  }
0x2d: {  	s3 =	simm.s32 $0x108;
	s8 =	sld [smem:$0x3FB6]  }
0x2e: {  	s3 =	simm.s32 @!p0 $0x1082;
	s9 =	sld [smem:$0x3FB7]  }
0x2f: {  	lr =	sadd.s32 s0, s3;
	s0 =	sld [smem:$0x3FAE]  }
0x30: {  	s3 =	sld [smem:$0x3FB1]  }
0x31: {  	[smem:$0x3FBA] =	sst s10  }
0x32: {  	s10 =	sld [smem:$0x3FB8];
	_ =	sdelay $0x3  }
0x33: {  	p0 =	seq.s32 s10, $0x1;
	s10 =	sld [smem:$0x3FBA];
	_ =	sdelay $0x3  }
0x34: {  	[smem:$0x3FBA] =	sst s10  }
0x35: {  	s10 =	sld [smem:$0x3FB9];
	_ =	sdelay $0x3  }
0x36: {  	p1 =	seq.s32 s10, $0x1;
	s10 =	sld [smem:$0x3FBA];
	_ =	sdelay $0x3  }
0x37: {  	[smem:$0x3FBA] =	sst s10  }
0x38: {  	s10 =	sld [smem:$0x3FBB]  }
0x39: {  	_ = 	snop;
	(pc) =	sbr.ind lr, $3  }
0x3a: {  	_ = 	snop  }
0x3b: {  	_ = 	snop  }
0x3c: {  	p2 =	seq.s32 s10, $0x1;
	s10 =	sld [smem:$0x3FBA]  }
0x3d: {  	_ =	shalt  }
0x3e: {  	_ =	shalt  }
0x3f: {  	_ =	shalt  }
0x40: {  	_ =	shalt  }
0x41: {  	_ =	shalt  }
0x42: {  	_ =	shalt  }
0x43: {  	_ =	shalt  }
0x44: {  	_ =	shalt  }
0x45: {  	_ =	shalt  }
0x46: {  	_ =	shalt  }
0x47: {  	_ =	shalt  }
0x48: {  	_ =	shalt  }
0x49: {  	_ =	shalt  }
0x4a: {  	_ =	shalt  }
0x4b: {  	_ =	shalt  }
0x4c: {  	_ =	shalt  }
0x4d: {  	_ =	shalt  }
0x4e: {  	_ =	shalt  }
0x4f: {  	_ =	shalt  }
0x50: {  	_ =	shalt  }
0x51: {  	_ =	shalt  }
0x52: {  	_ =	shalt  }
0x53: {  	_ =	shalt  }
0x54: {  	_ =	shalt  }
0x55: {  	_ =	shalt  }
0x56: {  	_ =	shalt  }
0x57: {  	_ =	shalt  }
0x58: {  	_ =	shalt  }
0x59: {  	_ =	shalt  }
0x5a: {  	_ =	shalt  }
0x5b: {  	_ =	shalt  }
0x5c: {  	_ =	shalt  }
0x5d: {  	_ =	shalt  }
0x5e: {  	_ =	shalt  }
0x5f: {  	_ =	shalt  }
0x60: {  	_ =	shalt  }
0x61: {  	_ =	shalt  }
0x62: {  	_ =	shalt  }
0x63: {  	_ =	shalt  }
0x64: {  	_ =	shalt  }
0x65: {  	_ =	shalt  }
0x66: {  	_ =	shalt  }
0x67: {  	_ =	shalt  }
0x68: {  	_ =	shalt  }
0x69: {  	_ =	shalt  }
0x6a: {  	_ =	shalt  }
0x6b: {  	_ =	shalt  }
0x6c: {  	_ =	shalt  }
0x6d: {  	_ =	shalt  }
0x6e: {  	_ =	shalt  }
0x6f: {  	_ =	shalt  }
0x70: {  	_ =	shalt  }
0x71: {  	_ =	shalt  }
0x72: {  	_ =	shalt  }
0x73: {  	_ =	shalt  }
0x74: {  	_ =	shalt  }
0x75: {  	_ =	shalt  }
0x76: {  	_ =	shalt  }
0x77: {  	_ =	shalt  }
0x78: {  	_ =	shalt  }
0x79: {  	_ =	shalt  }
0x7a: {  	_ =	shalt  }
0x7b: {  	_ =	shalt  }
0x7c: {  	_ =	shalt  }
0x7d: {  	_ =	shalt  }
0x7e: {  	_ =	shalt  }
0x7f: {  	_ =	shalt  }
0x80: {  	_ =	shalt  }
0x81: {  	_ =	shalt  }
0x82: {  	_ =	shalt  }
0x83: {  	_ =	shalt  }
0x84: {  	_ =	shalt  }
0x85: {  	_ =	shalt  }
0x86: {  	_ =	shalt  }
0x87: {  	_ =	shalt  }
.Lfunc_end0:
.L_simem_size_0:
called_computation_lowered:
.L_overlay_start_0:
0x88: {  	s2 =	sld [smem:$0x3FD9]  }
0x89: {  	s3 =	sld [smem:$0x3FFE];
	_ =	sdelay $0x1  }
0x8a: {  	s1 =	srdreg.scid  }
0x8b: {  	s0 =	sand.u32 $0x1, s1  }
0x8c: {  	s14 =	sshll.u32 s0, $0xA;
	s2 =	sadd.s32 s3, s2  }
0x8d: {  	s2 =	sadd.s32 s2, s14  }
0x8e: {  	[smem:$0x3FC6] =	sst s2  }
0x8f: {  	_ = 	snop  }
0x90: {  	s2 =	sld [smem:$0x3FD0];
	_ =	sdelay $0x2  }
0x91: {  	s4 =	simm.s32 $0xA;
	s5 =	simm.s32 $0x10;
	s15 =	sld [smem:$0x3FC8]  }
0x92: {  	[smem:s5], [sflag:s4] =	dma.local [hbm:s2], $0x1  }
0x93: {  	_ =	swait.eq [sflag:s4], $0x1  }
0x94: {  	[sflag:s4] =	ssyncset.done $0x0  }
0x95: {  	s16 =	sld [smem:$0x10];
	[sflag:s4] =	ssyncadd.s32 $0xFFFFFFFF  }
0x96: {  	s17 =	sld [smem:$0x11];
	(tm) =	ssettm $0x1  }
0x97: {  	s18 =	sld [smem:$0x3FFB];
	_ =	sdelay $0x3  }
0x98: {  	_ =	strace s18  }
0x99: {  	s5 =	sld [smem:$0x3FFC];
	_ =	sdelay $0x3  }
0x9a: {  	_ =	strace s5  }
0x9b: {  	s5 =	sld [smem:$0x3FFD];
	_ =	sdelay $0x3  }
0x9c: {  	_ =	strace s5  }
0x9d: {  	_ =	strace $0x8FFFFFFF  }
0x9e: {  	s19 =	sld [smem:$0x3FDB];
	_ =	sdelay $0x1  }
0x9f: {  	s6 =	simm.s32 $_scs_section_size  }
0xa0: {  	s7 =	simm.s32 $_size__tile_overlayer_lowered;
	s8 =	simm.s32 $_tile_overlayer_lowered  }
0xa1: {  	s22 =	simm.s32 $0x1BFF;
	s21 =	sshll.u32 s8, $0x1;
	s5 =	sadd.s32 s6, s19  }
0xa2: {  	s9 =	simm.s32 $0x0;
	s20 =	sshll.u32 s7, $0x1;
	s7 =	sadd.s32 s21, s5  }
0xa3: {  	[timem:s9], [sflag:s22] =	dma.local [hbm:s7], s20  }
0xa4: {  	_ =	swait.ge [sflag:s22], s20  }
0xa5: {  	s6 =	ssub.s32 $0x0, s20;
	[sflag:s22] =	ssyncset.done $0x0  }
0xa6: {  	[sflag:s22] =	ssyncadd.s32 s6;
	_ =	sdelay $0x1  }
0xa7: {  	s23 =	simm.s32 $0x1B8B  }
0xa8: {  	_ =	swait.ge [sflag:s23], $0x1  }
0xa9: {  	[sflag:s23] =	ssyncset.done $0x0  }
0xaa: {  	s25 =	simm.s32 $0x1B8E;
	s24 =	sld [smem:$0x3FFE];
	[sflag:s23] =	ssyncadd.s32 $0xFFFFFFFF  }
0xab: {  	s26 =	simm.s32 $execute0_lowered;
	[smem:$0x3FD2] =	sst s25  }
0xac: {  	s7 =	sshll.u32 s26, $0x1;
	_ =	strace $0x80000046;
	[dreg:$0x1] =	wrdreg $0xFFFFFFFF  }
0xad: {  	s28 =	simm.s32 $_size_execute0_lowered;
	s5 =	sadd.s32 s5, s7;
	[dreg:$0x0] =	wrdreg $0x0  }
0xae: {  	s7 =	sshll.u32 s28, $0x1;
	[dreg:$0x2] =	wrdreg s5  }
0xaf: {  	[dreg:$0x3] =	wrdreg s7  }
0xb0: {  	[dreg:$0x4] =	wrdreg $0xC0  }
0xb1: {  	_ =	task [dreg:s9], $0x5FFFF  }
0xb2: {  	[dreg:$0x1] =	wrdreg $0xFFFFFFFF  }
0xb3: {  	[dreg:$0x0] =	wrdreg $0x60  }
0xb4: {  	[dreg:$0x2] =	wrdreg s17  }
0xb5: {  	[dreg:$0x3] =	wrdreg s15  }
0xb6: {  	[dreg:$0x4] =	wrdreg s16  }
0xb7: {  	[dreg:$0x5] =	wrdreg s24  }
0xb8: {  	[dreg:$0x6] =	wrdreg $0x9  }
0xb9: {  	_ =	task.clear_ibuf [dreg:s9], $0x7FFFF;
	_ =	strace $0x90000046  }
0xba: {  	s29 =	simm.s32 $0x9;
	_ =	strace $0x80000048  }
0xbb: {  	_ =	swait.ge [sflag:s29], $0x1  }
0xbc: {  	[sflag:s29] =	ssyncadd.s32 $0xFFFFFFFF  }
0xbd: {  	_ =	strace $0x90000048  }
0xbe: {  	_ =	sfence  }
0xbf: {  	s30 =	sld [smem:$0x0];
	_ =	sdelay $0x2  }
0xc0: {  	s31 =	sshll.u32 s1, $0xD;
	s1 =	sshrl.u32 s1, $0x2  }
0xc1: {  	s3 =	sand.u32 $0x4000, s31;
	s1 =	sadd.s32 s1, s30  }
0xc2: {  	s0 =	sor.u32 s3, s0;
	s1 =	sshll.u32 s1, $0x11  }
0xc3: {  	s0 =	sor.u32 s1, s0  }
0xc4: {  	s0 =	sadd.s32 $0x8F2B, s0  }
0xc5: {  	[sflag:s0] =	ssyncadd.remote.s32 $0x1  }
0xc6: {  	_ =	sfence.sel $0xFFFF  }
0xc7: {  	[dreg:$0x0] =	wrdreg $0xFFFFFFFF;
	(pc) =	sbr.abs _section_cstart, $3  }
0xc8: {  	[dreg:$0x1] =	wrdreg $0xFFFFFFFF  }
0xc9: {  	_ =	task.clear_ibuf [dreg:s9], $0x2FFFF;
	_ =	strace $0x9FFFFFFF  }
0xca: {  	(tm) =	ssettm $0x7FFFFFFF  }
0xcb: {  	_ =	shalt  }
tec
execute0_lowered:
.L_overlay_start_1:
0x0: {  	(tag) =	ssettag $0x1  }
0x1: {  	s1 =	rddreg [dreg:$0x0]  }
0x2: {  	s2 =	rddreg [dreg:$0x1]  }
0x3: {  	s4 =	rddreg [dreg:$0x2];
	v9 =	vlaneseq.u32  }
0x4: {  	s7 =	rddreg [dreg:$0x3];
	s5 =	simm.s32 $0x0;
	v50 =	vmul.u32 $0x80, v9  }
0x5: {  	s3 =	srdreg.scid;
	[smem:$0x7FF] =	sst s5  }
0x6: {  	s8 =	sand.u32 $0x1, s3;
	s3 =	rddreg [dreg:$0x4];
	v0 =	vmul.u32 $0xFFFFFFFF, v9;
	_ =	strace $0x80000047;
	v1 =	vor.u32 $0x2800, v50;
	[tilespmem:$0x1FF80] =	vst v50  }
0x7: {  	s0 =	stileid.u32;
	v63 =	vor.u32 $0x3800, v50;
	[tilespmem:$0x1FF50] =	vst v1  }
0x8: {  	s14 =	simm.s32 $0x3;
	s6 =	sshll.u32 s0, $0x1;
	v0 =	vadd.s32 $0x1FFFF, v0;
	[tilespmem:$0x1FF60] =	vst v63  }
0x9: {  	s15 =	simm.s32 $0x5000;
	s16 =	simm.s32 $0x1;
	s6 =	sor.u32 s8, s6;
	v55 =	vor.u32 $0x800, v50;
	[tilespmem:$0x1FF70] =	vst v0  }
0xa: {  	s17 =	simm.s32 $0xA000;
	s18 =	simm.s32 $0x2;
	s9 =	smul.u32 $0x5000, s6;
	v58 =	vor.u32 $0x1000, v50;
	[tilespmem:$0x1FF90] =	vst v55  }
0xb: {  	s19 =	simm.s32 $0xA180;
	s8 =	ssub.s32 $0x2, s8;
	s11 =	smul.u32 $0xA00, s6;
	v59 =	vor.u32 $0x1800, v50;
	[tilespmem:$0x1FFA0] =	vst v58  }
.Ltmp0:
0xc: {  	s10 =	sshll.u32 s6, $0x4;
	s31 =	sshrl.u32 s8, $0x1;
	v13 =	vor.u32 $0x2000, v50;
	[tilespmem:$0x1FFB0] =	vst v59;
	(pc) =	sbr.rel .LBB2_1-.Ltmp0, $4  }
0xd: {  	s20 =	simm.s32 $0x0;
	v56 =	vor.u32 $0x3000, v50;
	s12 =	sadd.s32 s10, s7;
	s13 =	ssub.s32 s8, s31;
	[tilespmem:$0x1FFC0] =	vst v13  }
0xe: {  	v44 =	vor.u32 $0x4000, v50;
	s10 =	sor.u32 $0x60, s6;
	[tilespmem:$0x1FFD0] =	vst v56;
	s9 =	sshrl.u32 s9, $0x3;
	s7 =	sadd.s32 s2, s11  }
0xf: {  	v46 =	vor.u32 $0x4800, v50;
	[tilespmem:$0x1FFE0] =	vst v44;
	s11 =	sadd.s32 $0x400, s12;
	s12 =	smax.u32 s13, $0x1;
	s9 =	sadd.s32 s2, s9  }
0x10: {  	[tilespmem:$0x1FFF0] =	vst v46;
	s13 =	simm.s32 $0xA100;
	s8 =	sadd.s32 $0x14000, s9;
	s9 =	sor.u32 $0x40, s6  }
.LBB2_9:
0x11: {  	s20 =	sadd.s32 $0x1, s20  }
0x12: {  	p0 =	sne.s32 s20, s12  }
.Ltmp1:
0x13: {  	_ = 	snop;
	(pc) =	sbr.rel @!p0 .LBB2_10-.Ltmp1, $4  }
0x14: {  	[hbm4b:s11+s5] =	stream.linear.scatter [tilespmem:s19], [sflag:$0x3], $0x80, $0x38;
	[tilespmem:$0xA200] =	vst v63  }
0x15: {  	_ =	swait.ge [sflag:s14], $0x80  }
0x16: {  	[sflag:s14] =	ssyncset.done $0x0  }
0x17: {  	[sflag:s14] =	ssyncadd.s32 $0xFFFFFF80  }
.LBB2_1:
0x18: {  	[tilespmem:s13], [sflag:$0x3] =	stream.linear.gather [hbm4b:s1+s5], $0x80, $0x38;
	[tilespmem:$0xA200] =	vst v63  }
0x19: {  	_ =	swait.ge [sflag:s14], $0x80  }
0x1a: {  	[sflag:s14] =	ssyncset.done $0x0  }
.Ltmp2:
0x1b: {  	v0 =	vimm.s32 $0x80000001;
	[sflag:s14] =	ssyncadd.s32 $0xFFFFFF80;
	(pc) =	sbr.rel .LBB2_2-.Ltmp2, $4  }
0x1c: {  	[tilespmem:$0xA180] =	vst v0  }
0x1d: {  	[tilespmem:s5], [sflag:$0x1] =	stream.linear.gather [hbm4b:s7+s5], $0x5000, $0x38;
	[tilespmem:$0xA200] =	vst v63  }
0x1e: {  	s21 =	simm.s32 $0x0  }
0x1f: {  	[tilespmem:s15], [sflag:$0x2] =	stream.linear.gather [hbm4b:s8+s5], $0x5000, $0x38;
	[tilespmem:$0xA200] =	vst v63  }
.LBB2_8:
0x20: {  	s22 =	sadd.s32 s10, s22  }
0x21: {  	p0 =	sgt.u32 s22, $0x270  }
0x22: {  	s22 =	smul.u32 @!p0 $0xA00, s22  }
0x23: {  	s21 =	sadd.s32 $0x1, s21  }
0x24: {  	s23 =	simm.s32 @!p0 $0x0;
	s24 =	simm.s32 @!p0 $0x5000;
	s22 =	sadd.s32 @!p0 s2, s22  }
0x25: {  	[tilespmem:s24], [sflag:$0x2] =	stream.linear.gather @!p0 [hbm4b:s22+s23], $0x5000, $0x38;
	[tilespmem:$0xA200] =	vst v63  }
0x26: {  	v50 =	vld [tilespmem:$0x1FF80];
	p0 =	sne.s32 s21, $0xA  }
.Ltmp3:
0x27: {  	v55 =	vld [tilespmem:$0x1FF90];
	(pc) =	sbr.rel @!p0 .LBB2_9-.Ltmp3, $4  }
0x28: {  	v58 =	vld [tilespmem:$0x1FFA0]  }
0x29: {  	v59 =	vld [tilespmem:$0x1FFB0]  }
0x2a: {  	v13 =	vld [tilespmem:$0x1FFC0]  }
0x2b: {  	v9 =	vlaneseq.u32;
	v56 =	vld [tilespmem:$0x1FFD0]  }
.LBB2_2:
0x2c: {  	v39 =	vld [tilespmem:$0x1FF50]  }
0x2d: {  	s22 =	simm.s32 $0x0  }
0x2e: {  	s25 =	simm.s32 $0x7;
	v0 =	vadd.s32 s22, v9  }
0x2f: {  	v1 =	vand.u32 $0x7F, v0;
	v0 =	vadd.s32 s25, v9  }
0x30: {  	v3 =	vand.u32 $0x7F, v0  }
0x31: {  	v28 =	vor.u32 v39, v3;
	_ =	sdelay $0x1  }
0x32: {  	v42 =	vld [tilespmem:$0x1FF60];
	s23 =	simm.s32 $0x6;
	_ =	swait.ge [sflag:s16], $0x5000  }
0x33: {  	s30 =	simm.s32 $0x2;
	v2 =	vadd.s32 s23, v9;
	[sflag:s16] =	ssyncset.done $0x0  }
0x34: {  	v8 =	vadd.s32 s30, v9;
	v4 =	vand.u32 $0x7F, v2;
	[sflag:s16] =	ssyncadd.s32 $0xFFFFB000  }
0x35: {  	v33 =	vand.u32 $0x7F, v8;
	v57 =	vld.idx.msk [tilespmem:v28+s5+$0x0], $0xffff;
	v28 =	vor.u32 v44, v4  }
0x36: {  	s26 =	simm.s32 $0x5;
	s28 =	simm.s32 $0x4;
	[tilespmem:$0x1FE30] =	vst v28;
	v28 =	vld [tilespmem:$0x1FF50]  }
0x37: {  	s29 =	simm.s32 $0x3;
	v2 =	vadd.s32 s28, v9;
	v0 =	vadd.s32 s26, v9  }
0x38: {  	v6 =	vadd.s32 s29, v9;
	v7 =	vand.u32 $0x7F, v2;
	v5 =	vand.u32 $0x7F, v0;
	v0 =	vld.idx.msk [tilespmem:v1+s13+$0x0], $0xffff  }
0x39: {  	v2 =	vand.u32 $0x7F, v6;
	v53 =	vld.idx.msk [tilespmem:v4+s13+$0x0], $0xffff  }
0x3a: {  	v8 =	vor.u32 v55, v1;
	v18 =	vld.idx.msk [tilespmem:v33+s13+$0x0], $0xffff  }
0x3b: {  	s31 =	simm.s32 $0x1;
	v52 =	vor.u32 v28, v5;
	v28 =	vld [tilespmem:$0x1FF60]  }
0x3c: {  	v6 =	vadd.s32 s31, v9;
	v9 =	vor.u32 v58, v1;
	v62 =	vld.idx.msk [tilespmem:v3+s13+$0x0], $0xffff  }
0x3d: {  	v10 =	vor.u32 v59, v1;
	v16 =	vld.idx.msk [tilespmem:v7+s13+$0x0], $0xffff  }
0x3e: {  	v11 =	vor.u32 v13, v1;
	v17 =	vld.idx.msk [tilespmem:v2+s13+$0x0], $0xffff  }
0x3f: {  	v21 =	vor.u32 v44, v1;
	v8 =	vld.idx.msk [tilespmem:v8+s5+$0x0], $0xffff  }
0x40: {  	v32 =	vor.u32 v50, v4;
	v40 =	vor.u32 v50, v33;
	v54 =	vor.u32 v28, v5;
	v28 =	vld [tilespmem:$0x1FFE0]  }
0x41: {  	v35 =	vor.u32 v58, v4;
	v38 =	vor.u32 v13, v4;
	v61 =	vor.u32 v55, v33;
	v9 =	vld.idx.msk [tilespmem:v9+s5+$0x0], $0xffff  }
0x42: {  	v31 =	vand.u32 $0x7F, v6;
	v6 =	vor.u32 v50, v1;
	v19 =	vor.u32 v56, v1;
	v10 =	vld.idx.msk [tilespmem:v10+s5+$0x0], $0xffff  }
0x43: {  	v22 =	vor.u32 v50, v3;
	v23 =	vor.u32 v55, v3;
	v25 =	vor.u32 v58, v3;
	v11 =	vld.idx.msk [tilespmem:v11+s5+$0x0], $0xffff  }
0x44: {  	v26 =	vor.u32 v59, v3;
	v27 =	vor.u32 v13, v3;
	v29 =	vor.u32 v56, v3;
	v21 =	vld.idx.msk [tilespmem:v21+s5+$0x0], $0xffff  }
0x45: {  	v34 =	vor.u32 v44, v3;
	v41 =	vor.u32 v56, v4;
	v40 =	vld.idx.msk [tilespmem:v40+s5+$0x0], $0xffff;
	v28 =	vor.u32 v28, v5  }
0x46: {  	v12 =	vor.u32 v39, v1;
	v20 =	vor.u32 v42, v1;
	v30 =	vor.u32 v42, v3;
	[tilespmem:$0x1FE50] =	vst v28;
	v28 =	vld [tilespmem:$0x1FFF0]  }
0x47: {  	[tilespmem:$0x1FE10] =	vst v34;
	v34 =	vor.u32 v55, v4;
	v47 =	vor.u32 v42, v4;
	v42 =	vld.idx.msk [tilespmem:v61+s5+$0x0], $0xffff  }
0x48: {  	v39 =	vor.u32 v39, v4;
	v43 =	vor.u32 v50, v5;
	v48 =	vor.u32 v59, v5;
	v32 =	vld.idx.msk [tilespmem:v32+s5+$0x0], $0xffff  }
0x49: {  	v49 =	vor.u32 v13, v5;
	v14 =	vor.u32 v56, v5;
	v3 =	vor.u32 v46, v3;
	v15 =	vld.idx.msk [tilespmem:v5+s13+$0x0], $0xffff  }
0x4a: {  	[tilespmem:$0x1FE20] =	vst v3;
	v3 =	vor.u32 v59, v4;
	v44 =	vor.u32 v55, v5;
	v4 =	vor.u32 v46, v4  }
0x4b: {  	[tilespmem:$0x1FE40] =	vst v4;
	v4 =	vor.u32 v58, v5;
	v5 =	vor.u32 v28, v5;
	v28 =	vor.u32 v13, v7  }
0x4c: {  	[tilespmem:$0x1FF00] =	vst v28;
	v28 =	vld [tilespmem:$0x1FF50]  }
0x4d: {  	v24 =	vld.idx.msk [tilespmem:v31+s13+$0x0], $0xffff  }
0x4e: {  	v6 =	vld.idx.msk [tilespmem:v6+s5+$0x0], $0xffff  }
0x4f: {  	v19 =	vld.idx.msk [tilespmem:v19+s5+$0x0], $0xffff  }
0x50: {  	v22 =	vld.idx.msk [tilespmem:v22+s5+$0x0], $0xffff  }
0x51: {  	v23 =	vld.idx.msk [tilespmem:v23+s5+$0x0], $0xffff;
	v28 =	vor.u32 v28, v7  }
0x52: {  	v45 =	vor.u32 v50, v2;
	v25 =	vld.idx.msk [tilespmem:v25+s5+$0x0], $0xffff;
	[tilespmem:$0x1FF30] =	vst v28;
	v28 =	vor.u32 v56, v7  }
0x53: {  	v37 =	vor.u32 v55, v31;
	[tilespmem:$0x1FF40] =	vst v28;
	v28 =	vld [tilespmem:$0x1FF60]  }
0x54: {  	v26 =	vld.idx.msk [tilespmem:v26+s5+$0x0], $0xffff  }
0x55: {  	v36 =	vor.u32 v50, v31;
	v27 =	vld.idx.msk [tilespmem:v27+s5+$0x0], $0xffff  }
0x56: {  	v29 =	vld.idx.msk [tilespmem:v29+s5+$0x0], $0xffff  }
0x57: {  	v1 =	vor.u32 v46, v1;
	v45 =	vld.idx.msk [tilespmem:v45+s5+$0x0], $0xffff;
	v46 =	vor.u32 v55, v2  }
0x58: {  	v37 =	vld.idx.msk [tilespmem:v37+s5+$0x0], $0xffff;
	[tilespmem:$0x1FE60] =	vst v5;
	v28 =	vor.u32 v28, v7  }
0x59: {  	v5 =	vor.u32 v55, v7;
	[tilespmem:$0x1FE70] =	vst v28;
	v28 =	vld [tilespmem:$0x1FFE0]  }
0x5a: {  	v36 =	vld.idx.msk [tilespmem:v36+s5+$0x0], $0xffff  }
0x5b: {  	v12 =	vld.idx.msk [tilespmem:v12+s5+$0x0], $0xffff;
	v8 =	vmul.f32 v8, v0  }
0x5c: {  	v63 =	vimm.f32 $0.0e+00;
	v50 =	vor.u32 v50, v7;
	v40 =	vmul.f32 v40, v18;
	v51 =	vld.idx.msk [tilespmem:v46+s5+$0x0], $0xffff  }
0x5d: {  	v20 =	vld.idx.msk [tilespmem:v20+s5+$0x0], $0xffff;
	v6 =	vmul.f32 v6, v0;
	v8 =	vadd.f32 v8, v63;
	v37 =	vmul.f32 v37, v24  }
0x5e: {  	v42 =	vmul.f32 v42, v18;
	v11 =	vmul.f32 v11, v0;
	v5 =	vld.idx.msk [tilespmem:v5+s5+$0x0], $0xffff;
	v28 =	vor.u32 v28, v7  }
0x5f: {  	v36 =	vmul.f32 v36, v24;
	v6 =	vadd.f32 v6, v63;
	v8 =	vadd.f32 v37, v8;
	[tilespmem:$0x1FE80] =	vst v28;
	v28 =	vld [tilespmem:$0x1FFF0]  }
0x60: {  	v1 =	vld.idx.msk [tilespmem:v1+s5+$0x0], $0xffff;
	v9 =	vmul.f32 v9, v0;
	v10 =	vmul.f32 v10, v0  }
0x61: {  	[tilespmem:$0x1FF10] =	vst v11;
	v6 =	vadd.f32 v36, v6;
	v8 =	vadd.f32 v42, v8;
	v11 =	vmul.f32 v51, v17  }
0x62: {  	v61 =	vor.u32 v58, v7;
	v30 =	vld.idx.msk [tilespmem:v30+s5+$0x0], $0xffff;
	v21 =	vmul.f32 v21, v0;
	v12 =	vmul.f32 v12, v0  }
0x63: {  	v37 =	vld.idx.msk [tilespmem:v50+s5+$0x0], $0xffff;
	v50 =	vmul.f32 v45, v17;
	v6 =	vadd.f32 v40, v6;
	v8 =	vadd.f32 v11, v8  }
0x64: {  	v34 =	vld.idx.msk [tilespmem:v34+s5+$0x0], $0xffff;
	v55 =	vor.u32 v59, v7;
	v5 =	vmul.f32 v5, v16;
	v7 =	vor.u32 v28, v7  }
0x65: {  	v51 =	vmul.f32 v19, v0;
	v19 =	vmul.f32 v20, v0;
	[tilespmem:$0x1FE90] =	vst v7;
	v7 =	vld.idx.msk [tilespmem:v43+s5+$0x0], $0xffff  }
0x66: {  	v3 =	vld.idx.msk [tilespmem:v3+s5+$0x0], $0xffff;
	v0 =	vmul.f32 v1, v0;
	v1 =	vadd.f32 v5, v8;
	v5 =	vor.u32 v59, v31  }
0x67: {  	v46 =	vld.idx.msk [tilespmem:v35+s5+$0x0], $0xffff  }
0x68: {  	v60 =	vld.idx.msk [tilespmem:v44+s5+$0x0], $0xffff;
	v6 =	vadd.f32 v50, v6;
	[tilespmem:$0x1FEA0] =	vst v19;
	v19 =	vmul.f32 v37, v16  }
0x69: {  	v44 =	vld [tilespmem:$0x1FFE0]  }
0x6a: {  	[tilespmem:$0x1FEB0] =	vst v21;
	v21 =	vld.idx.msk [tilespmem:v41+s5+$0x0], $0xffff;
	v6 =	vadd.f32 v19, v6;
	v7 =	vmul.f32 v7, v15  }
0x6b: {  	v26 =	vmul.f32 v26, v62;
	v40 =	vor.u32 v58, v2;
	[tilespmem:$0x1FEC0] =	vst v0;
	v5 =	vld.idx.msk [tilespmem:v5+s5+$0x0], $0xffff  }
0x6c: {  	v0 =	vld.idx.msk [tilespmem:v47+s5+$0x0], $0xffff;
	v50 =	vmul.f32 v25, v62;
	v25 =	vmul.f32 v32, v53;
	v6 =	vadd.f32 v7, v6  }
0x6d: {  	v4 =	vld.idx.msk [tilespmem:v4+s5+$0x0], $0xffff  }
0x6e: {  	v35 =	vld [tilespmem:$0x1FF50];
	[tilespmem:$0x1FED0] =	vst v26;
	v6 =	vadd.f32 v25, v6;
	v25 =	vor.u32 v59, v33  }
0x6f: {  	v26 =	vmul.f32 v27, v62;
	[tilespmem:$0x1FF20] =	vst v12;
	v12 =	vld.idx.msk [tilespmem:v38+s5+$0x0], $0xffff  }
0x70: {  	v10 =	vadd.f32 v10, v63;
	v45 =	vmul.f32 v30, v62;
	v42 =	vld [tilespmem:$0x1FF60];
	v5 =	vmul.f32 v5, v24  }
0x71: {  	v47 =	vmul.f32 v29, v62;
	v30 =	vld.idx.msk [tilespmem:v40+s5+$0x0], $0xffff;
	v40 =	vmul.f32 v0, v53  }
0x72: {  	v29 =	vld.idx.msk [tilespmem:v14+s5+$0x0], $0xffff;
	v0 =	vmul.f32 v4, v15;
	v4 =	vadd.f32 v5, v10;
	v5 =	vor.u32 v56, v2  }
0x73: {  	v8 =	vmul.f32 v60, v15;
	[tilespmem:$0x1FEF0] =	vst v5;
	v5 =	vld.idx.msk [tilespmem:v25+s5+$0x0], $0xffff  }
0x74: {  	v27 =	vmul.f32 v34, v53;
	[tilespmem:$0x1FEE0] =	vst v26;
	v20 =	vor.u32 v59, v2;
	v26 =	vld.idx.msk [tilespmem:v52+s5+$0x0], $0xffff  }
0x75: {  	v52 =	vmul.f32 v57, v62;
	v57 =	vmul.f32 v46, v53;
	v46 =	vld [tilespmem:$0x1FFF0];
	v1 =	vadd.f32 v8, v1  }
0x76: {  	v11 =	vld.idx.msk [tilespmem:v39+s5+$0x0], $0xffff  }
0x77: {  	v23 =	vmul.f32 v23, v62;
	v39 =	vld.idx.msk [tilespmem:v49+s5+$0x0], $0xffff;
	v19 =	vor.u32 v58, v31;
	v1 =	vadd.f32 v27, v1  }
0x78: {  	v14 =	vmul.f32 v29, v15;
	v8 =	vor.u32 v58, v33;
	v29 =	vmul.f32 v5, v18;
	v5 =	vld [tilespmem:$0x1FF00]  }
0x79: {  	v58 =	vmul.f32 v3, v53;
	v3 =	vld.idx.msk [tilespmem:v54+s5+$0x0], $0xffff;
	v43 =	vadd.f32 v23, v1;
	v23 =	vor.u32 v35, v31  }
0x7a: {  	v41 =	vmul.f32 v21, v53;
	v21 =	vld.idx.msk [tilespmem:v20+s5+$0x0], $0xffff;
	v27 =	vor.u32 v13, v33  }
0x7b: {  	v60 =	vmul.f32 v11, v53;
	v11 =	vld.idx.msk [tilespmem:v61+s5+$0x0], $0xffff  }
0x7c: {  	v19 =	vld.idx.msk [tilespmem:v19+s5+$0x0], $0xffff  }
0x7d: {  	v8 =	vld.idx.msk [tilespmem:v8+s5+$0x0], $0xffff  }
0x7e: {  	v22 =	vmul.f32 v22, v62;
	v61 =	vmul.f32 v3, v15;
	v3 =	vld.idx.msk [tilespmem:v23+s5+$0x0], $0xffff  }
0x7f: {  	v37 =	vor.u32 v13, v2;
	v34 =	vld.idx.msk [tilespmem:v27+s5+$0x0], $0xffff  }
0x80: {  	v36 =	vadd.f32 v22, v6;
	v22 =	vmul.f32 v11, v16;
	v11 =	vmul.f32 v21, v17;
	v21 =	vld.idx.msk [tilespmem:v5+s5+$0x0], $0xffff  }
0x81: {  	v49 =	vor.u32 v44, v2;
	v54 =	vor.u32 v42, v2;
	v28 =	vor.u32 v35, v2;
	v5 =	vld [tilespmem:$0x1FF10]  }
0x82: {  	v7 =	vld.idx.msk [tilespmem:v48+s5+$0x0], $0xffff;
	v59 =	vmul.f32 v12, v53;
	v12 =	vmul.f32 v19, v24;
	v6 =	vadd.f32 v9, v63  }
0x83: {  	v48 =	vor.u32 v46, v2;
	v2 =	vor.u32 v42, v33;
	v32 =	vmul.f32 v3, v24;
	v3 =	vld [tilespmem:$0x1FF30]  }
0x84: {  	v9 =	vld.idx.msk [tilespmem:v55+s5+$0x0], $0xffff;
	v63 =	vor.u32 v44, v33;
	v55 =	vor.u32 v46, v33;
	v1 =	vadd.f32 v12, v6  }
0x85: {  	v27 =	vld.idx.msk [tilespmem:v37+s5+$0x0], $0xffff;
	v6 =	vor.u32 v35, v33;
	v12 =	vor.u32 v56, v33;
	v33 =	vimm.f32 $0.0e+00  }
0x86: {  	v37 =	vadd.f32 v5, v33;
	v5 =	vld [tilespmem:$0x1FF20];
	_ =	sdelay $0x2  }
0x87: {  	v19 =	vor.u32 v13, v31;
	v38 =	vmul.f32 v7, v15;
	v7 =	vor.u32 v56, v31  }
0x88: {  	v56 =	vor.u32 v46, v31;
	v25 =	vmul.f32 v8, v18;
	v8 =	vor.u32 v42, v31  }
0x89: {  	v10 =	vmul.f32 v9, v16;
	v9 =	vor.u32 v44, v31;
	v31 =	vadd.f32 v5, v33;
	v5 =	vld.idx.msk [tilespmem:v3+s5+$0x0], $0xffff  }
0x8a: {  	v3 =	vld [tilespmem:$0x1FF40];
	_ =	sdelay $0x2  }
0x8b: {  	v19 =	vld.idx.msk [tilespmem:v19+s5+$0x0], $0xffff;
	_ =	sdelay $0x2  }
0x8c: {  	v20 =	vmul.f32 v26, v15;
	v39 =	vmul.f32 v39, v15;
	v28 =	vld.idx.msk [tilespmem:v28+s5+$0x0], $0xffff  }
0x8d: {  	s22 =	sshll.u32 s21, $0x6;
	v23 =	vmul.f32 v30, v17;
	v35 =	vimm.f32 $0.0e+00;
	v42 =	vimm.f32 $0.0e+00;
	v26 =	vld.idx.msk [tilespmem:v6+s5+$0x0], $0xffff  }
0x8e: {  	s24 =	simm.s32 $0x8;
	s23 =	sor.u32 s6, s22;
	v6 =	vmul.f32 v34, v18;
	v34 =	vimm.f32 $0.0e+00;
	v30 =	vmul.f32 v19, v24;
	v3 =	vld.idx.msk [tilespmem:v3+s5+$0x0], $0xffff  }
.LBB2_3:
0x8f: {  	v13 =	vld [tilespmem:$0x1FE70];
	_ =	sdelay $0x2  }
0x90: {  	v1 =	vadd.f32 v25, v1;
	_ =	sdelay $0x1  }
0x91: {  	v1 =	vadd.f32 v23, v1;
	_ =	sdelay $0x1  }
0x92: {  	v1 =	vadd.f32 v22, v1  }
0x93: {  	v19 =	vadd.f32 v30, v37;
	v30 =	vadd.f32 v32, v31;
	v31 =	vld.idx.msk [tilespmem:v13+s5+$0x0], $0xffff  }
0x94: {  	v0 =	vadd.f32 v0, v1;
	v13 =	vld [tilespmem:$0x1FEF0]  }
0x95: {  	v4 =	vadd.f32 v29, v4  }
0x96: {  	v0 =	vadd.f32 v57, v0  }
0x97: {  	v4 =	vadd.f32 v11, v4  }
0x98: {  	v0 =	vadd.f32 v50, v0  }
0x99: {  	v4 =	vadd.f32 v10, v4  }
0x9a: {  	[tilespmem:$0x1FD40] =	vst v0;
	v0 =	vld [tilespmem:$0x1FED0]  }
0x9b: {  	v8 =	vld.idx.msk [tilespmem:v8+s5+$0x0], $0xffff;
	v1 =	vadd.f32 v38, v4  }
0x9c: {  	v25 =	vmul.f32 v27, v17;
	v27 =	vld.idx.msk [tilespmem:v13+s5+$0x0], $0xffff  }
0x9d: {  	v6 =	vadd.f32 v6, v19;
	v1 =	vadd.f32 v58, v1;
	v13 =	vld [tilespmem:$0x1FEB0]  }
0x9e: {  	v26 =	vmul.f32 v26, v18  }
0x9f: {  	v12 =	vld.idx.msk [tilespmem:v12+s5+$0x0], $0xffff;
	v11 =	vmul.f32 v21, v16;
	v6 =	vadd.f32 v25, v6;
	v0 =	vadd.f32 v0, v1  }
0xa0: {  	v2 =	vld.idx.msk [tilespmem:v2+s5+$0x0], $0xffff;
	v19 =	vadd.f32 v26, v30;
	v26 =	vmul.f32 v28, v17  }
0xa1: {  	v6 =	vadd.f32 v11, v6;
	[tilespmem:$0x1FD50] =	vst v0;
	v0 =	vmul.f32 v8, v24;
	v8 =	vld [tilespmem:$0x1FEE0]  }
0xa2: {  	v5 =	vmul.f32 v5, v16;
	v19 =	vadd.f32 v26, v19;
	v23 =	vadd.f32 v13, v35;
	v13 =	vld [tilespmem:$0x1FEC0]  }
0xa3: {  	v7 =	vld.idx.msk [tilespmem:v7+s5+$0x0], $0xffff;
	v6 =	vadd.f32 v39, v6  }
0xa4: {  	v9 =	vld.idx.msk [tilespmem:v9+s5+$0x0], $0xffff;
	v5 =	vadd.f32 v5, v19  }
0xa5: {  	v21 =	vld.idx.msk [tilespmem:v55+s5+$0x0], $0xffff;
	v6 =	vadd.f32 v59, v6  }
0xa6: {  	v22 =	vld.idx.msk [tilespmem:v49+s5+$0x0], $0xffff;
	v5 =	vadd.f32 v20, v5  }
0xa7: {  	v6 =	vadd.f32 v8, v6;
	v25 =	vadd.f32 v13, v34;
	v13 =	vld [tilespmem:$0x1FE90]  }
0xa8: {  	v28 =	vld.idx.msk [tilespmem:v54+s5+$0x0], $0xffff;
	v5 =	vadd.f32 v60, v5  }
0xa9: {  	[tilespmem:$0x1FD80] =	vst v6;
	v6 =	vld [tilespmem:$0x1FEA0]  }
0xaa: {  	v4 =	vld.idx.msk [tilespmem:v56+s5+$0x0], $0xffff;
	v5 =	vadd.f32 v52, v5  }
0xab: {  	v20 =	vld.idx.msk [tilespmem:v63+s5+$0x0], $0xffff  }
0xac: {  	v7 =	vmul.f32 v7, v24;
	v1 =	vld.idx.msk [tilespmem:v48+s5+$0x0], $0xffff;
	[tilespmem:$0x1FDA0] =	vst v5;
	v5 =	vadd.f32 v51, v33  }
0xad: {  	v8 =	vmul.f32 v9, v24;
	v9 =	vld [tilespmem:$0x1FE80]  }
0xae: {  	v12 =	vmul.f32 v12, v18;
	v5 =	vadd.f32 v7, v5;
	v7 =	vld [tilespmem:$0x1FE50];
	v6 =	vadd.f32 v6, v42  }
0xaf: {  	v2 =	vmul.f32 v2, v18;
	v4 =	vmul.f32 v4, v24;
	v24 =	vld.idx.msk [tilespmem:v13+s5+$0x0], $0xffff  }
0xb0: {  	v8 =	vadd.f32 v8, v23;
	v0 =	vadd.f32 v0, v6;
	v6 =	vmul.f32 v20, v18;
	v13 =	vld [tilespmem:$0x1FE60]  }
0xb1: {  	v11 =	vmul.f32 v27, v17;
	v5 =	vadd.f32 v12, v5;
	v12 =	vld [tilespmem:$0x1FE30]  }
0xb2: {  	v0 =	vadd.f32 v2, v0;
	v2 =	vmul.f32 v22, v17;
	v6 =	vadd.f32 v6, v8;
	v8 =	vld [tilespmem:$0x1FE40]  }
0xb3: {  	v5 =	vadd.f32 v11, v5;
	v11 =	vld [tilespmem:$0x1FE10]  }
0xb4: {  	v2 =	vadd.f32 v2, v6;
	v6 =	vld [tilespmem:$0x1FE20]  }
0xb5: {  	v9 =	vld.idx.msk [tilespmem:v9+s5+$0x0], $0xffff;
	_ =	sdelay $0x1  }
0xb6: {  	v19 =	vmul.f32 v28, v17;
	v7 =	vld.idx.msk [tilespmem:v7+s5+$0x0], $0xffff;
	v4 =	vadd.f32 v4, v25;
	v18 =	vmul.f32 v21, v18  }
0xb7: {  	v10 =	vmul.f32 v31, v16;
	v20 =	vld.idx.msk [tilespmem:v13+s5+$0x0], $0xffff  }
0xb8: {  	v1 =	vmul.f32 v1, v17;
	v12 =	vld.idx.msk [tilespmem:v12+s5+$0x0], $0xffff;
	v4 =	vadd.f32 v18, v4;
	v0 =	vadd.f32 v19, v0  }
0xb9: {  	v3 =	vmul.f32 v3, v16;
	v9 =	vmul.f32 v9, v16;
	v8 =	vld.idx.msk [tilespmem:v8+s5+$0x0], $0xffff  }
0xba: {  	v11 =	vld.idx.msk [tilespmem:v11+s5+$0x0], $0xffff;
	v1 =	vadd.f32 v1, v4;
	v4 =	vmul.f32 v24, v16;
	v0 =	vadd.f32 v10, v0  }
0xbb: {  	v3 =	vadd.f32 v3, v5;
	v5 =	vmul.f32 v7, v15;
	v2 =	vadd.f32 v9, v2;
	v6 =	vld.idx.msk [tilespmem:v6+s5+$0x0], $0xffff  }
0xbc: {  	v1 =	vadd.f32 v4, v1;
	v0 =	vadd.f32 v61, v0;
	v4 =	vmul.f32 v20, v15  }
0xbd: {  	v3 =	vadd.f32 v14, v3;
	v7 =	vmul.f32 v12, v53;
	v2 =	vadd.f32 v5, v2  }
0xbe: {  	v0 =	vadd.f32 v40, v0;
	v1 =	vadd.f32 v4, v1;
	v4 =	vmul.f32 v8, v53  }
0xbf: {  	v3 =	vadd.f32 v41, v3;
	v5 =	vmul.f32 v11, v62;
	v2 =	vadd.f32 v7, v2  }
0xc0: {  	v0 =	vadd.f32 v45, v0;
	v1 =	vadd.f32 v4, v1;
	v4 =	vmul.f32 v6, v62  }
0xc1: {  	v2 =	vadd.f32 v5, v2  }
0xc2: {  	s26 =	sadd.s32 $0x6, s24;
	s29 =	sadd.s32 $0x3, s24;
	v55 =	vld [tilespmem:$0x1FF80];
	v3 =	vadd.f32 v47, v3;
	v9 =	vlaneseq.u32;
	[tilespmem:$0x1FDF0] =	vst v0;
	v1 =	vadd.f32 v4, v1  }
0xc3: {  	s25 =	sadd.s32 $0x7, s24;
	v0 =	vadd.s32 s24, v9;
	[tilespmem:$0x1FDC0] =	vst v2;
	v2 =	vadd.s32 s26, v9;
	v6 =	vadd.s32 s29, v9  }
0xc4: {  	s31 =	sadd.s32 $0x5, s24;
	s28 =	sadd.s32 $0x4, s24;
	v4 =	vand.u32 $0x7F, v2;
	[tilespmem:$0x1FDE0] =	vst v1;
	v1 =	vand.u32 $0x7F, v0;
	v0 =	vadd.s32 s25, v9  }
0xc5: {  	[tilespmem:$0x1FD00] =	vst v3;
	v2 =	vadd.s32 s28, v9;
	v3 =	vand.u32 $0x7F, v0;
	v0 =	vadd.s32 s31, v9;
	s31 =	sadd.s32 $0x1, s24  }
0xc6: {  	v37 =	vld [tilespmem:$0x1FF50];
	v7 =	vand.u32 $0x7F, v2;
	v2 =	vand.u32 $0x7F, v6;
	v6 =	vadd.s32 s31, v9  }
0xc7: {  	v63 =	vld [tilespmem:$0x1FF90];
	v56 =	vand.u32 $0x7F, v6;
	v6 =	vor.u32 v55, v1  }
0xc8: {  	v14 =	vld [tilespmem:$0x1FFC0]  }
0xc9: {  	s30 =	sadd.s32 $0x2, s24;
	v47 =	vld [tilespmem:$0x1FFA0]  }
0xca: {  	v13 =	vld [tilespmem:$0x1FFB0];
	v8 =	vadd.s32 s30, v9  }
0xcb: {  	v40 =	vand.u32 $0x7F, v8;
	v62 =	vld [tilespmem:$0x1FF60]  }
0xcc: {  	v48 =	vld.idx.msk [tilespmem:v6+s5+$0x0], $0xffff  }
0xcd: {  	v6 =	vld [tilespmem:$0x1FFD0]  }
0xce: {  	v8 =	vld.idx.msk [tilespmem:v3+s13+$0x0], $0xffff;
	_ =	sdelay $0x1  }
0xcf: {  	v31 =	vor.u32 v55, v4;
	v18 =	vld.idx.msk [tilespmem:v40+s13+$0x0], $0xffff;
	v10 =	vor.u32 v13, v1  }
0xd0: {  	v11 =	vor.u32 v14, v1;
	v12 =	vor.u32 v37, v1;
	v21 =	vor.u32 v44, v1;
	v53 =	vld.idx.msk [tilespmem:v4+s13+$0x0], $0xffff  }
0xd1: {  	v20 =	vor.u32 v62, v1;
	v9 =	vor.u32 v47, v1;
	v16 =	vld.idx.msk [tilespmem:v7+s13+$0x0], $0xffff;
	v19 =	vor.u32 v6, v1  }
0xd2: {  	v5 =	vand.u32 $0x7F, v0;
	v0 =	vld.idx.msk [tilespmem:v1+s13+$0x0], $0xffff;
	[tilespmem:$0x1FCE0] =	vst v8;
	v8 =	vor.u32 v63, v1;
	v1 =	vor.u32 v46, v1  }
0xd3: {  	v61 =	vor.u32 v47, v4;
	v17 =	vld.idx.msk [tilespmem:v2+s13+$0x0], $0xffff  }
0xd4: {  	v33 =	vor.u32 v55, v7;
	v31 =	vld.idx.msk [tilespmem:v31+s5+$0x0], $0xffff  }
0xd5: {  	v26 =	vld.idx.msk [tilespmem:v21+s5+$0x0], $0xffff;
	v21 =	vor.u32 v13, v3  }
0xd6: {  	v23 =	vld.idx.msk [tilespmem:v19+s5+$0x0], $0xffff;
	v19 =	vor.u32 v63, v3  }
0xd7: {  	v27 =	vld.idx.msk [tilespmem:v1+s5+$0x0], $0xffff;
	v1 =	vor.u32 v14, v3  }
0xd8: {  	v58 =	vld.idx.msk [tilespmem:v61+s5+$0x0], $0xffff  }
0xd9: {  	v33 =	vld.idx.msk [tilespmem:v33+s5+$0x0], $0xffff  }
0xda: {  	v22 =	vor.u32 v55, v3;
	v25 =	vor.u32 v47, v3;
	v32 =	vld.idx.msk [tilespmem:v21+s5+$0x0], $0xffff  }
0xdb: {  	v28 =	vor.u32 v37, v3;
	v30 =	vor.u32 v62, v3;
	v21 =	vor.u32 v44, v3;
	v29 =	vld.idx.msk [tilespmem:v19+s5+$0x0], $0xffff  }
0xdc: {  	v19 =	vor.u32 v6, v3;
	v38 =	vld.idx.msk [tilespmem:v1+s5+$0x0], $0xffff;
	v1 =	vor.u32 v46, v3;
	v3 =	vor.u32 v14, v4  }
0xdd: {  	v10 =	vld.idx.msk [tilespmem:v10+s5+$0x0], $0xffff;
	[tilespmem:$0x1FE20] =	vst v1;
	v1 =	vor.u32 v13, v4  }
0xde: {  	v11 =	vld.idx.msk [tilespmem:v11+s5+$0x0], $0xffff  }
0xdf: {  	v42 =	vor.u32 v62, v4;
	v12 =	vld.idx.msk [tilespmem:v12+s5+$0x0], $0xffff  }
0xe0: {  	[tilespmem:$0x1FCF0] =	vst v43;
	v20 =	vld.idx.msk [tilespmem:v20+s5+$0x0], $0xffff  }
0xe1: {  	[tilespmem:$0x1FE10] =	vst v21;
	v60 =	vld.idx.msk [tilespmem:v3+s5+$0x0], $0xffff;
	v3 =	vor.u32 v14, v2  }
0xe2: {  	v59 =	vld.idx.msk [tilespmem:v1+s5+$0x0], $0xffff;
	v1 =	vor.u32 v14, v7;
	[tilespmem:$0x1FD10] =	vst v3  }
0xe3: {  	v3 =	vld [tilespmem:$0x1FF50];
	[tilespmem:$0x1FD70] =	vst v1;
	v1 =	vor.u32 v37, v7  }
0xe4: {  	v39 =	vor.u32 v37, v4;
	v42 =	vld.idx.msk [tilespmem:v42+s5+$0x0], $0xffff;
	[tilespmem:$0x1FDD0] =	vst v1;
	v1 =	vor.u32 v6, v7  }
0xe5: {  	v54 =	vor.u32 v44, v4;
	v15 =	vld.idx.msk [tilespmem:v5+s13+$0x0], $0xffff;
	[tilespmem:$0x1FE00] =	vst v1;
	v1 =	vor.u32 v62, v7  }
0xe6: {  	v21 =	vor.u32 v63, v4;
	v41 =	vor.u32 v6, v4;
	v4 =	vor.u32 v46, v4;
	[tilespmem:$0x1FE70] =	vst v1;
	v1 =	vld [tilespmem:$0x1FFE0]  }
0xe7: {  	[tilespmem:$0x1FE40] =	vst v4;
	v4 =	vld [tilespmem:$0x1FFE0]  }
0xe8: {  	[tilespmem:$0x1FE30] =	vst v54;
	v34 =	vor.u32 v63, v7;
	v9 =	vld.idx.msk [tilespmem:v9+s5+$0x0], $0xffff;
	v3 =	vor.u32 v3, v2  }
0xe9: {  	v43 =	vor.u32 v55, v5;
	v28 =	vld.idx.msk [tilespmem:v28+s5+$0x0], $0xffff;
	[tilespmem:$0x1FD20] =	vst v3;
	v3 =	vor.u32 v6, v2  }
0xea: {  	v45 =	vor.u32 v47, v5;
	v49 =	vor.u32 v13, v5;
	v50 =	vor.u32 v14, v5;
	[tilespmem:$0x1FEF0] =	vst v3;
	v3 =	vld [tilespmem:$0x1FFE0]  }
0xeb: {  	v51 =	vor.u32 v37, v5;
	v54 =	vor.u32 v62, v5;
	v8 =	vld.idx.msk [tilespmem:v8+s5+$0x0], $0xffff;
	v1 =	vor.u32 v1, v7  }
0xec: {  	v44 =	vor.u32 v63, v5;
	v52 =	vor.u32 v6, v5;
	v4 =	vor.u32 v4, v5;
	[tilespmem:$0x1FE80] =	vst v1;
	v1 =	vld [tilespmem:$0x1FFF0]  }
0xed: {  	v57 =	vld.idx.msk [tilespmem:v21+s5+$0x0], $0xffff;
	[tilespmem:$0x1FE50] =	vst v4;
	v4 =	vor.u32 v46, v5;
	v5 =	vmul.f32 v11, v0  }
0xee: {  	v35 =	vor.u32 v47, v7;
	v61 =	vmov v36;
	v36 =	vor.u32 v63, v2;
	v30 =	vld.idx.msk [tilespmem:v30+s5+$0x0], $0xffff  }
0xef: {  	v24 =	vld.idx.msk [tilespmem:v56+s13+$0x0], $0xffff;
	v48 =	vmul.f32 v48, v0;
	[tilespmem:$0x1FD90] =	vst v5;
	v3 =	vor.u32 v3, v2  }
0xf0: {  	v21 =	vor.u32 v62, v2;
	v8 =	vmul.f32 v8, v0;
	v46 =	vor.u32 v13, v7;
	[tilespmem:$0x1FD30] =	vst v3;
	v3 =	vld [tilespmem:$0x1FFF0]  }
0xf1: {  	v5 =	vmul.f32 v12, v0;
	v12 =	vmul.f32 v20, v0;
	v1 =	vor.u32 v1, v7;
	v7 =	vld.idx.msk [tilespmem:v39+s5+$0x0], $0xffff  }
0xf2: {  	v37 =	vmul.f32 v9, v0;
	[tilespmem:$0x1FE60] =	vst v4;
	v20 =	vld.idx.msk [tilespmem:v50+s5+$0x0], $0xffff;
	v50 =	vmul.f32 v57, v53  }
0xf3: {  	v4 =	vor.u32 v13, v2;
	v57 =	vmul.f32 v58, v53;
	v58 =	vmul.f32 v59, v53;
	[tilespmem:$0x1FEA0] =	vst v12  }
0xf4: {  	v62 =	vld [tilespmem:$0x1FCE0];
	v12 =	vor.u32 v63, v56;
	v39 =	vor.u32 v55, v2;
	[tilespmem:$0x1FE90] =	vst v1;
	v1 =	vor.u32 v47, v2  }
0xf5: {  	v19 =	vld.idx.msk [tilespmem:v19+s5+$0x0], $0xffff;
	v3 =	vor.u32 v3, v2;
	v2 =	vmul.f32 v10, v0;
	v10 =	vor.u32 v55, v56  }
0xf6: {  	v59 =	vmul.f32 v60, v53;
	v60 =	vmul.f32 v7, v53;
	v7 =	vld [tilespmem:$0x1FFF0]  }
0xf7: {  	v9 =	vld.idx.msk [tilespmem:v45+s5+$0x0], $0xffff;
	[tilespmem:$0x1FDB0] =	vst v5;
	v5 =	vmul.f32 v23, v0;
	v23 =	vmul.f32 v26, v0  }
0xf8: {  	v0 =	vmul.f32 v27, v0;
	v27 =	vld.idx.msk [tilespmem:v52+s5+$0x0], $0xffff;
	[tilespmem:$0x1FD60] =	vst v2;
	v2 =	vor.u32 v55, v40  }
0xf9: {  	v52 =	vmul.f32 v28, v62;
	v28 =	vld.idx.msk [tilespmem:v12+s5+$0x0], $0xffff;
	v55 =	vmul.f32 v38, v62  }
0xfa: {  	v19 =	vmul.f32 v19, v62;
	[tilespmem:$0x1FEC0] =	vst v0;
	v0 =	vor.u32 v63, v40;
	v10 =	vld.idx.msk [tilespmem:v10+s5+$0x0], $0xffff  }
0xfb: {  	[tilespmem:$0x1FEE0] =	vst v55;
	v55 =	vor.u32 v7, v40;
	v7 =	vld.idx.msk [tilespmem:v36+s5+$0x0], $0xffff  }
0xfc: {  	v26 =	vor.u32 v47, v40;
	v36 =	vor.u32 v47, v56;
	v47 =	vmov v19;
	v19 =	vld [tilespmem:$0x1FCF0]  }
0xfd: {  	v45 =	vmul.f32 v30, v62;
	v30 =	vld.idx.msk [tilespmem:v2+s5+$0x0], $0xffff  }
0xfe: {  	v38 =	vld.idx.msk [tilespmem:v39+s5+$0x0], $0xffff  }
0xff: {  	v0 =	vld.idx.msk [tilespmem:v0+s5+$0x0], $0xffff  }
0x100: {  	v22 =	vld.idx.msk [tilespmem:v22+s5+$0x0], $0xffff;
	v48 =	vadd.f32 v48, v61;
	v10 =	vmul.f32 v10, v24  }
0x101: {  	v25 =	vld.idx.msk [tilespmem:v25+s5+$0x0], $0xffff;
	v28 =	vmul.f32 v28, v24;
	v8 =	vadd.f32 v8, v19  }
0x102: {  	v11 =	vld.idx.msk [tilespmem:v49+s5+$0x0], $0xffff;
	v49 =	vmul.f32 v29, v62;
	v30 =	vmul.f32 v30, v18;
	v10 =	vadd.f32 v10, v48  }
0x103: {  	v43 =	vld.idx.msk [tilespmem:v43+s5+$0x0], $0xffff;
	v61 =	vmul.f32 v38, v17;
	v48 =	vor.u32 v14, v56;
	v8 =	vadd.f32 v28, v8  }
0x104: {  	v29 =	vld.idx.msk [tilespmem:v54+s5+$0x0], $0xffff;
	v28 =	vmul.f32 v0, v18;
	v0 =	vmul.f32 v9, v15;
	v9 =	vadd.f32 v30, v10  }
0x105: {  	v12 =	vld [tilespmem:$0x1FF50]  }
0x106: {  	v63 =	vld [tilespmem:$0x1FFE0];
	v30 =	vmul.f32 v33, v16;
	v9 =	vadd.f32 v61, v9  }
0x107: {  	v2 =	vld [tilespmem:$0x1FF60]  }
0x108: {  	v9 =	vadd.f32 v30, v9;
	v30 =	vld.idx.msk [tilespmem:v48+s5+$0x0], $0xffff  }
0x109: {  	v54 =	vmul.f32 v25, v62;
	v25 =	vmul.f32 v32, v62;
	v48 =	vmov v3;
	v3 =	vld [tilespmem:$0x1FD10]  }
0x10a: {  	[tilespmem:$0x1FEB0] =	vst v23;
	v23 =	vld.idx.msk [tilespmem:v51+s5+$0x0], $0xffff  }
0x10b: {  	v51 =	vmul.f32 v22, v62;
	v22 =	vor.u32 v13, v40;
	[tilespmem:$0x1FED0] =	vst v25;
	v25 =	vor.u32 v14, v40  }
0x10c: {  	v1 =	vld.idx.msk [tilespmem:v1+s5+$0x0], $0xffff;
	v32 =	vor.u32 v12, v40;
	v12 =	vor.u32 v6, v40;
	v63 =	vor.u32 v63, v40  }
0x10d: {  	v2 =	vor.u32 v2, v40;
	v40 =	vmul.f32 v42, v53;
	v42 =	vmul.f32 v43, v15  }
0x10e: {  	v8 =	vadd.f32 v28, v8;
	v28 =	vld.idx.msk [tilespmem:v4+s5+$0x0], $0xffff  }
0x10f: {  	v31 =	vmul.f32 v31, v53;
	v14 =	vmul.f32 v27, v15;
	v4 =	vld [tilespmem:$0x1FF50];
	v27 =	vadd.f32 v42, v9  }
0x110: {  	v34 =	vld.idx.msk [tilespmem:v34+s5+$0x0], $0xffff;
	v39 =	vmul.f32 v20, v15  }
0x111: {  	v20 =	vmul.f32 v23, v15;
	v23 =	vmul.f32 v1, v17;
	v1 =	vadd.f32 v31, v27;
	v27 =	vld.idx.msk [tilespmem:v3+s5+$0x0], $0xffff  }
0x112: {  	v3 =	vld [tilespmem:$0x1FD20]  }
0x113: {  	v44 =	vld.idx.msk [tilespmem:v44+s5+$0x0], $0xffff  }
0x114: {  	v7 =	vmul.f32 v7, v17;
	v10 =	vor.u32 v4, v56;
	v4 =	vld [tilespmem:$0x1FF60];
	_ =	sdelay $0x1  }
0x115: {  	v38 =	vmul.f32 v11, v15;
	v11 =	vmul.f32 v34, v16;
	v8 =	vadd.f32 v7, v8;
	_ =	sdelay $0x1  }
0x116: {  	v44 =	vmul.f32 v44, v15;
	v11 =	vadd.f32 v11, v8  }
0x117: {  	v8 =	vor.u32 v4, v56;
	v4 =	vld [tilespmem:$0x1FD60]  }
0x118: {  	v61 =	vmul.f32 v29, v15;
	v29 =	vadd.f32 v44, v11;
	v11 =	vmul.f32 v28, v17;
	v28 =	vld.idx.msk [tilespmem:v3+s5+$0x0], $0xffff  }
0x119: {  	v3 =	vld [tilespmem:$0x1FD50]  }
0x11a: {  	v43 =	vor.u32 v13, v56;
	_ =	sdelay $0x2  }
0x11b: {  	v34 =	vld.idx.msk [tilespmem:v36+s5+$0x0], $0xffff  }
0x11c: {  	v3 =	vadd.f32 v4, v3;
	v4 =	vld [tilespmem:$0x1FD70]  }
0x11d: {  	v36 =	vld.idx.msk [tilespmem:v43+s5+$0x0], $0xffff;
	_ =	sdelay $0x4  }
0x11e: {  	v19 =	vmul.f32 v36, v24;
	v36 =	vadd.f32 v51, v1;
	v1 =	vld [tilespmem:$0x1FD40]  }
0x11f: {  	v51 =	vmov v5;
	v5 =	vld [tilespmem:$0x1FD90]  }
0x120: {  	v31 =	vadd.f32 v50, v29;
	v50 =	vmov v54;
	v54 =	vmov v21;
	v21 =	vld.idx.msk [tilespmem:v4+s5+$0x0], $0xffff  }
0x121: {  	v4 =	vld [tilespmem:$0x1FD80];
	_ =	sdelay $0x4  }
0x122: {  	v1 =	vadd.f32 v37, v1;
	v37 =	vadd.f32 v5, v4;
	v4 =	vld [tilespmem:$0x1FDA0]  }
0x123: {  	v5 =	vld [tilespmem:$0x1FDB0];
	_ =	sdelay $0x3  }
0x124: {  	v35 =	vld.idx.msk [tilespmem:v35+s5+$0x0], $0xffff  }
0x125: {  	v43 =	vadd.f32 v49, v31;
	v31 =	vadd.f32 v5, v4;
	v4 =	vld [tilespmem:$0x1FDD0]  }
0x126: {  	v26 =	vld.idx.msk [tilespmem:v26+s5+$0x0], $0xffff  }
0x127: {  	v41 =	vld.idx.msk [tilespmem:v41+s5+$0x0], $0xffff  }
0x128: {  	v46 =	vld.idx.msk [tilespmem:v46+s5+$0x0], $0xffff  }
0x129: {  	v33 =	vld.idx.msk [tilespmem:v22+s5+$0x0], $0xffff  }
0x12a: {  	v42 =	vld.idx.msk [tilespmem:v25+s5+$0x0], $0xffff  }
0x12b: {  	v25 =	vmul.f32 v26, v18;
	v26 =	vld.idx.msk [tilespmem:v32+s5+$0x0], $0xffff  }
0x12c: {  	v44 =	vld [tilespmem:$0x1FFE0]  }
0x12d: {  	v5 =	vld.idx.msk [tilespmem:v4+s5+$0x0], $0xffff  }
0x12e: {  	v4 =	vadd.f32 v19, v3;
	v3 =	vld [tilespmem:$0x1FE00]  }
0x12f: {  	v22 =	vmul.f32 v35, v16;
	v35 =	vld.idx.msk [tilespmem:v10+s5+$0x0], $0xffff  }
0x130: {  	v29 =	vmul.f32 v33, v18;
	v33 =	vld [tilespmem:$0x1FD00]  }
0x131: {  	p0 =	slt.u32 s24, $0x78;
	v10 =	vmul.f32 v46, v16;
	v46 =	vld [tilespmem:$0x1FFF0]  }
.Ltmp4:
0x132: {  	v7 =	vor.u32 v6, v56;
	v6 =	vmul.f32 v42, v18;
	v42 =	vld [tilespmem:$0x1FDF0];
	(pc) =	sbr.rel @p0 .LBB2_3-.Ltmp4, $4  }
0x133: {  	v34 =	vmul.f32 v34, v24;
	v49 =	vld [tilespmem:$0x1FD30]  }
0x134: {  	v32 =	vmul.f32 v35, v24;
	v35 =	vld [tilespmem:$0x1FDC0]  }
0x135: {  	v41 =	vmul.f32 v41, v53;
	v1 =	vadd.f32 v34, v1;
	v34 =	vld [tilespmem:$0x1FDE0]  }
0x136: {  	s24 =	sadd.s32 $0x8, s24;
	v30 =	vmul.f32 v30, v24;
	v9 =	vor.u32 v44, v56;
	v56 =	vor.u32 v46, v56;
	v3 =	vld.idx.msk [tilespmem:v3+s5+$0x0], $0xffff  }
0x137: {  	_ =	sdelay $0x2  }
0x138: {  	v13 =	vadd.f32 v32, v31;
	v32 =	vmul.f32 v26, v18;
	v26 =	vld [tilespmem:$0x1FEF0]  }
0x139: {  	v9 =	vld.idx.msk [tilespmem:v9+s5+$0x0], $0xffff  }
0x13a: {  	v4 =	vadd.f32 v29, v4;
	v31 =	vld [tilespmem:$0x1FED0]  }
0x13b: {  	v19 =	vadd.f32 v30, v37;
	v30 =	vld.idx.msk [tilespmem:v56+s5+$0x0], $0xffff  }
0x13c: {  	v4 =	vadd.f32 v11, v4;
	v11 =	vld.idx.msk [tilespmem:v12+s5+$0x0], $0xffff  }
0x13d: {  	v1 =	vadd.f32 v25, v1;
	v25 =	vadd.f32 v32, v13;
	v13 =	vmul.f32 v28, v17;
	v28 =	vld.idx.msk [tilespmem:v8+s5+$0x0], $0xffff  }
0x13e: {  	v37 =	vmul.f32 v27, v17;
	v32 =	vld.idx.msk [tilespmem:v2+s5+$0x0], $0xffff;
	v6 =	vadd.f32 v6, v19  }
0x13f: {  	v25 =	vadd.f32 v13, v25;
	v13 =	vld [tilespmem:$0x1FE70];
	v4 =	vadd.f32 v10, v4  }
0x140: {  	v1 =	vadd.f32 v23, v1;
	v6 =	vadd.f32 v37, v6;
	v37 =	vld [tilespmem:$0x1FEE0]  }
0x141: {  	v27 =	vadd.f32 v38, v4;
	v4 =	vld.idx.msk [tilespmem:v7+s5+$0x0], $0xffff  }
0x142: {  	v1 =	vadd.f32 v22, v1;
	v38 =	vld.idx.msk [tilespmem:v63+s5+$0x0], $0xffff  }
0x143: {  	v5 =	vmul.f32 v5, v16;
	v7 =	vmul.f32 v28, v24;
	v28 =	vld.idx.msk [tilespmem:v48+s5+$0x0], $0xffff  }
0x144: {  	v21 =	vmul.f32 v21, v16;
	v0 =	vadd.f32 v0, v1;
	v8 =	vmul.f32 v32, v18;
	v32 =	vld [tilespmem:$0x1FE90]  }
0x145: {  	v5 =	vadd.f32 v5, v25;
	v10 =	vld.idx.msk [tilespmem:v26+s5+$0x0], $0xffff  }
0x146: {  	s24 =	smul.u32 $0xA0, s23;
	v6 =	vadd.f32 v21, v6;
	v0 =	vadd.f32 v57, v0;
	v57 =	vld.idx.msk [tilespmem:v54+s5+$0x0], $0xffff  }
0x147: {  	v5 =	vadd.f32 v20, v5;
	v29 =	vadd.f32 v58, v27;
	v58 =	vld [tilespmem:$0x1FEC0]  }
0x148: {  	s29 =	sadd.s32 $0x20, s24;
	v3 =	vmul.f32 v3, v16;
	v9 =	vmul.f32 v9, v24;
	v1 =	vadd.f32 v50, v0;
	v50 =	vld [tilespmem:$0x1FEA0]  }
0x149: {  	v25 =	vmov s29;
	v6 =	vadd.f32 v39, v6;
	v5 =	vadd.f32 v60, v5;
	v60 =	vld.idx.msk [tilespmem:v49+s5+$0x0], $0xffff  }
0x14a: {  	v20 =	vmul.f32 v30, v24;
	v27 =	vmul.f32 v11, v18;
	v12 =	vadd.f32 v31, v29;
	v29 =	vld [tilespmem:$0x1FE80]  }
0x14b: {  	v39 =	vadd.f32 v51, v33;
	v49 =	vld [tilespmem:$0x1FE30];
	v6 =	vadd.f32 v59, v6;
	v4 =	vmul.f32 v4, v24  }
0x14c: {  	v0 =	vadd.f32 v52, v5;
	v52 =	vld.idx.msk [tilespmem:v55+s5+$0x0], $0xffff;
	v5 =	vmul.f32 v38, v18;
	v11 =	vmul.f32 v28, v17  }
0x14d: {  	v55 =	vld [tilespmem:$0x1FEB0];
	v23 =	vtrunc.f32 v1;
	v26 =	vtrunc.f32 v12;
	v2 =	vadd.f32 v37, v6  }
0x14e: {  	v59 =	vadd.f32 v58, v34;
	v33 =	vmul.f32 v10, v17;
	v34 =	vmul.f32 v57, v17  }
0x14f: {  	v19 =	vld.idx.msk [tilespmem:v13+s5+$0x0], $0xffff;
	v4 =	vadd.f32 v4, v39;
	v58 =	vtrunc.f32 v36;
	v24 =	vcvt.f32.s32 v23  }
0x150: {  	v28 =	vcvt.f32.s32 v26;
	v10 =	vcvt.f32.s32 v58;
	v51 =	vadd.f32 v50, v42  }
0x151: {  	v37 =	vld [tilespmem:$0x1FE50];
	v20 =	vadd.f32 v20, v59;
	v4 =	vadd.f32 v27, v4;
	v39 =	vmul.f32 v60, v17  }
0x152: {  	v42 =	vld [tilespmem:$0x1FE60];
	v60 =	vmov s24;
	v10 =	vshll.u32 v10, $0x11;
	v56 =	vadd.f32 v55, v35  }
0x153: {  	s31 =	sadd.s32 $0x40, s24;
	v63 =	vadd.f32 v7, v51;
	v31 =	vmul.f32 v52, v18;
	v7 =	vld.idx.msk [tilespmem:v32+s5+$0x0], $0xffff;
	v4 =	vadd.f32 v33, v4  }
0x154: {  	s30 =	sadd.s32 $0x30, s24;
	v48 =	vmul.f32 v19, v16;
	v33 =	vmov s31;
	v30 =	vld.idx.msk [tilespmem:v29+s5+$0x0], $0xffff;
	v9 =	vadd.f32 v9, v56  }
0x155: {  	s29 =	sadd.s32 $0x70, s24;
	v17 =	vld.idx.msk [tilespmem:v49+s5+$0x0], $0xffff;
	v29 =	vmov s30;
	v6 =	vadd.f32 v8, v63;
	v35 =	vadd.f32 v31, v20  }
0x156: {  	s25 =	sor.u32 $0x10, s24;
	v51 =	vld [tilespmem:$0x1FE40];
	v49 =	vmov s29;
	v3 =	vadd.f32 v3, v4;
	v5 =	vadd.f32 v5, v9  }
0x157: {  	v63 =	vld [tilespmem:$0x1FF70];
	v20 =	vmov s25;
	v6 =	vadd.f32 v34, v6;
	v9 =	vadd.f32 v11, v35  }
0x158: {  	v22 =	vld [tilespmem:$0x1FE20];
	v3 =	vadd.f32 v14, v3;
	v34 =	vtrunc.f32 v0;
	v7 =	vmul.f32 v7, v16  }
0x159: {  	v38 =	vld.idx.msk [tilespmem:v37+s5+$0x0], $0xffff;
	v37 =	vcvt.f32.s32 v34;
	v5 =	vadd.f32 v39, v5;
	v50 =	vmul.f32 v30, v16  }
0x15a: {  	s28 =	sadd.s32 $0x60, s24;
	v57 =	vld [tilespmem:$0xA180];
	v52 =	vadd.f32 v48, v6;
	v56 =	vmul.f32 v17, v53;
	v3 =	vadd.f32 v41, v3  }
0x15b: {  	v8 =	vld.idx.msk [tilespmem:v42+s5+$0x0], $0xffff;
	v30 =	vtrunc.f32 v2;
	v42 =	vmov s28;
	v54 =	vadd.f32 v7, v9  }
0x15c: {  	v11 =	vsub.s32 v63, v60;
	v9 =	vshll.u32 v24, $0x11;
	v32 =	vcvt.f32.s32 v30  }
0x15d: {  	v21 =	vld [tilespmem:$0x1FE10];
	v5 =	vadd.f32 v50, v5;
	v4 =	vadd.f32 v61, v52;
	v61 =	vtrunc.f32 v43  }
0x15e: {  	v16 =	vld.idx.msk [tilespmem:v51+s5+$0x0], $0xffff;
	v10 =	vor.u32 v11, v10;
	v11 =	vsub.s32 v63, v20;
	v3 =	vadd.f32 v47, v3  }
0x15f: {  	s26 =	sadd.s32 $0x50, s24;
	v55 =	vmul.f32 v38, v15;
	v14 =	vcvt.f32.s32 v61;
	vm0 =	vgt.s32 v57, v10  }
0x160: {  	v38 =	vmov s26;
	v4 =	vadd.f32 v40, v4;
	v7 =	vsel vm0, v57, v10  }
0x161: {  	v39 =	vtrunc.f32 v3;
	v8 =	vmul.f32 v8, v15;
	v14 =	vshll.u32 v14, $0x11  }
0x162: {  	v10 =	vld.idx.msk [tilespmem:v22+s5+$0x0], $0xffff;
	v5 =	vadd.f32 v55, v5;
	v41 =	vcvt.f32.s32 v39;
	v11 =	vor.u32 v11, v14  }
0x163: {  	v4 =	vadd.f32 v45, v4;
	v6 =	vadd.f32 v8, v54;
	v59 =	vmul.f32 v16, v53  }
0x164: {  	s30 =	sadd.s32 $0x80, s24;
	v5 =	vadd.f32 v56, v5;
	vm0 =	vgt.s32 v7, v11;
	v8 =	vsub.s32 v63, v25  }
0x165: {  	v15 =	vld.idx.msk [tilespmem:v21+s5+$0x0], $0xffff;
	v54 =	vmov s30;
	v7 =	vsel vm0, v7, v11;
	v8 =	vor.u32 v8, v9  }
0x166: {  	v9 =	vshll.u32 v28, $0x11;
	v11 =	vsub.s32 v63, v29;
	v45 =	vtrunc.f32 v4  }
0x167: {  	v57 =	vsub.s32 v63, v54;
	v6 =	vadd.f32 v59, v6;
	v10 =	vmul.f32 v10, v62  }
0x168: {  	vm0 =	vgt.s32 v7, v8;
	v31 =	vor.u32 v11, v9;
	v9 =	vshll.u32 v32, $0x11  }
0x169: {  	v11 =	vsub.s32 v63, v33;
	v48 =	vcvt.f32.s32 v45;
	v7 =	vsel vm0, v7, v8  }
0x16a: {  	v27 =	vmul.f32 v15, v62;
	v35 =	vor.u32 v11, v9;
	vm0 =	vgt.s32 v7, v31  }
0x16b: {  	v9 =	vshll.u32 v37, $0x11;
	v11 =	vsub.s32 v63, v38;
	v7 =	vsel vm0, v7, v31  }
0x16c: {  	v40 =	vor.u32 v11, v9;
	v9 =	vshll.u32 v41, $0x11;
	vm0 =	vgt.s32 v7, v35  }
0x16d: {  	v11 =	vsub.s32 v63, v42;
	v5 =	vadd.f32 v27, v5;
	v7 =	vsel vm0, v7, v35  }
0x16e: {  	[tilespmem:$0xA000] =	vst v36;
	v6 =	vadd.f32 v10, v6;
	v10 =	vsub.s32 v63, v49;
	vm0 =	vgt.s32 v7, v40  }
0x16f: {  	[tilespmem:$0xA010] =	vst v43;
	v47 =	vor.u32 v11, v9;
	v50 =	vtrunc.f32 v5;
	v7 =	vsel vm0, v7, v40  }
0x170: {  	[tilespmem:$0xA020] =	vst v1;
	v9 =	vshll.u32 v48, $0x11;
	v53 =	vcvt.f32.s32 v50;
	vm0 =	vgt.s32 v7, v47  }
0x171: {  	[tilespmem:$0xA030] =	vst v12;
	v52 =	vor.u32 v10, v9;
	v55 =	vtrunc.f32 v6;
	v51 =	vsel vm0, v7, v47  }
0x172: {  	s31 =	sadd.s32 $0x90, s24;
	[tilespmem:$0xA040] =	vst v2;
	v58 =	vcvt.f32.s32 v55;
	v56 =	vshll.u32 v53, $0x11;
	vm0 =	vgt.s32 v51, v52  }
0x173: {  	v61 =	vmov s31;
	[tilespmem:$0xA050] =	vst v0;
	v60 =	vor.u32 v57, v56;
	v59 =	vsel vm0, v51, v52  }
0x174: {  	[tilespmem:$0xA060] =	vst v3;
	v2 =	vsub.s32 v63, v61;
	v62 =	vshll.u32 v58, $0x11;
	vm0 =	vgt.s32 v59, v60  }
0x175: {  	[tilespmem:$0xA070] =	vst v4;
	v63 =	vor.u32 v2, v62;
	v0 =	vsel vm0, v59, v60  }
0x176: {  	[tilespmem:$0xA090] =	vst v6;
	vm0 =	vgt.s32 v0, v63  }
0x177: {  	s24 =	sshrl.u32 s24, $0x3;
	[tilespmem:$0xA080] =	vst v5;
	v0 =	vsel vm0, v0, v63  }
0x178: {  	s24 =	sadd.s32 s4, s24;
	[tilespmem:$0xA180] =	vst v0  }
0x179: {  	[hbm4b:s24+s5] =	stream.linear.scatter [tilespmem:s17], [sflag:$0x3], $0xA0, $0x38;
	[tilespmem:$0xA200] =	vst v63  }
0x17a: {  	s24 =	sadd.s32 s9, s22  }
0x17b: {  	p0 =	sgt.u32 s24, $0x270  }
0x17c: {  	_ =	swait.ge [sflag:s14], $0xA0;
	s24 =	smul.u32 @!p0 $0xA00, s24  }
0x17d: {  	s23 =	sor.u32 $0x20, s23;
	[sflag:s14] =	ssyncset.done $0x0  }
0x17e: {  	s25 =	simm.s32 @!p0 $0x0;
	[sflag:s14] =	ssyncadd.s32 $0xFFFFFF60;
	s24 =	sadd.s32 @!p0 s2, s24  }
0x17f: {  	[tilespmem:s25], [sflag:$0x1] =	stream.linear.gather @!p0 [hbm4b:s24+s25], $0x5000, $0x38;
	[tilespmem:$0xA200] =	vst v63  }
0x180: {  	p0 =	sgt.u32 s23, $0x270  }
.Ltmp5:
0x181: {  	_ = 	snop;
	(pc) =	sbr.rel @p0 .LBB2_8-.Ltmp5, $1  }
0x182: {  	_ =	sdelay $0x3  }
0x183: {  	_ =	swait.ge [sflag:s18], $0x5000  }
0x184: {  	v39 =	vld [tilespmem:$0x1FF50]  }
0x185: {  	s24 =	simm.s32 $0x0;
	v9 =	vlaneseq.u32  }
0x186: {  	s31 =	simm.s32 $0x7;
	v0 =	vadd.s32 s24, v9  }
0x187: {  	v1 =	vand.u32 $0x7F, v0;
	v0 =	vadd.s32 s31, v9  }
0x188: {  	v50 =	vld [tilespmem:$0x1FF80];
	v3 =	vand.u32 $0x7F, v0  }
0x189: {  	v51 =	vld [tilespmem:$0x1FF90];
	v28 =	vor.u32 v39, v3  }
0x18a: {  	v58 =	vld [tilespmem:$0x1FFA0]  }
0x18b: {  	s25 =	simm.s32 $0x6;
	v59 =	vld [tilespmem:$0x1FFB0]  }
0x18c: {  	s30 =	simm.s32 $0x2;
	v2 =	vadd.s32 s25, v9;
	[sflag:s18] =	ssyncset.done $0x0;
	v13 =	vld [tilespmem:$0x1FFC0]  }
0x18d: {  	v8 =	vadd.s32 s30, v9;
	v14 =	vld [tilespmem:$0x1FFD0];
	v4 =	vand.u32 $0x7F, v2;
	[sflag:s18] =	ssyncadd.s32 $0xFFFFB000  }
0x18e: {  	v33 =	vand.u32 $0x7F, v8;
	v57 =	vld.idx.msk [tilespmem:v28+s15+$0x0], $0xffff;
	v28 =	vor.u32 v44, v4  }
0x18f: {  	s26 =	simm.s32 $0x5;
	s28 =	simm.s32 $0x4;
	[tilespmem:$0x1FBC0] =	vst v28;
	v28 =	vld [tilespmem:$0x1FF50]  }
0x190: {  	s29 =	simm.s32 $0x3;
	v42 =	vld [tilespmem:$0x1FF60];
	v2 =	vadd.s32 s28, v9;
	v0 =	vadd.s32 s26, v9  }
0x191: {  	v6 =	vadd.s32 s29, v9;
	v7 =	vand.u32 $0x7F, v2;
	v5 =	vand.u32 $0x7F, v0;
	v0 =	vld.idx.msk [tilespmem:v1+s13+$0x0], $0xffff  }
0x192: {  	v2 =	vand.u32 $0x7F, v6;
	v53 =	vld.idx.msk [tilespmem:v4+s13+$0x0], $0xffff  }
0x193: {  	v21 =	vor.u32 v44, v1;
	v18 =	vld.idx.msk [tilespmem:v33+s13+$0x0], $0xffff  }
0x194: {  	s31 =	simm.s32 $0x1;
	v52 =	vor.u32 v28, v5;
	v28 =	vld [tilespmem:$0x1FF60]  }
0x195: {  	v6 =	vadd.s32 s31, v9;
	v61 =	vld.idx.msk [tilespmem:v3+s13+$0x0], $0xffff  }
0x196: {  	v31 =	vand.u32 $0x7F, v6;
	v16 =	vld.idx.msk [tilespmem:v7+s13+$0x0], $0xffff  }
0x197: {  	v6 =	vor.u32 v50, v1;
	v17 =	vld.idx.msk [tilespmem:v2+s13+$0x0], $0xffff  }
0x198: {  	v8 =	vor.u32 v51, v1;
	v21 =	vld.idx.msk [tilespmem:v21+s15+$0x0], $0xffff  }
0x199: {  	v34 =	vor.u32 v44, v3;
	v9 =	vor.u32 v58, v1;
	v54 =	vor.u32 v28, v5;
	v28 =	vld [tilespmem:$0x1FFE0]  }
0x19a: {  	[tilespmem:$0x1FBA0] =	vst v34;
	v10 =	vor.u32 v59, v1;
	v11 =	vor.u32 v13, v1;
	v15 =	vld.idx.msk [tilespmem:v5+s13+$0x0], $0xffff  }
0x19b: {  	v12 =	vor.u32 v39, v1;
	v19 =	vor.u32 v14, v1;
	v20 =	vor.u32 v42, v1;
	v24 =	vld.idx.msk [tilespmem:v31+s13+$0x0], $0xffff  }
0x19c: {  	v22 =	vor.u32 v50, v3;
	v23 =	vor.u32 v51, v3;
	v25 =	vor.u32 v58, v3;
	v6 =	vld.idx.msk [tilespmem:v6+s15+$0x0], $0xffff  }
0x19d: {  	v26 =	vor.u32 v59, v3;
	v27 =	vor.u32 v13, v3;
	v29 =	vor.u32 v14, v3;
	v8 =	vld.idx.msk [tilespmem:v8+s15+$0x0], $0xffff  }
0x19e: {  	v30 =	vor.u32 v42, v3;
	v32 =	vor.u32 v50, v4;
	v9 =	vld.idx.msk [tilespmem:v9+s15+$0x0], $0xffff;
	v28 =	vor.u32 v28, v5  }
0x19f: {  	v34 =	vor.u32 v51, v4;
	v35 =	vor.u32 v58, v4;
	v38 =	vor.u32 v13, v4;
	[tilespmem:$0x1FBE0] =	vst v28;
	v28 =	vld [tilespmem:$0x1FFF0]  }
0x1a0: {  	v39 =	vor.u32 v39, v4;
	v41 =	vor.u32 v14, v4;
	v47 =	vor.u32 v42, v4;
	v10 =	vld.idx.msk [tilespmem:v10+s15+$0x0], $0xffff  }
0x1a1: {  	v43 =	vor.u32 v50, v5;
	v48 =	vor.u32 v59, v5;
	v3 =	vor.u32 v46, v3;
	v11 =	vld.idx.msk [tilespmem:v11+s15+$0x0], $0xffff  }
0x1a2: {  	v49 =	vor.u32 v13, v5;
	v60 =	vor.u32 v14, v5;
	[tilespmem:$0x1FBB0] =	vst v3;
	v12 =	vld.idx.msk [tilespmem:v12+s15+$0x0], $0xffff  }
0x1a3: {  	v3 =	vor.u32 v59, v4;
	v19 =	vld.idx.msk [tilespmem:v19+s15+$0x0], $0xffff;
	v44 =	vor.u32 v51, v5;
	v4 =	vor.u32 v46, v4  }
0x1a4: {  	[tilespmem:$0x1FBD0] =	vst v4;
	v4 =	vor.u32 v58, v5;
	v5 =	vor.u32 v28, v5;
	v28 =	vor.u32 v13, v7  }
0x1a5: {  	[tilespmem:$0x1FC90] =	vst v28;
	v28 =	vld [tilespmem:$0x1FF50]  }
0x1a6: {  	v20 =	vld.idx.msk [tilespmem:v20+s15+$0x0], $0xffff  }
0x1a7: {  	v22 =	vld.idx.msk [tilespmem:v22+s15+$0x0], $0xffff  }
0x1a8: {  	v23 =	vld.idx.msk [tilespmem:v23+s15+$0x0], $0xffff  }
0x1a9: {  	v25 =	vld.idx.msk [tilespmem:v25+s15+$0x0], $0xffff  }
0x1aa: {  	v36 =	vor.u32 v50, v31;
	v26 =	vld.idx.msk [tilespmem:v26+s15+$0x0], $0xffff;
	v28 =	vor.u32 v28, v7  }
0x1ab: {  	v37 =	vor.u32 v51, v31;
	v27 =	vld.idx.msk [tilespmem:v27+s15+$0x0], $0xffff;
	[tilespmem:$0x1FCC0] =	vst v28;
	v28 =	vor.u32 v14, v7  }
0x1ac: {  	v40 =	vor.u32 v50, v33;
	[tilespmem:$0x1FCD0] =	vst v28;
	v28 =	vld [tilespmem:$0x1FF60]  }
0x1ad: {  	v29 =	vld.idx.msk [tilespmem:v29+s15+$0x0], $0xffff  }
0x1ae: {  	v42 =	vor.u32 v51, v33;
	v30 =	vld.idx.msk [tilespmem:v30+s15+$0x0], $0xffff  }
0x1af: {  	v45 =	vor.u32 v50, v2;
	v36 =	vld.idx.msk [tilespmem:v36+s15+$0x0], $0xffff  }
0x1b0: {  	v63 =	vor.u32 v51, v2;
	v37 =	vld.idx.msk [tilespmem:v37+s15+$0x0], $0xffff  }
0x1b1: {  	v1 =	vor.u32 v46, v1;
	v40 =	vld.idx.msk [tilespmem:v40+s15+$0x0], $0xffff;
	[tilespmem:$0x1FBF0] =	vst v5;
	v28 =	vor.u32 v28, v7  }
0x1b2: {  	v5 =	vor.u32 v51, v7;
	[tilespmem:$0x1FC00] =	vst v28;
	v28 =	vld [tilespmem:$0x1FFE0]  }
0x1b3: {  	v42 =	vld.idx.msk [tilespmem:v42+s15+$0x0], $0xffff  }
0x1b4: {  	v62 =	vimm.f32 $0.0e+00;
	v50 =	vor.u32 v50, v7;
	v45 =	vld.idx.msk [tilespmem:v45+s15+$0x0], $0xffff  }
0x1b5: {  	v55 =	vor.u32 v58, v7;
	v63 =	vld.idx.msk [tilespmem:v63+s15+$0x0], $0xffff;
	v21 =	vmul.f32 v21, v0;
	v8 =	vmul.f32 v8, v0  }
0x1b6: {  	v56 =	vor.u32 v59, v7;
	v1 =	vld.idx.msk [tilespmem:v1+s15+$0x0], $0xffff;
	v6 =	vmul.f32 v6, v0;
	v36 =	vmul.f32 v36, v24  }
0x1b7: {  	v37 =	vmul.f32 v37, v24;
	v8 =	vadd.f32 v8, v62;
	v5 =	vld.idx.msk [tilespmem:v5+s15+$0x0], $0xffff;
	v28 =	vor.u32 v28, v7  }
0x1b8: {  	v40 =	vmul.f32 v40, v18;
	v11 =	vmul.f32 v11, v0;
	v6 =	vadd.f32 v6, v62;
	[tilespmem:$0x1FC10] =	vst v28;
	v28 =	vld [tilespmem:$0x1FFF0]  }
0x1b9: {  	v42 =	vmul.f32 v42, v18;
	v12 =	vmul.f32 v12, v0;
	v8 =	vadd.f32 v37, v8;
	v37 =	vld.idx.msk [tilespmem:v50+s15+$0x0], $0xffff  }
0x1ba: {  	v9 =	vmul.f32 v9, v0;
	[tilespmem:$0x1FCA0] =	vst v11;
	v11 =	vmul.f32 v63, v17;
	v6 =	vadd.f32 v36, v6  }
0x1bb: {  	[tilespmem:$0x1FCB0] =	vst v12;
	v12 =	vmul.f32 v19, v0;
	v19 =	vmul.f32 v20, v0;
	v8 =	vadd.f32 v42, v8  }
0x1bc: {  	v32 =	vld.idx.msk [tilespmem:v32+s15+$0x0], $0xffff;
	v10 =	vmul.f32 v10, v0;
	v50 =	vmul.f32 v45, v17;
	v6 =	vadd.f32 v40, v6  }
0x1bd: {  	[tilespmem:$0x1FC40] =	vst v19;
	v8 =	vadd.f32 v11, v8;
	v5 =	vmul.f32 v5, v16;
	v7 =	vor.u32 v28, v7  }
0x1be: {  	v6 =	vadd.f32 v50, v6;
	v19 =	vmul.f32 v37, v16;
	[tilespmem:$0x1FC20] =	vst v7;
	v7 =	vld.idx.msk [tilespmem:v43+s15+$0x0], $0xffff  }
0x1bf: {  	v34 =	vld.idx.msk [tilespmem:v34+s15+$0x0], $0xffff;
	v0 =	vmul.f32 v1, v0;
	v1 =	vadd.f32 v5, v8;
	v5 =	vor.u32 v59, v31  }
0x1c0: {  	v63 =	vld.idx.msk [tilespmem:v44+s15+$0x0], $0xffff;
	v6 =	vadd.f32 v19, v6;
	v19 =	vor.u32 v58, v31  }
0x1c1: {  	v46 =	vld.idx.msk [tilespmem:v35+s15+$0x0], $0xffff  }
0x1c2: {  	v35 =	vld [tilespmem:$0x1FF50]  }
0x1c3: {  	[tilespmem:$0x1FC30] =	vst v12;
	v12 =	vld.idx.msk [tilespmem:v38+s15+$0x0], $0xffff;
	v7 =	vmul.f32 v7, v15  }
0x1c4: {  	v22 =	vmul.f32 v22, v61;
	v50 =	vmul.f32 v25, v61;
	v5 =	vld.idx.msk [tilespmem:v5+s15+$0x0], $0xffff  }
0x1c5: {  	v25 =	vmul.f32 v32, v53;
	v19 =	vld.idx.msk [tilespmem:v19+s15+$0x0], $0xffff;
	v8 =	vmul.f32 v63, v15;
	v6 =	vadd.f32 v7, v6  }
0x1c6: {  	v3 =	vld.idx.msk [tilespmem:v3+s15+$0x0], $0xffff;
	[tilespmem:$0x1FC50] =	vst v21;
	v51 =	vmul.f32 v27, v61;
	v27 =	vmul.f32 v34, v53  }
0x1c7: {  	v4 =	vld.idx.msk [tilespmem:v4+s15+$0x0], $0xffff;
	v1 =	vadd.f32 v8, v1;
	v6 =	vadd.f32 v25, v6;
	v25 =	vor.u32 v59, v33  }
0x1c8: {  	v21 =	vld.idx.msk [tilespmem:v41+s15+$0x0], $0xffff;
	v23 =	vmul.f32 v23, v61;
	v20 =	vor.u32 v59, v2;
	v10 =	vadd.f32 v10, v62  }
0x1c9: {  	v44 =	vld [tilespmem:$0x1FFE0];
	[tilespmem:$0x1FC60] =	vst v0;
	v1 =	vadd.f32 v27, v1;
	v5 =	vmul.f32 v5, v24;
	v59 =	vmul.f32 v12, v53  }
0x1ca: {  	v0 =	vld.idx.msk [tilespmem:v47+s15+$0x0], $0xffff;
	v12 =	vmul.f32 v19, v24;
	v36 =	vadd.f32 v22, v6;
	v6 =	vadd.f32 v9, v62  }
0x1cb: {  	v26 =	vmul.f32 v26, v61;
	v47 =	vmul.f32 v29, v61;
	v29 =	vld.idx.msk [tilespmem:v60+s15+$0x0], $0xffff;
	v42 =	vadd.f32 v23, v1  }
0x1cc: {  	v1 =	vadd.f32 v12, v6;
	v12 =	vmul.f32 v4, v15;
	v4 =	vadd.f32 v5, v10;
	v5 =	vld.idx.msk [tilespmem:v25+s15+$0x0], $0xffff  }
0x1cd: {  	[tilespmem:$0x1FC70] =	vst v26;
	v26 =	vld.idx.msk [tilespmem:v52+s15+$0x0], $0xffff  }
0x1ce: {  	v41 =	vmul.f32 v21, v53;
	v11 =	vld.idx.msk [tilespmem:v39+s15+$0x0], $0xffff  }
0x1cf: {  	v40 =	vor.u32 v58, v2;
	v52 =	vmul.f32 v57, v61;
	v57 =	vmul.f32 v46, v53;
	v46 =	vld [tilespmem:$0x1FFF0]  }
0x1d0: {  	v21 =	vld.idx.msk [tilespmem:v20+s15+$0x0], $0xffff;
	v37 =	vor.u32 v13, v2;
	v8 =	vor.u32 v58, v33;
	v27 =	vor.u32 v13, v33  }
0x1d1: {  	v9 =	vor.u32 v13, v31;
	v13 =	vmul.f32 v29, v15;
	v29 =	vmul.f32 v5, v18;
	v5 =	vld [tilespmem:$0x1FC90]  }
0x1d2: {  	v58 =	vmul.f32 v3, v53;
	v3 =	vld.idx.msk [tilespmem:v54+s15+$0x0], $0xffff;
	v22 =	vor.u32 v35, v31  }
0x1d3: {  	v60 =	vmul.f32 v11, v53;
	v11 =	vld.idx.msk [tilespmem:v55+s15+$0x0], $0xffff  }
0x1d4: {  	v23 =	vld.idx.msk [tilespmem:v40+s15+$0x0], $0xffff  }
0x1d5: {  	v8 =	vld.idx.msk [tilespmem:v8+s15+$0x0], $0xffff  }
0x1d6: {  	v7 =	vld.idx.msk [tilespmem:v48+s15+$0x0], $0xffff  }
0x1d7: {  	v54 =	vmul.f32 v3, v15;
	v3 =	vld.idx.msk [tilespmem:v22+s15+$0x0], $0xffff  }
0x1d8: {  	v45 =	vmul.f32 v30, v61;
	v30 =	vld.idx.msk [tilespmem:v9+s15+$0x0], $0xffff;
	v9 =	vmul.f32 v11, v16  }
0x1d9: {  	v11 =	vmul.f32 v23, v17;
	v23 =	vmul.f32 v21, v17;
	v21 =	vld.idx.msk [tilespmem:v5+s15+$0x0], $0xffff  }
0x1da: {  	v5 =	vld [tilespmem:$0x1FCA0]  }
0x1db: {  	v34 =	vld.idx.msk [tilespmem:v27+s15+$0x0], $0xffff  }
0x1dc: {  	v40 =	vmul.f32 v0, v53;
	v0 =	vor.u32 v14, v2;
	v32 =	vmul.f32 v3, v24;
	v3 =	vld [tilespmem:$0x1FCC0]  }
0x1dd: {  	[tilespmem:$0x1FC80] =	vst v0;
	v0 =	vor.u32 v14, v33;
	v27 =	vld.idx.msk [tilespmem:v37+s15+$0x0], $0xffff  }
0x1de: {  	v43 =	vld [tilespmem:$0x1FF60];
	v39 =	vmul.f32 v7, v15;
	v7 =	vor.u32 v14, v31;
	v14 =	vimm.f32 $0.0e+00  }
0x1df: {  	v37 =	vadd.f32 v5, v14;
	v5 =	vld [tilespmem:$0x1FCB0];
	_ =	sdelay $0x3  }
0x1e0: {  	v38 =	vld.idx.msk [tilespmem:v49+s15+$0x0], $0xffff;
	v55 =	vor.u32 v46, v31;
	v25 =	vmul.f32 v8, v18  }
0x1e1: {  	v8 =	vor.u32 v43, v31;
	v22 =	vor.u32 v44, v31;
	v31 =	vadd.f32 v5, v14;
	v5 =	vld.idx.msk [tilespmem:v3+s15+$0x0], $0xffff  }
0x1e2: {  	v6 =	vor.u32 v35, v33;
	v3 =	vld [tilespmem:$0x1FCD0];
	_ =	sdelay $0x1  }
0x1e3: {  	v28 =	vor.u32 v35, v2;
	v19 =	vld.idx.msk [tilespmem:v56+s15+$0x0], $0xffff;
	_ =	sdelay $0x1  }
0x1e4: {  	v49 =	vor.u32 v44, v2;
	v38 =	vmul.f32 v38, v15  }
0x1e5: {  	v20 =	vmul.f32 v26, v15;
	v63 =	vor.u32 v44, v33;
	v48 =	vor.u32 v46, v2;
	v26 =	vld.idx.msk [tilespmem:v6+s15+$0x0], $0xffff  }
0x1e6: {  	v56 =	vor.u32 v43, v2;
	v2 =	vor.u32 v43, v33;
	v62 =	vor.u32 v46, v33  }
0x1e7: {  	v28 =	vld.idx.msk [tilespmem:v28+s15+$0x0], $0xffff;
	v35 =	vimm.f32 $0.0e+00;
	v33 =	vimm.f32 $0.0e+00;
	v10 =	vmul.f32 v19, v16  }
0x1e8: {  	s24 =	simm.s32 $0x8;
	v6 =	vmul.f32 v34, v18;
	v34 =	vimm.f32 $0.0e+00;
	v30 =	vmul.f32 v30, v24;
	v3 =	vld.idx.msk [tilespmem:v3+s15+$0x0], $0xffff  }
.LBB2_6:
0x1e9: {  	_ = 	snop  }
0x1ea: {  	v26 =	vmul.f32 v26, v18;
	v19 =	vadd.f32 v30, v37;
	v30 =	vadd.f32 v32, v31;
	_ =	sdelay $0x1  }
0x1eb: {  	v6 =	vadd.f32 v6, v19;
	v19 =	vadd.f32 v26, v30;
	v26 =	vmul.f32 v28, v17;
	_ =	sdelay $0x1  }
0x1ec: {  	v5 =	vmul.f32 v5, v16;
	v19 =	vadd.f32 v26, v19;
	_ =	sdelay $0x1  }
0x1ed: {  	v5 =	vadd.f32 v5, v19;
	_ =	sdelay $0x1  }
0x1ee: {  	v5 =	vadd.f32 v20, v5;
	_ =	sdelay $0x1  }
0x1ef: {  	v5 =	vadd.f32 v60, v5;
	_ =	sdelay $0x1  }
0x1f0: {  	v5 =	vadd.f32 v52, v5  }
0x1f1: {  	v0 =	vld.idx.msk [tilespmem:v0+s15+$0x0], $0xffff  }
0x1f2: {  	v1 =	vadd.f32 v25, v1;
	[tilespmem:$0x1FB40] =	vst v5;
	v5 =	vld [tilespmem:$0x1FC30]  }
0x1f3: {  	v2 =	vld.idx.msk [tilespmem:v2+s15+$0x0], $0xffff  }
0x1f4: {  	v7 =	vld.idx.msk [tilespmem:v7+s15+$0x0], $0xffff;
	v1 =	vadd.f32 v11, v1  }
0x1f5: {  	v8 =	vld.idx.msk [tilespmem:v8+s15+$0x0], $0xffff;
	v25 =	vmul.f32 v27, v17  }
0x1f6: {  	v31 =	vld [tilespmem:$0x1FC00];
	v4 =	vadd.f32 v29, v4;
	v1 =	vadd.f32 v9, v1  }
0x1f7: {  	v11 =	vmul.f32 v21, v16;
	v6 =	vadd.f32 v25, v6;
	v5 =	vadd.f32 v5, v14;
	v14 =	vld [tilespmem:$0x1FC50]  }
0x1f8: {  	v27 =	vld [tilespmem:$0x1FC80];
	v1 =	vadd.f32 v12, v1  }
0x1f9: {  	v28 =	vld.idx.msk [tilespmem:v56+s15+$0x0], $0xffff;
	v4 =	vadd.f32 v23, v4;
	v6 =	vadd.f32 v11, v6  }
0x1fa: {  	v21 =	vld.idx.msk [tilespmem:v62+s15+$0x0], $0xffff;
	v1 =	vadd.f32 v57, v1  }
0x1fb: {  	v4 =	vadd.f32 v10, v4;
	v10 =	vld.idx.msk [tilespmem:v22+s15+$0x0], $0xffff;
	v6 =	vadd.f32 v38, v6  }
0x1fc: {  	v1 =	vadd.f32 v50, v1;
	v23 =	vadd.f32 v14, v34;
	v14 =	vld [tilespmem:$0x1FC60]  }
0x1fd: {  	v22 =	vld.idx.msk [tilespmem:v49+s15+$0x0], $0xffff  }
0x1fe: {  	v6 =	vadd.f32 v59, v6;
	[tilespmem:$0x1FAE0] =	vst v1;
	v1 =	vld [tilespmem:$0x1FC70]  }
0x1ff: {  	v4 =	vadd.f32 v39, v4;
	v12 =	vld.idx.msk [tilespmem:v55+s15+$0x0], $0xffff  }
0x200: {  	v31 =	vld.idx.msk [tilespmem:v31+s15+$0x0], $0xffff;
	v6 =	vadd.f32 v51, v6  }
0x201: {  	v4 =	vadd.f32 v58, v4;
	v25 =	vadd.f32 v14, v33;
	v14 =	vld [tilespmem:$0x1FC20]  }
0x202: {  	[tilespmem:$0x1FB20] =	vst v6;
	v6 =	vld [tilespmem:$0x1FC40]  }
0x203: {  	v27 =	vld.idx.msk [tilespmem:v27+s15+$0x0], $0xffff;
	v1 =	vadd.f32 v1, v4  }
0x204: {  	v7 =	vmul.f32 v7, v24;
	v20 =	vld.idx.msk [tilespmem:v63+s15+$0x0], $0xffff  }
0x205: {  	[tilespmem:$0x1FB00] =	vst v1;
	v1 =	vmul.f32 v8, v24;
	v8 =	vmul.f32 v10, v24;
	v10 =	vld [tilespmem:$0x1FC10]  }
0x206: {  	v0 =	vmul.f32 v0, v18;
	v4 =	vld.idx.msk [tilespmem:v48+s15+$0x0], $0xffff;
	v5 =	vadd.f32 v7, v5  }
0x207: {  	v6 =	vadd.f32 v6, v35;
	v7 =	vld [tilespmem:$0x1FBE0]  }
0x208: {  	v2 =	vmul.f32 v2, v18;
	v12 =	vmul.f32 v12, v24;
	v0 =	vadd.f32 v0, v5;
	v5 =	vld [tilespmem:$0x1FBC0]  }
0x209: {  	v11 =	vmul.f32 v27, v17;
	v1 =	vadd.f32 v1, v6;
	v6 =	vmul.f32 v20, v18;
	v24 =	vld.idx.msk [tilespmem:v14+s15+$0x0], $0xffff  }
0x20a: {  	v18 =	vmul.f32 v21, v18;
	v8 =	vadd.f32 v8, v23;
	v12 =	vadd.f32 v12, v25;
	v14 =	vld [tilespmem:$0x1FBF0]  }
0x20b: {  	v0 =	vadd.f32 v11, v0;
	v11 =	vld [tilespmem:$0x1FBA0]  }
0x20c: {  	v4 =	vmul.f32 v4, v17;
	v6 =	vadd.f32 v6, v8;
	v8 =	vadd.f32 v18, v12;
	v12 =	vld [tilespmem:$0x1FBD0]  }
0x20d: {  	v10 =	vld.idx.msk [tilespmem:v10+s15+$0x0], $0xffff  }
0x20e: {  	v4 =	vadd.f32 v4, v8;
	v8 =	vld [tilespmem:$0x1FBB0]  }
0x20f: {  	v19 =	vmul.f32 v28, v17;
	v1 =	vadd.f32 v2, v1;
	v7 =	vld.idx.msk [tilespmem:v7+s15+$0x0], $0xffff  }
0x210: {  	v3 =	vmul.f32 v3, v16;
	v2 =	vmul.f32 v22, v17  }
0x211: {  	v9 =	vmul.f32 v31, v16;
	v1 =	vadd.f32 v19, v1;
	v5 =	vld.idx.msk [tilespmem:v5+s15+$0x0], $0xffff  }
0x212: {  	v0 =	vadd.f32 v3, v0;
	v2 =	vadd.f32 v2, v6;
	v10 =	vmul.f32 v10, v16;
	v20 =	vld.idx.msk [tilespmem:v14+s15+$0x0], $0xffff  }
0x213: {  	v1 =	vadd.f32 v9, v1;
	v11 =	vld.idx.msk [tilespmem:v11+s15+$0x0], $0xffff  }
0x214: {  	v0 =	vadd.f32 v13, v0;
	v3 =	vmul.f32 v7, v15;
	v2 =	vadd.f32 v10, v2;
	v12 =	vld.idx.msk [tilespmem:v12+s15+$0x0], $0xffff  }
0x215: {  	v1 =	vadd.f32 v54, v1;
	v6 =	vmul.f32 v24, v16  }
0x216: {  	v0 =	vadd.f32 v41, v0;
	v5 =	vmul.f32 v5, v53;
	v2 =	vadd.f32 v3, v2;
	v8 =	vld.idx.msk [tilespmem:v8+s15+$0x0], $0xffff  }
0x217: {  	v1 =	vadd.f32 v40, v1;
	v4 =	vadd.f32 v6, v4;
	v6 =	vmul.f32 v20, v15  }
0x218: {  	v0 =	vadd.f32 v47, v0;
	v2 =	vadd.f32 v5, v2  }
0x219: {  	v3 =	vadd.f32 v6, v4;
	v4 =	vmul.f32 v12, v53;
	v6 =	vmul.f32 v11, v61  }
0x21a: {  	[tilespmem:$0x1FA90] =	vst v0;
	v0 =	vadd.f32 v45, v1  }
0x21b: {  	v3 =	vadd.f32 v4, v3;
	v4 =	vmul.f32 v8, v61;
	v1 =	vadd.f32 v6, v2;
	_ =	sdelay $0x1  }
0x21c: {  	s26 =	sadd.s32 $0x6, s24;
	s29 =	sadd.s32 $0x3, s24;
	v62 =	vld [tilespmem:$0x1FF80];
	v9 =	vlaneseq.u32;
	[tilespmem:$0x1FB80] =	vst v1;
	v1 =	vadd.f32 v4, v3  }
0x21d: {  	s25 =	sadd.s32 $0x7, s24;
	[tilespmem:$0x1FB60] =	vst v0;
	v0 =	vadd.s32 s24, v9;
	v2 =	vadd.s32 s26, v9;
	v6 =	vadd.s32 s29, v9  }
0x21e: {  	s31 =	sadd.s32 $0x5, s24;
	s28 =	sadd.s32 $0x4, s24;
	v4 =	vand.u32 $0x7F, v2;
	[tilespmem:$0x1FAA0] =	vst v1;
	v1 =	vand.u32 $0x7F, v0;
	v0 =	vadd.s32 s25, v9  }
0x21f: {  	v2 =	vadd.s32 s28, v9;
	v3 =	vand.u32 $0x7F, v0;
	v0 =	vadd.s32 s31, v9;
	s31 =	sadd.s32 $0x1, s24  }
0x220: {  	v56 =	vld [tilespmem:$0x1FFA0];
	v7 =	vand.u32 $0x7F, v2;
	v2 =	vand.u32 $0x7F, v6;
	v6 =	vadd.s32 s31, v9  }
0x221: {  	v63 =	vld [tilespmem:$0x1FF90];
	v55 =	vand.u32 $0x7F, v6;
	v6 =	vor.u32 v62, v1  }
0x222: {  	v48 =	vld [tilespmem:$0x1FF60]  }
0x223: {  	s30 =	sadd.s32 $0x2, s24;
	v13 =	vld [tilespmem:$0x1FFC0]  }
0x224: {  	v47 =	vld [tilespmem:$0x1FF50];
	v8 =	vadd.s32 s30, v9  }
0x225: {  	v14 =	vld [tilespmem:$0x1FFB0];
	v40 =	vand.u32 $0x7F, v8  }
0x226: {  	v37 =	vld.idx.msk [tilespmem:v6+s15+$0x0], $0xffff  }
0x227: {  	v6 =	vld [tilespmem:$0x1FFD0];
	_ =	sdelay $0x1  }
0x228: {  	v31 =	vor.u32 v62, v4;
	v35 =	vor.u32 v56, v4;
	v8 =	vor.u32 v63, v1  }
0x229: {  	v10 =	vor.u32 v14, v1;
	v11 =	vor.u32 v13, v1;
	v12 =	vor.u32 v47, v1;
	v18 =	vld.idx.msk [tilespmem:v40+s13+$0x0], $0xffff  }
0x22a: {  	v20 =	vor.u32 v48, v1;
	v21 =	vor.u32 v44, v1;
	v5 =	vand.u32 $0x7F, v0;
	v53 =	vld.idx.msk [tilespmem:v4+s13+$0x0], $0xffff  }
0x22b: {  	v9 =	vor.u32 v56, v1;
	v0 =	vld.idx.msk [tilespmem:v1+s13+$0x0], $0xffff;
	v19 =	vor.u32 v6, v1;
	v1 =	vor.u32 v46, v1  }
0x22c: {  	[tilespmem:$0x1FA80] =	vst v42;
	v42 =	vor.u32 v48, v4;
	v16 =	vld.idx.msk [tilespmem:v7+s13+$0x0], $0xffff  }
0x22d: {  	v33 =	vor.u32 v62, v7;
	v17 =	vld.idx.msk [tilespmem:v2+s13+$0x0], $0xffff  }
0x22e: {  	v34 =	vor.u32 v63, v7;
	v31 =	vld.idx.msk [tilespmem:v31+s15+$0x0], $0xffff  }
0x22f: {  	v58 =	vld.idx.msk [tilespmem:v35+s15+$0x0], $0xffff  }
0x230: {  	v27 =	vld.idx.msk [tilespmem:v1+s15+$0x0], $0xffff;
	v1 =	vor.u32 v13, v3  }
0x231: {  	v42 =	vld.idx.msk [tilespmem:v42+s15+$0x0], $0xffff  }
0x232: {  	v33 =	vld.idx.msk [tilespmem:v33+s15+$0x0], $0xffff  }
0x233: {  	v34 =	vld.idx.msk [tilespmem:v34+s15+$0x0], $0xffff  }
0x234: {  	v61 =	vld.idx.msk [tilespmem:v3+s13+$0x0], $0xffff  }
0x235: {  	v38 =	vld.idx.msk [tilespmem:v1+s15+$0x0], $0xffff;
	v1 =	vor.u32 v46, v3  }
0x236: {  	v8 =	vld.idx.msk [tilespmem:v8+s15+$0x0], $0xffff;
	[tilespmem:$0x1FBB0] =	vst v1;
	v1 =	vor.u32 v14, v4  }
0x237: {  	v10 =	vld.idx.msk [tilespmem:v10+s15+$0x0], $0xffff  }
0x238: {  	v11 =	vld.idx.msk [tilespmem:v11+s15+$0x0], $0xffff  }
0x239: {  	v12 =	vld.idx.msk [tilespmem:v12+s15+$0x0], $0xffff  }
0x23a: {  	v26 =	vld.idx.msk [tilespmem:v21+s15+$0x0], $0xffff  }
0x23b: {  	v21 =	vor.u32 v14, v3;
	v59 =	vld.idx.msk [tilespmem:v1+s15+$0x0], $0xffff;
	v1 =	vor.u32 v13, v7  }
0x23c: {  	v23 =	vld.idx.msk [tilespmem:v19+s15+$0x0], $0xffff;
	v19 =	vor.u32 v63, v3;
	[tilespmem:$0x1FB10] =	vst v1;
	v1 =	vor.u32 v47, v7  }
0x23d: {  	v20 =	vld.idx.msk [tilespmem:v20+s15+$0x0], $0xffff;
	[tilespmem:$0x1FB70] =	vst v1;
	v1 =	vor.u32 v6, v7  }
0x23e: {  	v22 =	vor.u32 v62, v3;
	v15 =	vld.idx.msk [tilespmem:v5+s13+$0x0], $0xffff;
	[tilespmem:$0x1FB90] =	vst v1;
	v1 =	vor.u32 v48, v7  }
0x23f: {  	v25 =	vor.u32 v56, v3;
	[tilespmem:$0x1FC00] =	vst v1;
	v1 =	vld [tilespmem:$0x1FFE0]  }
0x240: {  	v28 =	vor.u32 v47, v3;
	v30 =	vor.u32 v48, v3;
	v32 =	vld.idx.msk [tilespmem:v21+s15+$0x0], $0xffff  }
0x241: {  	v21 =	vor.u32 v44, v3;
	v29 =	vld.idx.msk [tilespmem:v19+s15+$0x0], $0xffff;
	v19 =	vor.u32 v6, v3;
	v3 =	vor.u32 v13, v4  }
0x242: {  	v9 =	vld.idx.msk [tilespmem:v9+s15+$0x0], $0xffff  }
0x243: {  	v22 =	vld.idx.msk [tilespmem:v22+s15+$0x0], $0xffff  }
0x244: {  	v25 =	vld.idx.msk [tilespmem:v25+s15+$0x0], $0xffff;
	v1 =	vor.u32 v1, v7  }
0x245: {  	v60 =	vor.u32 v44, v4;
	[tilespmem:$0x1FC10] =	vst v1;
	v1 =	vld [tilespmem:$0x1FFF0]  }
0x246: {  	[tilespmem:$0x1FBC0] =	vst v60;
	v60 =	vld.idx.msk [tilespmem:v3+s15+$0x0], $0xffff  }
0x247: {  	v39 =	vor.u32 v47, v4;
	v3 =	vld [tilespmem:$0x1FF50]  }
0x248: {  	[tilespmem:$0x1FBA0] =	vst v21;
	v21 =	vor.u32 v63, v4;
	v41 =	vor.u32 v6, v4;
	v4 =	vor.u32 v46, v4  }
0x249: {  	v43 =	vor.u32 v62, v5;
	[tilespmem:$0x1FBD0] =	vst v4;
	v4 =	vld [tilespmem:$0x1FFE0]  }
0x24a: {  	v28 =	vld.idx.msk [tilespmem:v28+s15+$0x0], $0xffff;
	v44 =	vor.u32 v63, v5;
	v1 =	vor.u32 v1, v7  }
0x24b: {  	v30 =	vld.idx.msk [tilespmem:v30+s15+$0x0], $0xffff;
	[tilespmem:$0x1FC20] =	vst v1;
	v1 =	vor.u32 v13, v2  }
0x24c: {  	[tilespmem:$0x1FAB0] =	vst v1;
	v1 =	vor.u32 v3, v2;
	v3 =	vld [tilespmem:$0x1FFE0]  }
0x24d: {  	v45 =	vor.u32 v56, v5;
	v24 =	vld.idx.msk [tilespmem:v55+s13+$0x0], $0xffff  }
0x24e: {  	v49 =	vor.u32 v14, v5;
	v50 =	vor.u32 v13, v5;
	v43 =	vld.idx.msk [tilespmem:v43+s15+$0x0], $0xffff;
	v4 =	vor.u32 v4, v5  }
0x24f: {  	v51 =	vor.u32 v47, v5;
	v54 =	vor.u32 v48, v5;
	v44 =	vld.idx.msk [tilespmem:v44+s15+$0x0], $0xffff;
	[tilespmem:$0x1FBE0] =	vst v4  }
0x250: {  	v35 =	vor.u32 v56, v7;
	v57 =	vld.idx.msk [tilespmem:v21+s15+$0x0], $0xffff;
	[tilespmem:$0x1FAC0] =	vst v1;
	v1 =	vor.u32 v6, v2  }
0x251: {  	[tilespmem:$0x1FC80] =	vst v1;
	v1 =	vor.u32 v48, v2;
	v48 =	vmul.f32 v37, v0;
	v3 =	vor.u32 v3, v2  }
0x252: {  	v4 =	vor.u32 v46, v5;
	v37 =	vmul.f32 v10, v0;
	v10 =	vmul.f32 v11, v0;
	[tilespmem:$0x1FAD0] =	vst v3;
	v3 =	vld [tilespmem:$0x1FFF0]  }
0x253: {  	v8 =	vmul.f32 v8, v0;
	v52 =	vor.u32 v6, v5;
	v19 =	vld.idx.msk [tilespmem:v19+s15+$0x0], $0xffff;
	v47 =	vor.u32 v14, v2  }
0x254: {  	v46 =	vor.u32 v14, v7;
	[tilespmem:$0x1FB30] =	vst v10;
	v10 =	vmul.f32 v12, v0;
	v12 =	vmul.f32 v23, v0  }
0x255: {  	v5 =	vor.u32 v56, v2;
	[tilespmem:$0x1FBF0] =	vst v4;
	v4 =	vmov v36;
	v36 =	vor.u32 v63, v2;
	v7 =	vld.idx.msk [tilespmem:v39+s15+$0x0], $0xffff  }
0x256: {  	v39 =	vor.u32 v62, v2;
	v23 =	vmul.f32 v26, v0;
	[tilespmem:$0x1FC30] =	vst v12;
	v12 =	vmul.f32 v20, v0  }
0x257: {  	[tilespmem:$0x1FB50] =	vst v10;
	v3 =	vor.u32 v3, v2;
	v2 =	vmul.f32 v9, v0;
	v0 =	vmul.f32 v27, v0  }
0x258: {  	v21 =	vmul.f32 v29, v61;
	v29 =	vld.idx.msk [tilespmem:v54+s15+$0x0], $0xffff;
	v10 =	vor.u32 v62, v55;
	[tilespmem:$0x1FC40] =	vst v12  }
0x259: {  	v12 =	vor.u32 v63, v55;
	[tilespmem:$0x1FC60] =	vst v0;
	v0 =	vmul.f32 v32, v61;
	v32 =	vmul.f32 v57, v53  }
0x25a: {  	[tilespmem:$0x1FAF0] =	vst v2;
	v2 =	vor.u32 v62, v40;
	v57 =	vmul.f32 v58, v53;
	v58 =	vmul.f32 v59, v53  }
0x25b: {  	v59 =	vmul.f32 v60, v53;
	v60 =	vmul.f32 v7, v53;
	v7 =	vld [tilespmem:$0x1FFF0]  }
0x25c: {  	v26 =	vld.idx.msk [tilespmem:v51+s15+$0x0], $0xffff  }
0x25d: {  	v10 =	vld.idx.msk [tilespmem:v10+s15+$0x0], $0xffff  }
0x25e: {  	v12 =	vld.idx.msk [tilespmem:v12+s15+$0x0], $0xffff  }
0x25f: {  	v54 =	vmul.f32 v19, v61;
	v19 =	vmul.f32 v30, v61;
	v30 =	vld.idx.msk [tilespmem:v2+s15+$0x0], $0xffff  }
0x260: {  	v62 =	vor.u32 v7, v40;
	v7 =	vld.idx.msk [tilespmem:v36+s15+$0x0], $0xffff  }
0x261: {  	v27 =	vor.u32 v56, v40;
	v36 =	vor.u32 v56, v55;
	v56 =	vmov v1;
	v1 =	vld [tilespmem:$0x1FA80]  }
0x262: {  	v51 =	vmul.f32 v38, v61;
	v38 =	vld.idx.msk [tilespmem:v39+s15+$0x0], $0xffff  }
0x263: {  	v9 =	vld.idx.msk [tilespmem:v45+s15+$0x0], $0xffff  }
0x264: {  	v11 =	vld.idx.msk [tilespmem:v49+s15+$0x0], $0xffff;
	v49 =	vmul.f32 v22, v61;
	v48 =	vadd.f32 v48, v4;
	v10 =	vmul.f32 v10, v24  }
0x265: {  	v22 =	vor.u32 v14, v40;
	v4 =	vld [tilespmem:$0x1FF50];
	[tilespmem:$0x1FC50] =	vst v23;
	v23 =	vor.u32 v63, v40;
	v12 =	vmul.f32 v12, v24  }
0x266: {  	v63 =	vld [tilespmem:$0x1FFE0];
	v10 =	vadd.f32 v10, v48;
	v8 =	vadd.f32 v8, v1;
	v30 =	vmul.f32 v30, v18  }
0x267: {  	v38 =	vmul.f32 v38, v17;
	[tilespmem:$0x1FC70] =	vst v0;
	v0 =	vld [tilespmem:$0x1FF50];
	v48 =	vor.u32 v13, v55  }
0x268: {  	v2 =	vld [tilespmem:$0x1FF60];
	v8 =	vadd.f32 v12, v8;
	v12 =	vmul.f32 v9, v15;
	v9 =	vadd.f32 v30, v10  }
0x269: {  	v20 =	vld.idx.msk [tilespmem:v50+s15+$0x0], $0xffff  }
0x26a: {  	v45 =	vld.idx.msk [tilespmem:v52+s15+$0x0], $0xffff;
	v30 =	vmul.f32 v33, v16;
	v9 =	vadd.f32 v38, v9  }
0x26b: {  	v50 =	vmul.f32 v25, v61;
	v25 =	vor.u32 v13, v40;
	v33 =	vld.idx.msk [tilespmem:v22+s15+$0x0], $0xffff  }
0x26c: {  	v52 =	vmul.f32 v28, v61;
	v63 =	vor.u32 v63, v40;
	v22 =	vadd.f32 v30, v9;
	v30 =	vld.idx.msk [tilespmem:v48+s15+$0x0], $0xffff  }
0x26d: {  	v28 =	vor.u32 v0, v40;
	v0 =	vor.u32 v6, v40;
	v2 =	vor.u32 v2, v40;
	v48 =	vmovc v3;
	v3 =	vld [tilespmem:$0x1FAB0]  }
0x26e: {  	v23 =	vld.idx.msk [tilespmem:v23+s15+$0x0], $0xffff;
	v40 =	vmul.f32 v42, v53;
	v42 =	vmul.f32 v43, v15;
	v43 =	vor.u32 v14, v55  }
0x26f: {  	v27 =	vld.idx.msk [tilespmem:v27+s15+$0x0], $0xffff  }
0x270: {  	v1 =	vld.idx.msk [tilespmem:v5+s15+$0x0], $0xffff  }
0x271: {  	v39 =	vmul.f32 v11, v15;
	v11 =	vmul.f32 v34, v16;
	v34 =	vld.idx.msk [tilespmem:v36+s15+$0x0], $0xffff  }
0x272: {  	v10 =	vor.u32 v4, v55;
	v4 =	vld [tilespmem:$0x1FF60]  }
0x273: {  	v23 =	vmul.f32 v23, v18;
	v36 =	vld.idx.msk [tilespmem:v43+s15+$0x0], $0xffff  }
0x274: {  	v43 =	vld.idx.msk [tilespmem:v25+s15+$0x0], $0xffff  }
0x275: {  	v7 =	vmul.f32 v7, v17;
	v8 =	vadd.f32 v23, v8;
	v25 =	vmul.f32 v27, v18;
	v27 =	vld.idx.msk [tilespmem:v3+s15+$0x0], $0xffff  }
0x276: {  	v3 =	vld [tilespmem:$0x1FAC0]  }
0x277: {  	v8 =	vadd.f32 v7, v8  }
0x278: {  	v31 =	vmul.f32 v31, v53;
	v44 =	vmul.f32 v44, v15;
	v23 =	vld.idx.msk [tilespmem:v47+s15+$0x0], $0xffff  }
0x279: {  	v47 =	vmovc v54;
	v54 =	vmul.f32 v29, v15;
	v11 =	vadd.f32 v11, v8;
	v29 =	vadd.f32 v42, v22  }
0x27a: {  	v8 =	vor.u32 v4, v55;
	v4 =	vld [tilespmem:$0x1FB10]  }
0x27b: {  	v42 =	vadd.f32 v44, v11;
	v11 =	vmul.f32 v1, v17;
	v1 =	vadd.f32 v31, v29  }
0x27c: {  	v38 =	vmul.f32 v20, v15;
	v20 =	vmul.f32 v26, v15;
	v26 =	vld.idx.msk [tilespmem:v28+s15+$0x0], $0xffff  }
0x27d: {  	v13 =	vmul.f32 v45, v15;
	v45 =	vmovc v19;
	v19 =	vmul.f32 v36, v24;
	v36 =	vadd.f32 v49, v1;
	v1 =	vld [tilespmem:$0x1FAE0]  }
0x27e: {  	v28 =	vld.idx.msk [tilespmem:v3+s15+$0x0], $0xffff  }
0x27f: {  	v3 =	vld [tilespmem:$0x1FAF0]  }
0x280: {  	v31 =	vadd.f32 v32, v42  }
0x281: {  	v5 =	vld [tilespmem:$0x1FB30]  }
0x282: {  	v42 =	vadd.f32 v21, v31;
	v21 =	vld.idx.msk [tilespmem:v4+s15+$0x0], $0xffff  }
0x283: {  	v4 =	vld [tilespmem:$0x1FB20]  }
0x284: {  	v1 =	vadd.f32 v3, v1;
	v3 =	vld [tilespmem:$0x1FB00];
	_ =	sdelay $0x4  }
0x285: {  	v3 =	vadd.f32 v37, v3;
	v37 =	vadd.f32 v5, v4;
	v4 =	vld [tilespmem:$0x1FB40]  }
0x286: {  	v5 =	vld [tilespmem:$0x1FB50];
	_ =	sdelay $0x4  }
0x287: {  	v31 =	vadd.f32 v5, v4;
	v4 =	vld [tilespmem:$0x1FB70];
	_ =	sdelay $0x3  }
0x288: {  	v35 =	vld.idx.msk [tilespmem:v35+s15+$0x0], $0xffff  }
0x289: {  	v41 =	vld.idx.msk [tilespmem:v41+s15+$0x0], $0xffff  }
0x28a: {  	v46 =	vld.idx.msk [tilespmem:v46+s15+$0x0], $0xffff  }
0x28b: {  	v14 =	vld [tilespmem:$0x1FA90]  }
0x28c: {  	v5 =	vld.idx.msk [tilespmem:v4+s15+$0x0], $0xffff  }
0x28d: {  	v4 =	vadd.f32 v19, v3;
	v3 =	vld [tilespmem:$0x1FB90]  }
0x28e: {  	v9 =	vmul.f32 v35, v16;
	v35 =	vld.idx.msk [tilespmem:v10+s15+$0x0], $0xffff  }
0x28f: {  	v10 =	vmul.f32 v46, v16;
	v46 =	vld [tilespmem:$0x1FFF0]  }
0x290: {  	p0 =	slt.u32 s24, $0x78;
	v44 =	vld [tilespmem:$0x1FFE0]  }
.Ltmp6:
0x291: {  	v29 =	vmul.f32 v33, v18;
	v33 =	vld [tilespmem:$0x1FAA0];
	(pc) =	sbr.rel @p0 .LBB2_6-.Ltmp6, $4  }
0x292: {  	v34 =	vmul.f32 v34, v24;
	v49 =	vld [tilespmem:$0x1FAD0]  }
0x293: {  	v41 =	vmul.f32 v41, v53;
	v7 =	vor.u32 v6, v55;
	v32 =	vmul.f32 v35, v24;
	v35 =	vld [tilespmem:$0x1FB60]  }
0x294: {  	v23 =	vmul.f32 v23, v17;
	v6 =	vmul.f32 v43, v18;
	v1 =	vadd.f32 v34, v1;
	v34 =	vld [tilespmem:$0x1FB80]  }
0x295: {  	s24 =	sadd.s32 $0x8, s24;
	v30 =	vmul.f32 v30, v24;
	v22 =	vor.u32 v44, v55;
	v55 =	vor.u32 v46, v55;
	v3 =	vld.idx.msk [tilespmem:v3+s15+$0x0], $0xffff  }
0x296: {  	_ =	sdelay $0x3  }
0x297: {  	v43 =	vadd.f32 v32, v31;
	v31 =	vld.idx.msk [tilespmem:v55+s15+$0x0], $0xffff  }
0x298: {  	v4 =	vadd.f32 v29, v4;
	v56 =	vld.idx.msk [tilespmem:v56+s15+$0x0], $0xffff  }
0x299: {  	v32 =	vmul.f32 v26, v18;
	v19 =	vadd.f32 v30, v37;
	v30 =	vld.idx.msk [tilespmem:v22+s15+$0x0], $0xffff  }
0x29a: {  	v4 =	vadd.f32 v23, v4;
	v23 =	vld [tilespmem:$0x1FC00]  }
0x29b: {  	v1 =	vadd.f32 v25, v1;
	v25 =	vadd.f32 v32, v43;
	v43 =	vmul.f32 v28, v17;
	v28 =	vld.idx.msk [tilespmem:v8+s15+$0x0], $0xffff  }
0x29c: {  	v32 =	vld [tilespmem:$0x1FC70]  }
0x29d: {  	v1 =	vadd.f32 v11, v1;
	v11 =	vadd.f32 v43, v25;
	v25 =	vld [tilespmem:$0x1FC80]  }
0x29e: {  	v37 =	vmul.f32 v27, v17;
	v6 =	vadd.f32 v6, v19;
	v4 =	vadd.f32 v10, v4;
	v10 =	vld.idx.msk [tilespmem:v0+s15+$0x0], $0xffff  }
0x29f: {  	v1 =	vadd.f32 v9, v1;
	v43 =	vld [tilespmem:$0x1FC40]  }
0x2a0: {  	v5 =	vmul.f32 v5, v16;
	v6 =	vadd.f32 v37, v6;
	v37 =	vld.idx.msk [tilespmem:v2+s15+$0x0], $0xffff  }
0x2a1: {  	v21 =	vmul.f32 v21, v16;
	v26 =	vadd.f32 v12, v1;
	v27 =	vadd.f32 v39, v4;
	v4 =	vld.idx.msk [tilespmem:v7+s15+$0x0], $0xffff  }
0x2a2: {  	v5 =	vadd.f32 v5, v11;
	v39 =	vld [tilespmem:$0x1FC30]  }
0x2a3: {  	v6 =	vadd.f32 v21, v6;
	v0 =	vadd.f32 v57, v26;
	v57 =	vld [tilespmem:$0x1FC60]  }
0x2a4: {  	v26 =	vld [tilespmem:$0x1FC10]  }
0x2a5: {  	v5 =	vadd.f32 v20, v5;
	v6 =	vadd.f32 v38, v6;
	v38 =	vld.idx.msk [tilespmem:v63+s15+$0x0], $0xffff  }
0x2a6: {  	v3 =	vmul.f32 v3, v16;
	v29 =	vadd.f32 v58, v27;
	v63 =	vld.idx.msk [tilespmem:v48+s15+$0x0], $0xffff  }
0x2a7: {  	v11 =	vmul.f32 v30, v24;
	v7 =	vmul.f32 v28, v24;
	v19 =	vld.idx.msk [tilespmem:v23+s15+$0x0], $0xffff;
	v5 =	vadd.f32 v60, v5  }
0x2a8: {  	v20 =	vmul.f32 v31, v24;
	v1 =	vadd.f32 v50, v0;
	v12 =	vadd.f32 v32, v29;
	v29 =	vld [tilespmem:$0x1FC20]  }
0x2a9: {  	v50 =	vadd.f32 v43, v35;
	v8 =	vmul.f32 v37, v18;
	v37 =	vld [tilespmem:$0x1FBF0];
	v6 =	vadd.f32 v59, v6  }
0x2aa: {  	s23 =	smul.u32 $0xA0, s23;
	v31 =	vmul.f32 v56, v17;
	v4 =	vmul.f32 v4, v24;
	v59 =	vld.idx.msk [tilespmem:v49+s15+$0x0], $0xffff;
	v0 =	vadd.f32 v52, v5  }
0x2ab: {  	v52 =	vld [tilespmem:$0x1FC50];
	v60 =	vadd.f32 v7, v50;
	v23 =	vtrunc.f32 v1;
	v2 =	vadd.f32 v51, v6  }
0x2ac: {  	s30 =	sadd.s32 $0x20, s23;
	v6 =	vadd.f32 v39, v14;
	v51 =	vld.idx.msk [tilespmem:v62+s15+$0x0], $0xffff;
	v58 =	vadd.f32 v57, v33;
	v62 =	vmul.f32 v10, v18  }
0x2ad: {  	v9 =	vld.idx.msk [tilespmem:v25+s15+$0x0], $0xffff;
	v25 =	vmov s30;
	v24 =	vcvt.f32.s32 v23;
	v5 =	vmul.f32 v38, v18  }
0x2ae: {  	v49 =	vld [tilespmem:$0x1FBD0];
	v10 =	vmul.f32 v63, v17;
	v4 =	vadd.f32 v4, v6;
	v20 =	vadd.f32 v20, v58  }
0x2af: {  	s24 =	sor.u32 $0x10, s23;
	v33 =	vld [tilespmem:$0x1FBE0];
	v6 =	vadd.f32 v8, v60;
	v38 =	vmul.f32 v19, v16;
	v58 =	vtrunc.f32 v36  }
0x2b0: {  	v39 =	vld [tilespmem:$0x1FBC0];
	v60 =	vmov s23;
	v19 =	vmov s24;
	v35 =	vmul.f32 v59, v17  }
0x2b1: {  	v27 =	vld.idx.msk [tilespmem:v26+s15+$0x0], $0xffff;
	v26 =	vtrunc.f32 v12;
	v55 =	vadd.f32 v52, v34;
	v4 =	vadd.f32 v62, v4  }
0x2b2: {  	v30 =	vmul.f32 v9, v17;
	v6 =	vadd.f32 v31, v6;
	v62 =	vtrunc.f32 v42  }
0x2b3: {  	s31 =	sadd.s32 $0x30, s23;
	v63 =	vld [tilespmem:$0x1FF70];
	v9 =	vshll.u32 v24, $0x11;
	v28 =	vmul.f32 v51, v18;
	v14 =	vcvt.f32.s32 v62  }
0x2b4: {  	s26 =	sadd.s32 $0x50, s23;
	v7 =	vld.idx.msk [tilespmem:v29+s15+$0x0], $0xffff;
	v29 =	vmov s31;
	v11 =	vadd.f32 v11, v55;
	v4 =	vadd.f32 v30, v4  }
0x2b5: {  	s29 =	sadd.s32 $0x70, s23;
	v8 =	vld.idx.msk [tilespmem:v37+s15+$0x0], $0xffff;
	v51 =	vadd.f32 v38, v6;
	v30 =	vtrunc.f32 v2;
	v38 =	vmov s26  }
0x2b6: {  	v50 =	vld.idx.msk [tilespmem:v49+s15+$0x0], $0xffff;
	v49 =	vmov s29;
	v32 =	vadd.f32 v28, v20;
	v14 =	vshll.u32 v14, $0x11  }
0x2b7: {  	v28 =	vcvt.f32.s32 v26;
	v5 =	vadd.f32 v5, v11;
	v48 =	vmul.f32 v27, v16  }
0x2b8: {  	s25 =	sadd.s32 $0x40, s23;
	s30 =	sadd.s32 $0x80, s23;
	v34 =	vld.idx.msk [tilespmem:v33+s15+$0x0], $0xffff;
	v3 =	vadd.f32 v3, v4;
	v4 =	vadd.f32 v54, v51;
	v11 =	vsub.s32 v63, v60  }
0x2b9: {  	v43 =	vld.idx.msk [tilespmem:v39+s15+$0x0], $0xffff;
	v33 =	vmov s25;
	v54 =	vmov s30;
	v10 =	vadd.f32 v10, v32  }
0x2ba: {  	v20 =	vld [tilespmem:$0x1FBA0];
	v32 =	vcvt.f32.s32 v30;
	v5 =	vadd.f32 v35, v5;
	v7 =	vmul.f32 v7, v16  }
0x2bb: {  	v8 =	vmul.f32 v8, v15;
	v3 =	vadd.f32 v13, v3;
	v4 =	vadd.f32 v40, v4  }
0x2bc: {  	v59 =	vmul.f32 v50, v53;
	v5 =	vadd.f32 v48, v5;
	v52 =	vadd.f32 v7, v10  }
0x2bd: {  	v22 =	vld [tilespmem:$0x1FBB0];
	v10 =	vcvt.f32.s32 v58;
	v3 =	vadd.f32 v41, v3;
	v55 =	vmul.f32 v34, v15  }
0x2be: {  	s28 =	sadd.s32 $0x60, s23;
	v57 =	vld [tilespmem:$0xA180];
	v4 =	vadd.f32 v45, v4;
	v56 =	vmul.f32 v43, v53;
	v34 =	vtrunc.f32 v0  }
0x2bf: {  	v43 =	vmov s28;
	v6 =	vadd.f32 v8, v52;
	v10 =	vshll.u32 v10, $0x11  }
0x2c0: {  	v8 =	vsub.s32 v63, v25;
	v3 =	vadd.f32 v47, v3;
	v37 =	vcvt.f32.s32 v34  }
0x2c1: {  	v45 =	vtrunc.f32 v4;
	v5 =	vadd.f32 v55, v5;
	v10 =	vor.u32 v11, v10  }
0x2c2: {  	v21 =	vld.idx.msk [tilespmem:v20+s15+$0x0], $0xffff;
	v11 =	vsub.s32 v63, v19;
	v8 =	vor.u32 v8, v9;
	v9 =	vshll.u32 v28, $0x11  }
0x2c3: {  	v48 =	vcvt.f32.s32 v45;
	vm0 =	vgt.s32 v57, v10;
	v11 =	vor.u32 v11, v14  }
0x2c4: {  	v6 =	vadd.f32 v59, v6;
	v39 =	vtrunc.f32 v3;
	v7 =	vsel vm0, v57, v10  }
0x2c5: {  	v10 =	vld.idx.msk [tilespmem:v22+s15+$0x0], $0xffff;
	v5 =	vadd.f32 v56, v5;
	v41 =	vcvt.f32.s32 v39;
	vm0 =	vgt.s32 v7, v11  }
0x2c6: {  	v57 =	vsub.s32 v63, v54;
	v7 =	vsel vm0, v7, v11;
	v11 =	vsub.s32 v63, v29  }
0x2c7: {  	v27 =	vmul.f32 v21, v61;
	vm0 =	vgt.s32 v7, v8;
	v31 =	vor.u32 v11, v9  }
0x2c8: {  	v9 =	vshll.u32 v32, $0x11;
	v11 =	vsub.s32 v63, v33;
	v7 =	vsel vm0, v7, v8  }
0x2c9: {  	v35 =	vor.u32 v11, v9;
	v9 =	vshll.u32 v37, $0x11;
	vm0 =	vgt.s32 v7, v31  }
0x2ca: {  	v11 =	vsub.s32 v63, v38;
	v10 =	vmul.f32 v10, v61;
	v7 =	vsel vm0, v7, v31  }
0x2cb: {  	v40 =	vor.u32 v11, v9;
	v5 =	vadd.f32 v27, v5;
	vm0 =	vgt.s32 v7, v35  }
0x2cc: {  	v9 =	vshll.u32 v41, $0x11;
	v11 =	vsub.s32 v63, v43;
	v7 =	vsel vm0, v7, v35  }
0x2cd: {  	[tilespmem:$0xA000] =	vst v36;
	v47 =	vor.u32 v11, v9;
	v9 =	vshll.u32 v48, $0x11;
	vm0 =	vgt.s32 v7, v40  }
0x2ce: {  	[tilespmem:$0xA010] =	vst v42;
	v6 =	vadd.f32 v10, v6;
	v50 =	vtrunc.f32 v5;
	v7 =	vsel vm0, v7, v40  }
0x2cf: {  	[tilespmem:$0xA020] =	vst v1;
	v10 =	vsub.s32 v63, v49;
	v53 =	vcvt.f32.s32 v50;
	vm0 =	vgt.s32 v7, v47  }
0x2d0: {  	[tilespmem:$0xA030] =	vst v12;
	v52 =	vor.u32 v10, v9;
	v55 =	vtrunc.f32 v6;
	v51 =	vsel vm0, v7, v47  }
0x2d1: {  	s31 =	sadd.s32 $0x90, s23;
	[tilespmem:$0xA040] =	vst v2;
	v56 =	vshll.u32 v53, $0x11;
	v58 =	vcvt.f32.s32 v55;
	vm0 =	vgt.s32 v51, v52  }
0x2d2: {  	[tilespmem:$0xA050] =	vst v0;
	v61 =	vmov s31;
	v60 =	vor.u32 v57, v56;
	v59 =	vsel vm0, v51, v52  }
0x2d3: {  	[tilespmem:$0xA060] =	vst v3;
	v2 =	vsub.s32 v63, v61;
	v62 =	vshll.u32 v58, $0x11;
	vm0 =	vgt.s32 v59, v60  }
0x2d4: {  	[tilespmem:$0xA070] =	vst v4;
	v63 =	vor.u32 v2, v62;
	v0 =	vsel vm0, v59, v60  }
0x2d5: {  	[tilespmem:$0xA080] =	vst v5;
	vm0 =	vgt.s32 v0, v63  }
0x2d6: {  	s23 =	sshrl.u32 s23, $0x3;
	[tilespmem:$0xA090] =	vst v6;
	v0 =	vsel vm0, v0, v63  }
.Ltmp7:
0x2d7: {  	s23 =	sadd.s32 s4, s23;
	[tilespmem:$0xA180] =	vst v0;
	(pc) =	sbr.rel .LBB2_8-.Ltmp7, $4  }
0x2d8: {  	[hbm4b:s23+s5] =	stream.linear.scatter [tilespmem:s17], [sflag:$0x3], $0xA0, $0x38;
	[tilespmem:$0xA200] =	vst v63  }
0x2d9: {  	_ =	swait.ge [sflag:s14], $0xA0  }
0x2da: {  	[sflag:s14] =	ssyncset.done $0x0  }
0x2db: {  	[sflag:s14] =	ssyncadd.s32 $0xFFFFFF60  }
.LBB2_10:
0x2dc: {  	_ =	sfence.sel $0x180000  }
0x2dd: {  	[bflag:$0x0] =	sbarrier.arrive $0xFFFF  }
0x2de: {  	p0 =	sne.s32 s0, $0x0;
	_ =	strace $0x90000047  }
0x2df: {  	s0 =	sadd.s32 @!p0 $0x100000, s3;
	[bflag:$0x2] =	sbarrier.arrive $0xFFFF  }
0x2e0: {  	[sflag:s0] =	ssyncadd.tile.s32 @!p0 $0x1;
	_ =	shalt  }
.Lfunc_end2:
_tile_overlayer_lowered:
.L_overlay_start_2:
0x2e1: {  	(tag) =	ssettag $0x2  }
0x2e2: {  	s0 =	rddreg [dreg:$0x0];
	s2 =	stileid.u32  }
0x2e3: {  	s1 =	rddreg [dreg:$0x1];
	p0 =	sne.s32 s2, $0x0  }
0x2e4: {  	s3 =	rddreg [dreg:$0x2];
	[bflag:$0x3] =	sbarrier.arrive $0xFFFF;
	s2 =	simm.s32 @!p0 $0x1C03  }
0x2e5: {  	[timem:s3], [sflag:s2] =	dma.local @!p0 [hbm:s0], s1  }
0x2e6: {  	s0 =	simm.s32 @!p0 $0x3  }
0x2e7: {  	_ =	swait.ge @!p0 [sflag:s0], s1  }
0x2e8: {  	s1 =	ssub.s32 @!p0 $0x0, s1;
	[sflag:s0] =	ssyncset.done @!p0 $0x0  }
0x2e9: {  	[sflag:s0] =	ssyncadd.s32 @!p0 s1  }
0x2ea: {  	[bflag:$0x3] =	sbarrier.arrive $0xFFFF  }
0x2eb: {  	_ =	shalt  }

</sc_bundles>
